<compile_context>
chip_gen: v7x
topology: tpu7x:2x2x1
jax: 0.10.2.dev20260603
libtpu: 0.0.44.dev20260713+nightly
codegen_flags: <defaults>
</compile_context>

<pallas_src>
import jax
import jax.numpy as jnp
from jax import lax
from jax.experimental import pallas as pl
from jax.experimental.pallas import tpu as pltpu
from jax.experimental.pallas import tpu_sc as plsc

CHUNK = 128
BM = 1000
NBUF = 4
LOOK = 3



def _make_sc_scatter(n_tbl, n_pad, nchunk, feat, with_gather, nc, ns):
    rows16 = n_pad // ns
    n_init = rows16 // CHUNK
    mesh = plsc.VectorSubcoreMesh(core_axis_name="c", subcore_axis_name="s")
    fpl = feat // 16

    def body(*refs):
        if with_gather:
            (table_hbm, src_hbm, dst_hbm, out_hbm,
             src_v, dst_v, rows_v, bounce_v, acc_sh, gsems, ssems) = refs
        else:
            (dst_hbm, out_hbm,
             dst_v, rows_v, bounce_v, acc_sh, gsems, ssems) = refs
        cid = lax.axis_index("c")
        sid = lax.axis_index("s")
        wid = sid * nc + cid
        base = sid * rows16

        idx_copy = pltpu.make_async_copy(dst_hbm.at[wid], dst_v, gsems.at[0])
        idx_copy.start()
        if with_gather:
            src_copy = pltpu.make_async_copy(src_hbm.at[wid], src_v,
                                             gsems.at[1])
            src_copy.start()

        zero = jnp.zeros((16,), jnp.float32)

        def zfill(i, carry):
            for jj in range(fpl):
                rows_v[0, i, pl.ds(jj * 16, 16)] = zero
            return carry

        lax.fori_loop(0, CHUNK, zfill, 0)

        if with_gather:
            btile = n_tbl // rows16
            bfull = (n_tbl - btile * rows16) // CHUNK
            brem = n_tbl - btile * rows16 - bfull * CHUNK

            @pl.when(jnp.logical_and(cid == 0, sid < btile))
            def _():
                for c in range(n_init):
                    pltpu.sync_copy(
                        table_hbm.at[pl.ds(base + c * CHUNK, CHUNK)],
                        acc_sh.at[pl.ds(base + c * CHUNK, CHUNK)])

            @pl.when(jnp.logical_and(cid == 0, sid == btile))
            def _():
                b0 = btile * rows16
                for c in range(bfull):
                    pltpu.sync_copy(
                        table_hbm.at[pl.ds(b0 + c * CHUNK, CHUNK)],
                        acc_sh.at[pl.ds(b0 + c * CHUNK, CHUNK)])
                lo = b0 + bfull * CHUNK
                if brem:
                    pltpu.sync_copy(table_hbm.at[pl.ds(lo, brem)],
                                    acc_sh.at[pl.ds(lo, brem)])
                    pltpu.sync_copy(rows_v.at[0].at[pl.ds(0, CHUNK - brem)],
                                    acc_sh.at[pl.ds(lo + brem, CHUNK - brem)])
                for c in range(bfull + 1, n_init):
                    pltpu.sync_copy(
                        rows_v.at[0],
                        acc_sh.at[pl.ds(b0 + c * CHUNK, CHUNK)])

            @pl.when(jnp.logical_or(cid != 0, sid > btile))
            def _():
                for c in range(n_init):
                    pltpu.sync_copy(
                        rows_v.at[0],
                        acc_sh.at[pl.ds(base + c * CHUNK, CHUNK)])
        else:
            for c in range(n_init):
                pltpu.sync_copy(rows_v.at[0],
                                acc_sh.at[pl.ds(base + c * CHUNK, CHUNK)])

        idx_copy.wait()
        if with_gather:
            src_copy.wait()
        plsc.subcore_barrier()

        if with_gather:
            def gather_start(j, b):
                pltpu.async_copy(table_hbm.at[src_v.at[j]], rows_v.at[b],
                                 gsems.at[b])

            def gather_wait(j, b):
                pltpu.make_async_copy(table_hbm.at[src_v.at[j]], rows_v.at[b],
                                      gsems.at[b]).wait()

            for j0 in range(LOOK):
                gather_start(j0, j0 % NBUF)

            def outer(i, carry):
                for u in range(2):
                    j = i * 2 + u
                    b = j % NBUF
                    gather_wait(j, b)
                    pltpu.sync_copy(rows_v.at[b], acc_sh.at[dst_v.at[j]],
                                    add=True)

                    @pl.when(j + LOOK < nchunk)
                    def _():
                        gather_start(j + LOOK, (j + LOOK) % NBUF)

                return carry

            lax.fori_loop(0, nchunk // 2, outer, 0)
        else:
            one = jnp.ones((16,), jnp.float32)

            def ofill(i, carry):
                for jj in range(fpl):
                    rows_v[0, i, pl.ds(jj * 16, 16)] = one
                return carry

            lax.fori_loop(0, CHUNK, ofill, 0)

            def edge_chunk(j, carry):
                pltpu.sync_copy(rows_v.at[0], acc_sh.at[dst_v.at[j]], add=True)
                return carry

            lax.fori_loop(0, nchunk, edge_chunk, 0)

        plsc.subcore_barrier()

        pltpu.sync_copy(acc_sh.at[pl.ds(base, rows16)], bounce_v)
        pltpu.sync_copy(bounce_v, out_hbm.at[cid, pl.ds(base, rows16)])

    scratch = [
        pltpu.VMEM((nchunk, CHUNK), jnp.int32),
        pltpu.VMEM((NBUF, CHUNK, feat), jnp.float32),
        pltpu.VMEM((rows16, feat), jnp.float32),
        pltpu.VMEM_SHARED((n_pad, feat), jnp.float32),
        pltpu.SemaphoreType.DMA((NBUF,)),
        pltpu.SemaphoreType.DMA((NBUF,)),
    ]
    if with_gather:
        scratch.insert(0, pltpu.VMEM((nchunk, CHUNK), jnp.int32))

    return pl.kernel(
        body,
        mesh=mesh,
        out_type=jax.ShapeDtypeStruct((nc, n_pad, feat), jnp.float32),
        scratch_types=scratch,
        compiler_params=pltpu.CompilerParams(use_tc_tiling_on_sc=False),
    )



def _tc_matmul1(n, k):
    def body(xt_ref, w1t_ref, p_ref):
        p_ref[...] = lax.dot_general(xt_ref[...], w1t_ref[...],
                                     (((0,), (1,)), ((), ())),
                                     preferred_element_type=jnp.float32)

    return pl.pallas_call(
        body,
        out_shape=jax.ShapeDtypeStruct((n, 16), jnp.float32),
    )


def _tc_scale1(n, n_pad):
    def body(deg_ref, p_ref, g1_ref, dinv_ref):
        deg = deg_ref[0] + deg_ref[1] + 1.0
        dinv = lax.rsqrt(jnp.maximum(deg, 1.0))[:n]
        g1_ref[...] = dinv * p_ref[...]
        dinv_ref[...] = dinv

    return pl.pallas_call(
        body,
        out_shape=(jax.ShapeDtypeStruct((n, 16), jnp.float32),
                   jax.ShapeDtypeStruct((n, 16), jnp.float32)),
    )


def _tc_layer2(n, nb):
    def body(dinv_ref, s1p_ref, b1_ref, w2_ref, g2_ref):
        dinv = dinv_ref[...]
        s1 = s1p_ref[0] + s1p_ref[1]
        h = jnp.maximum(dinv * s1 + b1_ref[...], 0.0)
        p2 = jnp.dot(h, w2_ref[...], preferred_element_type=jnp.float32)
        g2_ref[...] = dinv[:, :1] * p2

    return pl.pallas_call(
        body,
        grid=(nb,),
        in_specs=[
            pl.BlockSpec((BM, 16), lambda i: (i, 0)),
            pl.BlockSpec((2, BM, 16), lambda i: (0, i, 0)),
            pl.BlockSpec((1, 16), lambda i: (0, 0)),
            pl.BlockSpec((16, 64), lambda i: (0, 0)),
        ],
        out_specs=pl.BlockSpec((BM, 64), lambda i: (i, 0)),
        out_shape=jax.ShapeDtypeStruct((n, 64), jnp.float32),
    )


def _tc_final(n):
    def body(dinv_ref, s2p_ref, b2_ref, out_ref):
        dinv = dinv_ref[...]
        s2 = s2p_ref[0][:n] + s2p_ref[1][:n]
        out_ref[...] = (dinv[:, :1] * s2 + b2_ref[...]).T

    return pl.pallas_call(
        body,
        out_shape=jax.ShapeDtypeStruct((64, n), jnp.float32),
    )



def kernel(x, edge_index, W1, b1, W2, b2):
    n, k = x.shape
    e = edge_index.shape[1]
    nc, ns = 2, 16
    nw = nc * ns
    nb = n // BM

    n_pad = ((n + 16 + 255) // 256) * 256
    epw = ((e + nw * CHUNK - 1) // (nw * CHUNK)) * CHUNK
    nchunk = epw // CHUNK
    pad_cnt = epw * nw - e

    ei = edge_index.reshape(-1)
    pad_ar = jnp.arange(pad_cnt, dtype=jnp.int32)
    src = jnp.concatenate([ei[:e], pad_ar & 4095])
    dst = jnp.concatenate([ei[e:], n + (pad_ar & 15)])
    src3 = src.reshape(nw, nchunk, CHUNK)
    dst3 = dst.reshape(nw, nchunk, CHUNK)

    xt = jnp.swapaxes(x, 0, 1)
    w1t = jnp.swapaxes(W1, 0, 1)

    degp = _make_sc_scatter(n, n_pad, nchunk, 16, False, nc, ns)(dst3)
    p1 = _tc_matmul1(n, k)(xt, w1t)
    g1, dinv = _tc_scale1(n, n_pad)(degp, p1)
    s1p = _make_sc_scatter(n, n_pad, nchunk, 16, True, nc, ns)(g1, src3, dst3)
    g2 = _tc_layer2(n, nb)(dinv, s1p, b1.reshape(1, 16), W2)
    s2p = _make_sc_scatter(n, n_pad, nchunk, 64, True, nc, ns)(g2, src3, dst3)
    out_t = _tc_final(n)(dinv, s2p, b2.reshape(1, 64))
    return jnp.swapaxes(out_t, 0, 1)

# --- scband reference (transcript-rebuilt; emitter-appended) ---
"""Pipeline reference for scband-net-32890859553080 (READ-ONLY COPY).

The authoritative reference and input builder live on the scoring server;
editing this copy changes nothing except your own understanding.
"""

import jax, jax.numpy as jnp
import numpy as np

N_NODES = 10000
N_EDGES = 160000


def setup_inputs(seed: int = 0) -> dict:
    key = jax.random.key(seed)
    k1, k2, k3, k4 = jax.random.split(key, 4)
    x = jax.random.normal(k1, (N_NODES, 300), dtype=jnp.float32)
    edge_index = jax.random.randint(k2, (2, N_EDGES), 0, N_NODES, dtype=jnp.int32)
    W1 = jax.random.normal(k3, (300, 16), dtype=jnp.float32) * 0.05
    b1 = jnp.zeros((16,), dtype=jnp.float32)
    W2 = jax.random.normal(k4, (16, 64), dtype=jnp.float32) * 0.05
    b2 = jnp.zeros((64,), dtype=jnp.float32)
    return {"x": x, "edge_index": edge_index, "W1": W1, "b1": b1, "W2": W2, "b2": b2}


def _gcn_conv(x, edge_index, W, b, n_nodes):
    # GCNConv: x' = D^{-1/2} (A + I) D^{-1/2} X W + b
    h = x @ W
    loop = jnp.arange(n_nodes, dtype=edge_index.dtype)
    src = jnp.concatenate([edge_index[0], loop])
    dst = jnp.concatenate([edge_index[1], loop])
    ones = jnp.ones(src.shape[0], dtype=h.dtype)
    deg = jax.ops.segment_sum(ones, dst, num_segments=n_nodes)
    dinv = jax.lax.rsqrt(jnp.clip(deg, 1.0, None))
    norm = dinv[src] * dinv[dst]
    msg = h[src] * norm[:, None]
    out = jax.ops.segment_sum(msg, dst, num_segments=n_nodes)
    return out + b


def reference(x, edge_index, W1, b1, W2, b2):
    n_nodes = x.shape[0]
    h = jax.nn.relu(_gcn_conv(x, edge_index, W1, b1, n_nodes))
    # dropout is identity in eval mode (training=False)
    out = _gcn_conv(h, edge_index, W2, b2, n_nodes)
    return out

if __name__ == "__main__":
    import jax
    _d = setup_inputs()
    print(jax.jit(kernel)(*tuple(_d.values())))

</pallas_src>

<mosaic_0001>
#map = affine_map<(d0, d1) -> (0, 0)>
#map1 = affine_map<(d0, d1) -> (0, 0, 0)>
module attributes {stable_mosaic.version = 14 : i64} {
  func.func @body(%arg0: i32, %arg1: i32, %arg2: memref<10000x64xf32, #tpu.memory_space<hbm>>, %arg3: memref<32x40x128xi32, #tpu.memory_space<hbm>>, %arg4: memref<32x40x128xi32, #tpu.memory_space<hbm>>, %arg5: memref<2x10240x64xf32, #tpu.memory_space<hbm>>, %arg6: memref<40x128xi32, #tpu.memory_space<vmem>>, %arg7: memref<40x128xi32, #tpu.memory_space<vmem>>, %arg8: memref<4x128x64xf32, #tpu.memory_space<vmem>>, %arg9: memref<640x64xf32, #tpu.memory_space<vmem>>, %arg10: memref<10240x64xf32, #tpu.memory_space<vmem_shared>>, %arg11: memref<4x!tpu.dma_semaphore, #tpu.memory_space<semaphore_mem>>, %arg12: memref<4x!tpu.dma_semaphore, #tpu.memory_space<semaphore_mem>>) attributes {dimension_semantics = [#tpu.dimension_semantics<core_parallel>, #tpu.dimension_semantics<subcore_parallel>], iteration_bounds = array<i64: 2, 16>, scalar_prefetch = 0 : i64, scratch_operands = 7 : i64, tpu.core_type = #tpu.core_type<sc_vector_subcore>, window_params = [{transform_indices = #map}, {transform_indices = #map1}, {transform_indices = #map1}, {transform_indices = #map1}]} {
    %mul3A = arith.constant 2 : i32
    %mul3A_0 = arith.muli %arg1, %mul3A : i32
    %add3A = arith.addi %mul3A_0, %arg0 : i32
    %mul3A_1 = arith.constant 640 : i32
    %mul3A_2 = arith.muli %arg1, %mul3A_1 : i32
    %dma_start3A = arith.constant 0 : i32
    %dma_start3A_3 = arith.constant 0 : i32
    %dma_start3A_4 = arith.constant 0 : i32
    %dma_start3A_5 = tpu.memref_slice %arg4[%add3A, %dma_start3A_3, %dma_start3A_4] : memref<32x40x128xi32, #tpu.memory_space<hbm>> -> memref<1x40x128xi32, #tpu.memory_space<hbm>>
    %dma_start3A_6 = tpu.memref_squeeze %dma_start3A_5 : memref<1x40x128xi32, #tpu.memory_space<hbm>> -> memref<40x128xi32, #tpu.memory_space<hbm>>
    %dma_start3A_7 = tpu.memref_slice %arg11[%dma_start3A] : memref<4x!tpu.dma_semaphore, #tpu.memory_space<semaphore_mem>> -> memref<1x!tpu.dma_semaphore, #tpu.memory_space<semaphore_mem>>
    %dma_start3A_8 = tpu.memref_squeeze %dma_start3A_7 : memref<1x!tpu.dma_semaphore, #tpu.memory_space<semaphore_mem>> -> memref<!tpu.dma_semaphore, #tpu.memory_space<semaphore_mem>>
    %dma_start3A_9 = arith.constant 0 : i32
    %dma_start3A_10 = arith.constant 0 : i32
    %dma_start3A_11 = tpu.memref_slice %arg4[%add3A, %dma_start3A_9, %dma_start3A_10] : memref<32x40x128xi32, #tpu.memory_space<hbm>> -> memref<1x40x128xi32, #tpu.memory_space<hbm>>
    %dma_start3A_12 = tpu.memref_squeeze %dma_start3A_11 : memref<1x40x128xi32, #tpu.memory_space<hbm>> -> memref<40x128xi32, #tpu.memory_space<hbm>>
    tpu.enqueue_dma source(%dma_start3A_12 : memref<40x128xi32, #tpu.memory_space<hbm>>) target(%arg7 : memref<40x128xi32, #tpu.memory_space<vmem>>) target_semaphore(%dma_start3A_8 : memref<!tpu.dma_semaphore, #tpu.memory_space<semaphore_mem>>)
    %dma_start3A_13 = arith.constant 1 : i32
    %dma_start3A_14 = arith.constant 0 : i32
    %dma_start3A_15 = arith.constant 0 : i32
    %dma_start3A_16 = tpu.memref_slice %arg3[%add3A, %dma_start3A_14, %dma_start3A_15] : memref<32x40x128xi32, #tpu.memory_space<hbm>> -> memref<1x40x128xi32, #tpu.memory_space<hbm>>
    %dma_start3A_17 = tpu.memref_squeeze %dma_start3A_16 : memref<1x40x128xi32, #tpu.memory_space<hbm>> -> memref<40x128xi32, #tpu.memory_space<hbm>>
    %dma_start3A_18 = tpu.memref_slice %arg11[%dma_start3A_13] : memref<4x!tpu.dma_semaphore, #tpu.memory_space<semaphore_mem>> -> memref<1x!tpu.dma_semaphore, #tpu.memory_space<semaphore_mem>>
    %dma_start3A_19 = tpu.memref_squeeze %dma_start3A_18 : memref<1x!tpu.dma_semaphore, #tpu.memory_space<semaphore_mem>> -> memref<!tpu.dma_semaphore, #tpu.memory_space<semaphore_mem>>
    %dma_start3A_20 = arith.constant 0 : i32
    %dma_start3A_21 = arith.constant 0 : i32
    %dma_start3A_22 = tpu.memref_slice %arg3[%add3A, %dma_start3A_20, %dma_start3A_21] : memref<32x40x128xi32, #tpu.memory_space<hbm>> -> memref<1x40x128xi32, #tpu.memory_space<hbm>>
    %dma_start3A_23 = tpu.memref_squeeze %dma_start3A_22 : memref<1x40x128xi32, #tpu.memory_space<hbm>> -> memref<40x128xi32, #tpu.memory_space<hbm>>
    tpu.enqueue_dma source(%dma_start3A_23 : memref<40x128xi32, #tpu.memory_space<hbm>>) target(%arg6 : memref<40x128xi32, #tpu.memory_space<vmem>>) target_semaphore(%dma_start3A_19 : memref<!tpu.dma_semaphore, #tpu.memory_space<semaphore_mem>>)
    %broadcast_in_dim3A = arith.constant 0.000000e+00 : f32
    %broadcast_in_dim3A_24 = vector.broadcast %broadcast_in_dim3A : f32 to vector<16xf32>
    %scan3A = arith.constant 0 : i32
    %scan3A_25 = arith.constant 0 : i32
    %scan3A_26 = arith.constant 128 : i32
    %scan3A_27 = arith.addi %scan3A_25, %scan3A_26 : i32
    %scan3A_28 = arith.constant 1 : i32
    scf.for %scan3A_119 = %scan3A_25 to %scan3A_27 step %scan3A_28  : i32 {
      %swap3A = arith.constant 0 : i32
      %swap3A_120 = arith.index_cast %swap3A : i32 to index
      %swap3A_121 = arith.index_cast %scan3A_119 : i32 to index
      %swap3A_122 = arith.constant 0 : index
      %swap3A_123 = tpu.vector_load %arg8[%swap3A_120, %swap3A_121, %swap3A_122] {strides = array<i32>} : memref<4x128x64xf32, #tpu.memory_space<vmem>>, vector<1x1x16xf32>,
      %swap3A_124 = vector.shape_cast %swap3A_123 : vector<1x1x16xf32> to vector<16xf32>
      %swap3A_125 = vector.shape_cast %broadcast_in_dim3A_24 : vector<16xf32> to vector<1x1x16xf32>
      tpu.vector_store %arg8[%swap3A_120, %swap3A_121, %swap3A_122], %swap3A_125 {strides = array<i32>} : memref<4x128x64xf32, #tpu.memory_space<vmem>>, vector<1x1x16xf32>,
      %swap3A_126 = arith.constant 0 : i32
      %swap3A_127 = arith.index_cast %swap3A_126 : i32 to index
      %swap3A_128 = arith.index_cast %scan3A_119 : i32 to index
      %swap3A_129 = arith.constant 16 : index
      %swap3A_130 = tpu.vector_load %arg8[%swap3A_127, %swap3A_128, %swap3A_129] {strides = array<i32>} : memref<4x128x64xf32, #tpu.memory_space<vmem>>, vector<1x1x16xf32>,
      %swap3A_131 = vector.shape_cast %swap3A_130 : vector<1x1x16xf32> to vector<16xf32>
      %swap3A_132 = vector.shape_cast %broadcast_in_dim3A_24 : vector<16xf32> to vector<1x1x16xf32>
      tpu.vector_store %arg8[%swap3A_127, %swap3A_128, %swap3A_129], %swap3A_132 {strides = array<i32>} : memref<4x128x64xf32, #tpu.memory_space<vmem>>, vector<1x1x16xf32>,
      %swap3A_133 = arith.constant 0 : i32
      %swap3A_134 = arith.index_cast %swap3A_133 : i32 to index
      %swap3A_135 = arith.index_cast %scan3A_119 : i32 to index
      %swap3A_136 = arith.constant 32 : index
      %swap3A_137 = tpu.vector_load %arg8[%swap3A_134, %swap3A_135, %swap3A_136] {strides = array<i32>} : memref<4x128x64xf32, #tpu.memory_space<vmem>>, vector<1x1x16xf32>,
      %swap3A_138 = vector.shape_cast %swap3A_137 : vector<1x1x16xf32> to vector<16xf32>
      %swap3A_139 = vector.shape_cast %broadcast_in_dim3A_24 : vector<16xf32> to vector<1x1x16xf32>
      tpu.vector_store %arg8[%swap3A_134, %swap3A_135, %swap3A_136], %swap3A_139 {strides = array<i32>} : memref<4x128x64xf32, #tpu.memory_space<vmem>>, vector<1x1x16xf32>,
      %swap3A_140 = arith.constant 0 : i32
      %swap3A_141 = arith.index_cast %swap3A_140 : i32 to index
      %swap3A_142 = arith.index_cast %scan3A_119 : i32 to index
      %swap3A_143 = arith.constant 48 : index
      %swap3A_144 = tpu.vector_load %arg8[%swap3A_141, %swap3A_142, %swap3A_143] {strides = array<i32>} : memref<4x128x64xf32, #tpu.memory_space<vmem>>, vector<1x1x16xf32>,
      %swap3A_145 = vector.shape_cast %swap3A_144 : vector<1x1x16xf32> to vector<16xf32>
      %swap3A_146 = vector.shape_cast %broadcast_in_dim3A_24 : vector<16xf32> to vector<1x1x16xf32>
      tpu.vector_store %arg8[%swap3A_141, %swap3A_142, %swap3A_143], %swap3A_146 {strides = array<i32>} : memref<4x128x64xf32, #tpu.memory_space<vmem>>, vector<1x1x16xf32>,
    }
    %scan3A_29 = arith.constant 128 : i32
    %eq3A = arith.constant 0 : i32
    %eq3A_30 = arith.cmpi eq, %arg0, %eq3A : i32
    %lt3A = arith.constant 15 : i32
    %lt3A_31 = arith.cmpi slt, %arg1, %lt3A : i32
    %and3A = arith.andi %eq3A_30, %lt3A_31 : i1
    %convert_element_type3A = arith.extui %and3A : i1 to i32
    %cond3A = arith.constant 0 : i32
    %cond3A_32 = arith.cmpi ne, %convert_element_type3A, %cond3A : i32
    scf.if %cond3A_32 {
      %add3A_119 = arith.constant 0 : i32
      %add3A_120 = arith.addi %mul3A_2, %add3A_119 : i32
      %add3A_121 = arith.constant 0 : i32
      %add3A_122 = arith.addi %mul3A_2, %add3A_121 : i32
      "tpu.region"() ({
        %run_scoped3A = tpu.sem_alloc : memref<!tpu.dma_semaphore, #tpu.memory_space<semaphore_mem>>
        %dma_start3A_139 = arith.constant 0 : i32
        %dma_start3A_140 = tpu.memref_slice %arg10[%add3A_122, %dma_start3A_139] : memref<10240x64xf32, #tpu.memory_space<vmem_shared>> -> memref<128x64xf32, #tpu.memory_space<vmem_shared>>
        %dma_start3A_141 = arith.constant 0 : i32
        %dma_start3A_142 = tpu.memref_slice %arg2[%add3A_120, %dma_start3A_141] : memref<10000x64xf32, #tpu.memory_space<hbm>> -> memref<128x64xf32, #tpu.memory_space<hbm>>
        tpu.enqueue_dma source(%dma_start3A_142 : memref<128x64xf32, #tpu.memory_space<hbm>>) target(%dma_start3A_140 : memref<128x64xf32, #tpu.memory_space<vmem_shared>>) target_semaphore(%run_scoped3A : memref<!tpu.dma_semaphore, #tpu.memory_space<semaphore_mem>>)
        %dma_wait3A_143 = arith.constant 0 : i32
        %dma_wait3A_144 = tpu.memref_slice %arg10[%add3A_122, %dma_wait3A_143] : memref<10240x64xf32, #tpu.memory_space<vmem_shared>> -> memref<128x64xf32, #tpu.memory_space<vmem_shared>>
        %dma_wait3A_145 = arith.constant 0 : i32
        %dma_wait3A_146 = tpu.memref_slice %arg2[%add3A_120, %dma_wait3A_145] : memref<10000x64xf32, #tpu.memory_space<hbm>> -> memref<128x64xf32, #tpu.memory_space<hbm>>
        tpu.wait_dma2 semaphore(%run_scoped3A : memref<!tpu.dma_semaphore, #tpu.memory_space<semaphore_mem>>) src(%dma_wait3A_146 : memref<128x64xf32, #tpu.memory_space<hbm>>) dst(%dma_wait3A_144 : memref<128x64xf32, #tpu.memory_space<vmem_shared>>)
        tpu.yield
      }) : () -> ()
      %add3A_123 = arith.constant 128 : i32
      %add3A_124 = arith.addi %mul3A_2, %add3A_123 : i32
      %add3A_125 = arith.constant 128 : i32
      %add3A_126 = arith.addi %mul3A_2, %add3A_125 : i32
      "tpu.region"() ({
        %run_scoped3A = tpu.sem_alloc : memref<!tpu.dma_semaphore, #tpu.memory_space<semaphore_mem>>
        %dma_start3A_139 = arith.constant 0 : i32
        %dma_start3A_140 = tpu.memref_slice %arg10[%add3A_126, %dma_start3A_139] : memref<10240x64xf32, #tpu.memory_space<vmem_shared>> -> memref<128x64xf32, #tpu.memory_space<vmem_shared>>
        %dma_start3A_141 = arith.constant 0 : i32
        %dma_start3A_142 = tpu.memref_slice %arg2[%add3A_124, %dma_start3A_141] : memref<10000x64xf32, #tpu.memory_space<hbm>> -> memref<128x64xf32, #tpu.memory_space<hbm>>
        tpu.enqueue_dma source(%dma_start3A_142 : memref<128x64xf32, #tpu.memory_space<hbm>>) target(%dma_start3A_140 : memref<128x64xf32, #tpu.memory_space<vmem_shared>>) target_semaphore(%run_scoped3A : memref<!tpu.dma_semaphore, #tpu.memory_space<semaphore_mem>>)
        %dma_wait3A_143 = arith.constant 0 : i32
        %dma_wait3A_144 = tpu.memref_slice %arg10[%add3A_126, %dma_wait3A_143] : memref<10240x64xf32, #tpu.memory_space<vmem_shared>> -> memref<128x64xf32, #tpu.memory_space<vmem_shared>>
        %dma_wait3A_145 = arith.constant 0 : i32
        %dma_wait3A_146 = tpu.memref_slice %arg2[%add3A_124, %dma_wait3A_145] : memref<10000x64xf32, #tpu.memory_space<hbm>> -> memref<128x64xf32, #tpu.memory_space<hbm>>
        tpu.wait_dma2 semaphore(%run_scoped3A : memref<!tpu.dma_semaphore, #tpu.memory_space<semaphore_mem>>) src(%dma_wait3A_146 : memref<128x64xf32, #tpu.memory_space<hbm>>) dst(%dma_wait3A_144 : memref<128x64xf32, #tpu.memory_space<vmem_shared>>)
        tpu.yield
      }) : () -> ()
      %add3A_127 = arith.constant 256 : i32
      %add3A_128 = arith.addi %mul3A_2, %add3A_127 : i32
      %add3A_129 = arith.constant 256 : i32
      %add3A_130 = arith.addi %mul3A_2, %add3A_129 : i32
      "tpu.region"() ({
        %run_scoped3A = tpu.sem_alloc : memref<!tpu.dma_semaphore, #tpu.memory_space<semaphore_mem>>
        %dma_start3A_139 = arith.constant 0 : i32
        %dma_start3A_140 = tpu.memref_slice %arg10[%add3A_130, %dma_start3A_139] : memref<10240x64xf32, #tpu.memory_space<vmem_shared>> -> memref<128x64xf32, #tpu.memory_space<vmem_shared>>
        %dma_start3A_141 = arith.constant 0 : i32
        %dma_start3A_142 = tpu.memref_slice %arg2[%add3A_128, %dma_start3A_141] : memref<10000x64xf32, #tpu.memory_space<hbm>> -> memref<128x64xf32, #tpu.memory_space<hbm>>
        tpu.enqueue_dma source(%dma_start3A_142 : memref<128x64xf32, #tpu.memory_space<hbm>>) target(%dma_start3A_140 : memref<128x64xf32, #tpu.memory_space<vmem_shared>>) target_semaphore(%run_scoped3A : memref<!tpu.dma_semaphore, #tpu.memory_space<semaphore_mem>>)
        %dma_wait3A_143 = arith.constant 0 : i32
        %dma_wait3A_144 = tpu.memref_slice %arg10[%add3A_130, %dma_wait3A_143] : memref<10240x64xf32, #tpu.memory_space<vmem_shared>> -> memref<128x64xf32, #tpu.memory_space<vmem_shared>>
        %dma_wait3A_145 = arith.constant 0 : i32
        %dma_wait3A_146 = tpu.memref_slice %arg2[%add3A_128, %dma_wait3A_145] : memref<10000x64xf32, #tpu.memory_space<hbm>> -> memref<128x64xf32, #tpu.memory_space<hbm>>
        tpu.wait_dma2 semaphore(%run_scoped3A : memref<!tpu.dma_semaphore, #tpu.memory_space<semaphore_mem>>) src(%dma_wait3A_146 : memref<128x64xf32, #tpu.memory_space<hbm>>) dst(%dma_wait3A_144 : memref<128x64xf32, #tpu.memory_space<vmem_shared>>)
        tpu.yield
      }) : () -> ()
      %add3A_131 = arith.constant 384 : i32
      %add3A_132 = arith.addi %mul3A_2, %add3A_131 : i32
      %add3A_133 = arith.constant 384 : i32
      %add3A_134 = arith.addi %mul3A_2, %add3A_133 : i32
      "tpu.region"() ({
        %run_scoped3A = tpu.sem_alloc : memref<!tpu.dma_semaphore, #tpu.memory_space<semaphore_mem>>
        %dma_start3A_139 = arith.constant 0 : i32
        %dma_start3A_140 = tpu.memref_slice %arg10[%add3A_134, %dma_start3A_139] : memref<10240x64xf32, #tpu.memory_space<vmem_shared>> -> memref<128x64xf32, #tpu.memory_space<vmem_shared>>
        %dma_start3A_141 = arith.constant 0 : i32
        %dma_start3A_142 = tpu.memref_slice %arg2[%add3A_132, %dma_start3A_141] : memref<10000x64xf32, #tpu.memory_space<hbm>> -> memref<128x64xf32, #tpu.memory_space<hbm>>
        tpu.enqueue_dma source(%dma_start3A_142 : memref<128x64xf32, #tpu.memory_space<hbm>>) target(%dma_start3A_140 : memref<128x64xf32, #tpu.memory_space<vmem_shared>>) target_semaphore(%run_scoped3A : memref<!tpu.dma_semaphore, #tpu.memory_space<semaphore_mem>>)
        %dma_wait3A_143 = arith.constant 0 : i32
        %dma_wait3A_144 = tpu.memref_slice %arg10[%add3A_134, %dma_wait3A_143] : memref<10240x64xf32, #tpu.memory_space<vmem_shared>> -> memref<128x64xf32, #tpu.memory_space<vmem_shared>>
        %dma_wait3A_145 = arith.constant 0 : i32
        %dma_wait3A_146 = tpu.memref_slice %arg2[%add3A_132, %dma_wait3A_145] : memref<10000x64xf32, #tpu.memory_space<hbm>> -> memref<128x64xf32, #tpu.memory_space<hbm>>
        tpu.wait_dma2 semaphore(%run_scoped3A : memref<!tpu.dma_semaphore, #tpu.memory_space<semaphore_mem>>) src(%dma_wait3A_146 : memref<128x64xf32, #tpu.memory_space<hbm>>) dst(%dma_wait3A_144 : memref<128x64xf32, #tpu.memory_space<vmem_shared>>)
        tpu.yield
      }) : () -> ()
      %add3A_135 = arith.constant 512 : i32
      %add3A_136 = arith.addi %mul3A_2, %add3A_135 : i32
      %add3A_137 = arith.constant 512 : i32
      %add3A_138 = arith.addi %mul3A_2, %add3A_137 : i32
      "tpu.region"() ({
        %run_scoped3A = tpu.sem_alloc : memref<!tpu.dma_semaphore, #tpu.memory_space<semaphore_mem>>
        %dma_start3A_139 = arith.constant 0 : i32
        %dma_start3A_140 = tpu.memref_slice %arg10[%add3A_138, %dma_start3A_139] : memref<10240x64xf32, #tpu.memory_space<vmem_shared>> -> memref<128x64xf32, #tpu.memory_space<vmem_shared>>
        %dma_start3A_141 = arith.constant 0 : i32
        %dma_start3A_142 = tpu.memref_slice %arg2[%add3A_136, %dma_start3A_141] : memref<10000x64xf32, #tpu.memory_space<hbm>> -> memref<128x64xf32, #tpu.memory_space<hbm>>
        tpu.enqueue_dma source(%dma_start3A_142 : memref<128x64xf32, #tpu.memory_space<hbm>>) target(%dma_start3A_140 : memref<128x64xf32, #tpu.memory_space<vmem_shared>>) target_semaphore(%run_scoped3A : memref<!tpu.dma_semaphore, #tpu.memory_space<semaphore_mem>>)
        %dma_wait3A_143 = arith.constant 0 : i32
        %dma_wait3A_144 = tpu.memref_slice %arg10[%add3A_138, %dma_wait3A_143] : memref<10240x64xf32, #tpu.memory_space<vmem_shared>> -> memref<128x64xf32, #tpu.memory_space<vmem_shared>>
        %dma_wait3A_145 = arith.constant 0 : i32
        %dma_wait3A_146 = tpu.memref_slice %arg2[%add3A_136, %dma_wait3A_145] : memref<10000x64xf32, #tpu.memory_space<hbm>> -> memref<128x64xf32, #tpu.memory_space<hbm>>
        tpu.wait_dma2 semaphore(%run_scoped3A : memref<!tpu.dma_semaphore, #tpu.memory_space<semaphore_mem>>) src(%dma_wait3A_146 : memref<128x64xf32, #tpu.memory_space<hbm>>) dst(%dma_wait3A_144 : memref<128x64xf32, #tpu.memory_space<vmem_shared>>)
        tpu.yield
      }) : () -> ()
    } else {
    }
    %eq3A_33 = arith.constant 0 : i32
    %eq3A_34 = arith.cmpi eq, %arg0, %eq3A_33 : i32
    %eq3A_35 = arith.constant 15 : i32
    %eq3A_36 = arith.cmpi eq, %arg1, %eq3A_35 : i32
    %and3A_37 = arith.andi %eq3A_34, %eq3A_36 : i1
    %convert_element_type3A_38 = arith.extui %and3A_37 : i1 to i32
    %cond3A_39 = arith.constant 0 : i32
    %cond3A_40 = arith.cmpi ne, %convert_element_type3A_38, %cond3A_39 : i32
    scf.if %cond3A_40 {
      "tpu.region"() ({
        %run_scoped3A_120 = tpu.sem_alloc : memref<!tpu.dma_semaphore, #tpu.memory_space<semaphore_mem>>
        %dma_start3A_121 = arith.constant 9600 : i32
        %dma_start3A_122 = arith.constant 0 : i32
        %dma_start3A_123 = tpu.memref_slice %arg10[%dma_start3A_121, %dma_start3A_122] : memref<10240x64xf32, #tpu.memory_space<vmem_shared>> -> memref<128x64xf32, #tpu.memory_space<vmem_shared>>
        %dma_start3A_124 = arith.constant 9600 : i32
        %dma_start3A_125 = arith.constant 0 : i32
        %dma_start3A_126 = tpu.memref_slice %arg2[%dma_start3A_124, %dma_start3A_125] : memref<10000x64xf32, #tpu.memory_space<hbm>> -> memref<128x64xf32, #tpu.memory_space<hbm>>
        tpu.enqueue_dma source(%dma_start3A_126 : memref<128x64xf32, #tpu.memory_space<hbm>>) target(%dma_start3A_123 : memref<128x64xf32, #tpu.memory_space<vmem_shared>>) target_semaphore(%run_scoped3A_120 : memref<!tpu.dma_semaphore, #tpu.memory_space<semaphore_mem>>)
        %dma_wait3A_127 = arith.constant 9600 : i32
        %dma_wait3A_128 = arith.constant 0 : i32
        %dma_wait3A_129 = tpu.memref_slice %arg10[%dma_wait3A_127, %dma_wait3A_128] : memref<10240x64xf32, #tpu.memory_space<vmem_shared>> -> memref<128x64xf32, #tpu.memory_space<vmem_shared>>
        %dma_wait3A_130 = arith.constant 9600 : i32
        %dma_wait3A_131 = arith.constant 0 : i32
        %dma_wait3A_132 = tpu.memref_slice %arg2[%dma_wait3A_130, %dma_wait3A_131] : memref<10000x64xf32, #tpu.memory_space<hbm>> -> memref<128x64xf32, #tpu.memory_space<hbm>>
        tpu.wait_dma2 semaphore(%run_scoped3A_120 : memref<!tpu.dma_semaphore, #tpu.memory_space<semaphore_mem>>) src(%dma_wait3A_132 : memref<128x64xf32, #tpu.memory_space<hbm>>) dst(%dma_wait3A_129 : memref<128x64xf32, #tpu.memory_space<vmem_shared>>)
        tpu.yield
      }) : () -> ()
      "tpu.region"() ({
        %run_scoped3A_120 = tpu.sem_alloc : memref<!tpu.dma_semaphore, #tpu.memory_space<semaphore_mem>>
        %dma_start3A_121 = arith.constant 9728 : i32
        %dma_start3A_122 = arith.constant 0 : i32
        %dma_start3A_123 = tpu.memref_slice %arg10[%dma_start3A_121, %dma_start3A_122] : memref<10240x64xf32, #tpu.memory_space<vmem_shared>> -> memref<128x64xf32, #tpu.memory_space<vmem_shared>>
        %dma_start3A_124 = arith.constant 9728 : i32
        %dma_start3A_125 = arith.constant 0 : i32
        %dma_start3A_126 = tpu.memref_slice %arg2[%dma_start3A_124, %dma_start3A_125] : memref<10000x64xf32, #tpu.memory_space<hbm>> -> memref<128x64xf32, #tpu.memory_space<hbm>>
        tpu.enqueue_dma source(%dma_start3A_126 : memref<128x64xf32, #tpu.memory_space<hbm>>) target(%dma_start3A_123 : memref<128x64xf32, #tpu.memory_space<vmem_shared>>) target_semaphore(%run_scoped3A_120 : memref<!tpu.dma_semaphore, #tpu.memory_space<semaphore_mem>>)
        %dma_wait3A_127 = arith.constant 9728 : i32
        %dma_wait3A_128 = arith.constant 0 : i32
        %dma_wait3A_129 = tpu.memref_slice %arg10[%dma_wait3A_127, %dma_wait3A_128] : memref<10240x64xf32, #tpu.memory_space<vmem_shared>> -> memref<128x64xf32, #tpu.memory_space<vmem_shared>>
        %dma_wait3A_130 = arith.constant 9728 : i32
        %dma_wait3A_131 = arith.constant 0 : i32
        %dma_wait3A_132 = tpu.memref_slice %arg2[%dma_wait3A_130, %dma_wait3A_131] : memref<10000x64xf32, #tpu.memory_space<hbm>> -> memref<128x64xf32, #tpu.memory_space<hbm>>
        tpu.wait_dma2 semaphore(%run_scoped3A_120 : memref<!tpu.dma_semaphore, #tpu.memory_space<semaphore_mem>>) src(%dma_wait3A_132 : memref<128x64xf32, #tpu.memory_space<hbm>>) dst(%dma_wait3A_129 : memref<128x64xf32, #tpu.memory_space<vmem_shared>>)
        tpu.yield
      }) : () -> ()
      "tpu.region"() ({
        %run_scoped3A_120 = tpu.sem_alloc : memref<!tpu.dma_semaphore, #tpu.memory_space<semaphore_mem>>
        %dma_start3A_121 = arith.constant 9856 : i32
        %dma_start3A_122 = arith.constant 0 : i32
        %dma_start3A_123 = tpu.memref_slice %arg10[%dma_start3A_121, %dma_start3A_122] : memref<10240x64xf32, #tpu.memory_space<vmem_shared>> -> memref<128x64xf32, #tpu.memory_space<vmem_shared>>
        %dma_start3A_124 = arith.constant 9856 : i32
        %dma_start3A_125 = arith.constant 0 : i32
        %dma_start3A_126 = tpu.memref_slice %arg2[%dma_start3A_124, %dma_start3A_125] : memref<10000x64xf32, #tpu.memory_space<hbm>> -> memref<128x64xf32, #tpu.memory_space<hbm>>
        tpu.enqueue_dma source(%dma_start3A_126 : memref<128x64xf32, #tpu.memory_space<hbm>>) target(%dma_start3A_123 : memref<128x64xf32, #tpu.memory_space<vmem_shared>>) target_semaphore(%run_scoped3A_120 : memref<!tpu.dma_semaphore, #tpu.memory_space<semaphore_mem>>)
        %dma_wait3A_127 = arith.constant 9856 : i32
        %dma_wait3A_128 = arith.constant 0 : i32
        %dma_wait3A_129 = tpu.memref_slice %arg10[%dma_wait3A_127, %dma_wait3A_128] : memref<10240x64xf32, #tpu.memory_space<vmem_shared>> -> memref<128x64xf32, #tpu.memory_space<vmem_shared>>
        %dma_wait3A_130 = arith.constant 9856 : i32
        %dma_wait3A_131 = arith.constant 0 : i32
        %dma_wait3A_132 = tpu.memref_slice %arg2[%dma_wait3A_130, %dma_wait3A_131] : memref<10000x64xf32, #tpu.memory_space<hbm>> -> memref<128x64xf32, #tpu.memory_space<hbm>>
        tpu.wait_dma2 semaphore(%run_scoped3A_120 : memref<!tpu.dma_semaphore, #tpu.memory_space<semaphore_mem>>) src(%dma_wait3A_132 : memref<128x64xf32, #tpu.memory_space<hbm>>) dst(%dma_wait3A_129 : memref<128x64xf32, #tpu.memory_space<vmem_shared>>)
        tpu.yield
      }) : () -> ()
      "tpu.region"() ({
        %run_scoped3A_120 = tpu.sem_alloc : memref<!tpu.dma_semaphore, #tpu.memory_space<semaphore_mem>>
        %dma_start3A_121 = arith.constant 9984 : i32
        %dma_start3A_122 = arith.constant 0 : i32
        %dma_start3A_123 = tpu.memref_slice %arg10[%dma_start3A_121, %dma_start3A_122] : memref<10240x64xf32, #tpu.memory_space<vmem_shared>> -> memref<16x64xf32, #tpu.memory_space<vmem_shared>>
        %dma_start3A_124 = arith.constant 9984 : i32
        %dma_start3A_125 = arith.constant 0 : i32
        %dma_start3A_126 = tpu.memref_slice %arg2[%dma_start3A_124, %dma_start3A_125] : memref<10000x64xf32, #tpu.memory_space<hbm>> -> memref<16x64xf32, #tpu.memory_space<hbm>>
        tpu.enqueue_dma source(%dma_start3A_126 : memref<16x64xf32, #tpu.memory_space<hbm>>) target(%dma_start3A_123 : memref<16x64xf32, #tpu.memory_space<vmem_shared>>) target_semaphore(%run_scoped3A_120 : memref<!tpu.dma_semaphore, #tpu.memory_space<semaphore_mem>>)
        %dma_wait3A_127 = arith.constant 9984 : i32
        %dma_wait3A_128 = arith.constant 0 : i32
        %dma_wait3A_129 = tpu.memref_slice %arg10[%dma_wait3A_127, %dma_wait3A_128] : memref<10240x64xf32, #tpu.memory_space<vmem_shared>> -> memref<16x64xf32, #tpu.memory_space<vmem_shared>>
        %dma_wait3A_130 = arith.constant 9984 : i32
        %dma_wait3A_131 = arith.constant 0 : i32
        %dma_wait3A_132 = tpu.memref_slice %arg2[%dma_wait3A_130, %dma_wait3A_131] : memref<10000x64xf32, #tpu.memory_space<hbm>> -> memref<16x64xf32, #tpu.memory_space<hbm>>
        tpu.wait_dma2 semaphore(%run_scoped3A_120 : memref<!tpu.dma_semaphore, #tpu.memory_space<semaphore_mem>>) src(%dma_wait3A_132 : memref<16x64xf32, #tpu.memory_space<hbm>>) dst(%dma_wait3A_129 : memref<16x64xf32, #tpu.memory_space<vmem_shared>>)
        tpu.yield
      }) : () -> ()
      %run_scoped3A = arith.constant 0 : i32
      "tpu.region"() ({
        %run_scoped3A_120 = tpu.sem_alloc : memref<!tpu.dma_semaphore, #tpu.memory_space<semaphore_mem>>
        %dma_start3A_121 = arith.constant 0 : i32
        %dma_start3A_122 = arith.constant 0 : i32
        %dma_start3A_123 = tpu.memref_slice %arg8[%run_scoped3A, %dma_start3A_121, %dma_start3A_122] : memref<4x128x64xf32, #tpu.memory_space<vmem>> -> memref<1x128x64xf32, #tpu.memory_space<vmem>>
        %dma_start3A_124 = tpu.memref_squeeze %dma_start3A_123 : memref<1x128x64xf32, #tpu.memory_space<vmem>> -> memref<128x64xf32, #tpu.memory_space<vmem>>
        %dma_start3A_125 = arith.constant 0 : i32
        %dma_start3A_126 = arith.constant 0 : i32
        %dma_start3A_127 = tpu.memref_slice %dma_start3A_124[%dma_start3A_125, %dma_start3A_126] : memref<128x64xf32, #tpu.memory_space<vmem>> -> memref<112x64xf32, #tpu.memory_space<vmem>>
        %dma_start3A_128 = arith.constant 10000 : i32
        %dma_start3A_129 = arith.constant 0 : i32
        %dma_start3A_130 = tpu.memref_slice %arg10[%dma_start3A_128, %dma_start3A_129] : memref<10240x64xf32, #tpu.memory_space<vmem_shared>> -> memref<112x64xf32, #tpu.memory_space<vmem_shared>>
        %dma_start3A_131 = arith.constant 10000 : i32
        %dma_start3A_132 = arith.constant 0 : i32
        %dma_start3A_133 = tpu.memref_slice %arg10[%dma_start3A_131, %dma_start3A_132] : memref<10240x64xf32, #tpu.memory_space<vmem_shared>> -> memref<112x64xf32, #tpu.memory_space<vmem_shared>>
        %dma_start3A_134 = arith.constant 0 : i32
        %dma_start3A_135 = arith.constant 0 : i32
        %dma_start3A_136 = tpu.memref_slice %arg8[%run_scoped3A, %dma_start3A_134, %dma_start3A_135] : memref<4x128x64xf32, #tpu.memory_space<vmem>> -> memref<1x128x64xf32, #tpu.memory_space<vmem>>
        %dma_start3A_137 = tpu.memref_squeeze %dma_start3A_136 : memref<1x128x64xf32, #tpu.memory_space<vmem>> -> memref<128x64xf32, #tpu.memory_space<vmem>>
        %dma_start3A_138 = arith.constant 0 : i32
        %dma_start3A_139 = arith.constant 0 : i32
        %dma_start3A_140 = tpu.memref_slice %dma_start3A_137[%dma_start3A_138, %dma_start3A_139] : memref<128x64xf32, #tpu.memory_space<vmem>> -> memref<112x64xf32, #tpu.memory_space<vmem>>
        tpu.enqueue_dma source(%dma_start3A_140 : memref<112x64xf32, #tpu.memory_space<vmem>>) target(%dma_start3A_133 : memref<112x64xf32, #tpu.memory_space<vmem_shared>>) target_semaphore(%run_scoped3A_120 : memref<!tpu.dma_semaphore, #tpu.memory_space<semaphore_mem>>)
        %dma_wait3A_141 = arith.constant 0 : i32
        %dma_wait3A_142 = arith.constant 0 : i32
        %dma_wait3A_143 = tpu.memref_slice %arg8[%run_scoped3A, %dma_wait3A_141, %dma_wait3A_142] : memref<4x128x64xf32, #tpu.memory_space<vmem>> -> memref<1x128x64xf32, #tpu.memory_space<vmem>>
        %dma_wait3A_144 = tpu.memref_squeeze %dma_wait3A_143 : memref<1x128x64xf32, #tpu.memory_space<vmem>> -> memref<128x64xf32, #tpu.memory_space<vmem>>
        %dma_wait3A_145 = arith.constant 0 : i32
        %dma_wait3A_146 = arith.constant 0 : i32
        %dma_wait3A_147 = tpu.memref_slice %dma_wait3A_144[%dma_wait3A_145, %dma_wait3A_146] : memref<128x64xf32, #tpu.memory_space<vmem>> -> memref<112x64xf32, #tpu.memory_space<vmem>>
        %dma_wait3A_148 = arith.constant 10000 : i32
        %dma_wait3A_149 = arith.constant 0 : i32
        %dma_wait3A_150 = tpu.memref_slice %arg10[%dma_wait3A_148, %dma_wait3A_149] : memref<10240x64xf32, #tpu.memory_space<vmem_shared>> -> memref<112x64xf32, #tpu.memory_space<vmem_shared>>
        %dma_wait3A_151 = arith.constant 10000 : i32
        %dma_wait3A_152 = arith.constant 0 : i32
        %dma_wait3A_153 = tpu.memref_slice %arg10[%dma_wait3A_151, %dma_wait3A_152] : memref<10240x64xf32, #tpu.memory_space<vmem_shared>> -> memref<112x64xf32, #tpu.memory_space<vmem_shared>>
        %dma_wait3A_154 = arith.constant 0 : i32
        %dma_wait3A_155 = arith.constant 0 : i32
        %dma_wait3A_156 = tpu.memref_slice %arg8[%run_scoped3A, %dma_wait3A_154, %dma_wait3A_155] : memref<4x128x64xf32, #tpu.memory_space<vmem>> -> memref<1x128x64xf32, #tpu.memory_space<vmem>>
        %dma_wait3A_157 = tpu.memref_squeeze %dma_wait3A_156 : memref<1x128x64xf32, #tpu.memory_space<vmem>> -> memref<128x64xf32, #tpu.memory_space<vmem>>
        %dma_wait3A_158 = arith.constant 0 : i32
        %dma_wait3A_159 = arith.constant 0 : i32
        %dma_wait3A_160 = tpu.memref_slice %dma_wait3A_157[%dma_wait3A_158, %dma_wait3A_159] : memref<128x64xf32, #tpu.memory_space<vmem>> -> memref<112x64xf32, #tpu.memory_space<vmem>>
        tpu.wait_dma2 semaphore(%run_scoped3A_120 : memref<!tpu.dma_semaphore, #tpu.memory_space<semaphore_mem>>) src(%dma_wait3A_160 : memref<112x64xf32, #tpu.memory_space<vmem>>) dst(%dma_wait3A_153 : memref<112x64xf32, #tpu.memory_space<vmem_shared>>)
        tpu.yield
      }) : () -> ()
      %run_scoped3A_119 = arith.constant 0 : i32
      "tpu.region"() ({
        %run_scoped3A_120 = tpu.sem_alloc : memref<!tpu.dma_semaphore, #tpu.memory_space<semaphore_mem>>
        %dma_start3A_121 = arith.constant 0 : i32
        %dma_start3A_122 = arith.constant 0 : i32
        %dma_start3A_123 = tpu.memref_slice %arg8[%run_scoped3A_119, %dma_start3A_121, %dma_start3A_122] : memref<4x128x64xf32, #tpu.memory_space<vmem>> -> memref<1x128x64xf32, #tpu.memory_space<vmem>>
        %dma_start3A_124 = tpu.memref_squeeze %dma_start3A_123 : memref<1x128x64xf32, #tpu.memory_space<vmem>> -> memref<128x64xf32, #tpu.memory_space<vmem>>
        %dma_start3A_125 = arith.constant 10112 : i32
        %dma_start3A_126 = arith.constant 0 : i32
        %dma_start3A_127 = tpu.memref_slice %arg10[%dma_start3A_125, %dma_start3A_126] : memref<10240x64xf32, #tpu.memory_space<vmem_shared>> -> memref<128x64xf32, #tpu.memory_space<vmem_shared>>
        %dma_start3A_128 = arith.constant 10112 : i32
        %dma_start3A_129 = arith.constant 0 : i32
        %dma_start3A_130 = tpu.memref_slice %arg10[%dma_start3A_128, %dma_start3A_129] : memref<10240x64xf32, #tpu.memory_space<vmem_shared>> -> memref<128x64xf32, #tpu.memory_space<vmem_shared>>
        %dma_start3A_131 = arith.constant 0 : i32
        %dma_start3A_132 = arith.constant 0 : i32
        %dma_start3A_133 = tpu.memref_slice %arg8[%run_scoped3A_119, %dma_start3A_131, %dma_start3A_132] : memref<4x128x64xf32, #tpu.memory_space<vmem>> -> memref<1x128x64xf32, #tpu.memory_space<vmem>>
        %dma_start3A_134 = tpu.memref_squeeze %dma_start3A_133 : memref<1x128x64xf32, #tpu.memory_space<vmem>> -> memref<128x64xf32, #tpu.memory_space<vmem>>
        tpu.enqueue_dma source(%dma_start3A_134 : memref<128x64xf32, #tpu.memory_space<vmem>>) target(%dma_start3A_130 : memref<128x64xf32, #tpu.memory_space<vmem_shared>>) target_semaphore(%run_scoped3A_120 : memref<!tpu.dma_semaphore, #tpu.memory_space<semaphore_mem>>)
        %dma_wait3A_135 = arith.constant 0 : i32
        %dma_wait3A_136 = arith.constant 0 : i32
        %dma_wait3A_137 = tpu.memref_slice %arg8[%run_scoped3A_119, %dma_wait3A_135, %dma_wait3A_136] : memref<4x128x64xf32, #tpu.memory_space<vmem>> -> memref<1x128x64xf32, #tpu.memory_space<vmem>>
        %dma_wait3A_138 = tpu.memref_squeeze %dma_wait3A_137 : memref<1x128x64xf32, #tpu.memory_space<vmem>> -> memref<128x64xf32, #tpu.memory_space<vmem>>
        %dma_wait3A_139 = arith.constant 10112 : i32
        %dma_wait3A_140 = arith.constant 0 : i32
        %dma_wait3A_141 = tpu.memref_slice %arg10[%dma_wait3A_139, %dma_wait3A_140] : memref<10240x64xf32, #tpu.memory_space<vmem_shared>> -> memref<128x64xf32, #tpu.memory_space<vmem_shared>>
        %dma_wait3A_142 = arith.constant 10112 : i32
        %dma_wait3A_143 = arith.constant 0 : i32
        %dma_wait3A_144 = tpu.memref_slice %arg10[%dma_wait3A_142, %dma_wait3A_143] : memref<10240x64xf32, #tpu.memory_space<vmem_shared>> -> memref<128x64xf32, #tpu.memory_space<vmem_shared>>
        %dma_wait3A_145 = arith.constant 0 : i32
        %dma_wait3A_146 = arith.constant 0 : i32
        %dma_wait3A_147 = tpu.memref_slice %arg8[%run_scoped3A_119, %dma_wait3A_145, %dma_wait3A_146] : memref<4x128x64xf32, #tpu.memory_space<vmem>> -> memref<1x128x64xf32, #tpu.memory_space<vmem>>
        %dma_wait3A_148 = tpu.memref_squeeze %dma_wait3A_147 : memref<1x128x64xf32, #tpu.memory_space<vmem>> -> memref<128x64xf32, #tpu.memory_space<vmem>>
        tpu.wait_dma2 semaphore(%run_scoped3A_120 : memref<!tpu.dma_semaphore, #tpu.memory_space<semaphore_mem>>) src(%dma_wait3A_148 : memref<128x64xf32, #tpu.memory_space<vmem>>) dst(%dma_wait3A_144 : memref<128x64xf32, #tpu.memory_space<vmem_shared>>)
        tpu.yield
      }) : () -> ()
    } else {
    }
    %ne3A = arith.constant 0 : i32
    %ne3A_41 = arith.cmpi ne, %arg0, %ne3A : i32
    %gt3A = arith.constant 15 : i32
    %gt3A_42 = arith.cmpi sgt, %arg1, %gt3A : i32
    %or3A = arith.ori %ne3A_41, %gt3A_42 : i1
    %convert_element_type3A_43 = arith.extui %or3A : i1 to i32
    %cond3A_44 = arith.constant 0 : i32
    %cond3A_45 = arith.cmpi ne, %convert_element_type3A_43, %cond3A_44 : i32
    scf.if %cond3A_45 {
      %add3A_119 = arith.constant 0 : i32
      %add3A_120 = arith.addi %mul3A_2, %add3A_119 : i32
      %run_scoped3A = arith.constant 0 : i32
      "tpu.region"() ({
        %run_scoped3A_133 = tpu.sem_alloc : memref<!tpu.dma_semaphore, #tpu.memory_space<semaphore_mem>>
        %dma_start3A_134 = arith.constant 0 : i32
        %dma_start3A_135 = arith.constant 0 : i32
        %dma_start3A_136 = tpu.memref_slice %arg8[%run_scoped3A, %dma_start3A_134, %dma_start3A_135] : memref<4x128x64xf32, #tpu.memory_space<vmem>> -> memref<1x128x64xf32, #tpu.memory_space<vmem>>
        %dma_start3A_137 = tpu.memref_squeeze %dma_start3A_136 : memref<1x128x64xf32, #tpu.memory_space<vmem>> -> memref<128x64xf32, #tpu.memory_space<vmem>>
        %dma_start3A_138 = arith.constant 0 : i32
        %dma_start3A_139 = tpu.memref_slice %arg10[%add3A_120, %dma_start3A_138] : memref<10240x64xf32, #tpu.memory_space<vmem_shared>> -> memref<128x64xf32, #tpu.memory_space<vmem_shared>>
        %dma_start3A_140 = arith.constant 0 : i32
        %dma_start3A_141 = tpu.memref_slice %arg10[%add3A_120, %dma_start3A_140] : memref<10240x64xf32, #tpu.memory_space<vmem_shared>> -> memref<128x64xf32, #tpu.memory_space<vmem_shared>>
        %dma_start3A_142 = arith.constant 0 : i32
        %dma_start3A_143 = arith.constant 0 : i32
        %dma_start3A_144 = tpu.memref_slice %arg8[%run_scoped3A, %dma_start3A_142, %dma_start3A_143] : memref<4x128x64xf32, #tpu.memory_space<vmem>> -> memref<1x128x64xf32, #tpu.memory_space<vmem>>
        %dma_start3A_145 = tpu.memref_squeeze %dma_start3A_144 : memref<1x128x64xf32, #tpu.memory_space<vmem>> -> memref<128x64xf32, #tpu.memory_space<vmem>>
        tpu.enqueue_dma source(%dma_start3A_145 : memref<128x64xf32, #tpu.memory_space<vmem>>) target(%dma_start3A_141 : memref<128x64xf32, #tpu.memory_space<vmem_shared>>) target_semaphore(%run_scoped3A_133 : memref<!tpu.dma_semaphore, #tpu.memory_space<semaphore_mem>>)
        %dma_wait3A_146 = arith.constant 0 : i32
        %dma_wait3A_147 = arith.constant 0 : i32
        %dma_wait3A_148 = tpu.memref_slice %arg8[%run_scoped3A, %dma_wait3A_146, %dma_wait3A_147] : memref<4x128x64xf32, #tpu.memory_space<vmem>> -> memref<1x128x64xf32, #tpu.memory_space<vmem>>
        %dma_wait3A_149 = tpu.memref_squeeze %dma_wait3A_148 : memref<1x128x64xf32, #tpu.memory_space<vmem>> -> memref<128x64xf32, #tpu.memory_space<vmem>>
        %dma_wait3A_150 = arith.constant 0 : i32
        %dma_wait3A_151 = tpu.memref_slice %arg10[%add3A_120, %dma_wait3A_150] : memref<10240x64xf32, #tpu.memory_space<vmem_shared>> -> memref<128x64xf32, #tpu.memory_space<vmem_shared>>
        %dma_wait3A_152 = arith.constant 0 : i32
        %dma_wait3A_153 = tpu.memref_slice %arg10[%add3A_120, %dma_wait3A_152] : memref<10240x64xf32, #tpu.memory_space<vmem_shared>> -> memref<128x64xf32, #tpu.memory_space<vmem_shared>>
        %dma_wait3A_154 = arith.constant 0 : i32
        %dma_wait3A_155 = arith.constant 0 : i32
        %dma_wait3A_156 = tpu.memref_slice %arg8[%run_scoped3A, %dma_wait3A_154, %dma_wait3A_155] : memref<4x128x64xf32, #tpu.memory_space<vmem>> -> memref<1x128x64xf32, #tpu.memory_space<vmem>>
        %dma_wait3A_157 = tpu.memref_squeeze %dma_wait3A_156 : memref<1x128x64xf32, #tpu.memory_space<vmem>> -> memref<128x64xf32, #tpu.memory_space<vmem>>
        tpu.wait_dma2 semaphore(%run_scoped3A_133 : memref<!tpu.dma_semaphore, #tpu.memory_space<semaphore_mem>>) src(%dma_wait3A_157 : memref<128x64xf32, #tpu.memory_space<vmem>>) dst(%dma_wait3A_153 : memref<128x64xf32, #tpu.memory_space<vmem_shared>>)
        tpu.yield
      }) : () -> ()
      %add3A_121 = arith.constant 128 : i32
      %add3A_122 = arith.addi %mul3A_2, %add3A_121 : i32
      %run_scoped3A_123 = arith.constant 0 : i32
      "tpu.region"() ({
        %run_scoped3A_133 = tpu.sem_alloc : memref<!tpu.dma_semaphore, #tpu.memory_space<semaphore_mem>>
        %dma_start3A_134 = arith.constant 0 : i32
        %dma_start3A_135 = arith.constant 0 : i32
        %dma_start3A_136 = tpu.memref_slice %arg8[%run_scoped3A_123, %dma_start3A_134, %dma_start3A_135] : memref<4x128x64xf32, #tpu.memory_space<vmem>> -> memref<1x128x64xf32, #tpu.memory_space<vmem>>
        %dma_start3A_137 = tpu.memref_squeeze %dma_start3A_136 : memref<1x128x64xf32, #tpu.memory_space<vmem>> -> memref<128x64xf32, #tpu.memory_space<vmem>>
        %dma_start3A_138 = arith.constant 0 : i32
        %dma_start3A_139 = tpu.memref_slice %arg10[%add3A_122, %dma_start3A_138] : memref<10240x64xf32, #tpu.memory_space<vmem_shared>> -> memref<128x64xf32, #tpu.memory_space<vmem_shared>>
        %dma_start3A_140 = arith.constant 0 : i32
        %dma_start3A_141 = tpu.memref_slice %arg10[%add3A_122, %dma_start3A_140] : memref<10240x64xf32, #tpu.memory_space<vmem_shared>> -> memref<128x64xf32, #tpu.memory_space<vmem_shared>>
        %dma_start3A_142 = arith.constant 0 : i32
        %dma_start3A_143 = arith.constant 0 : i32
        %dma_start3A_144 = tpu.memref_slice %arg8[%run_scoped3A_123, %dma_start3A_142, %dma_start3A_143] : memref<4x128x64xf32, #tpu.memory_space<vmem>> -> memref<1x128x64xf32, #tpu.memory_space<vmem>>
        %dma_start3A_145 = tpu.memref_squeeze %dma_start3A_144 : memref<1x128x64xf32, #tpu.memory_space<vmem>> -> memref<128x64xf32, #tpu.memory_space<vmem>>
        tpu.enqueue_dma source(%dma_start3A_145 : memref<128x64xf32, #tpu.memory_space<vmem>>) target(%dma_start3A_141 : memref<128x64xf32, #tpu.memory_space<vmem_shared>>) target_semaphore(%run_scoped3A_133 : memref<!tpu.dma_semaphore, #tpu.memory_space<semaphore_mem>>)
        %dma_wait3A_146 = arith.constant 0 : i32
        %dma_wait3A_147 = arith.constant 0 : i32
        %dma_wait3A_148 = tpu.memref_slice %arg8[%run_scoped3A_123, %dma_wait3A_146, %dma_wait3A_147] : memref<4x128x64xf32, #tpu.memory_space<vmem>> -> memref<1x128x64xf32, #tpu.memory_space<vmem>>
        %dma_wait3A_149 = tpu.memref_squeeze %dma_wait3A_148 : memref<1x128x64xf32, #tpu.memory_space<vmem>> -> memref<128x64xf32, #tpu.memory_space<vmem>>
        %dma_wait3A_150 = arith.constant 0 : i32
        %dma_wait3A_151 = tpu.memref_slice %arg10[%add3A_122, %dma_wait3A_150] : memref<10240x64xf32, #tpu.memory_space<vmem_shared>> -> memref<128x64xf32, #tpu.memory_space<vmem_shared>>
        %dma_wait3A_152 = arith.constant 0 : i32
        %dma_wait3A_153 = tpu.memref_slice %arg10[%add3A_122, %dma_wait3A_152] : memref<10240x64xf32, #tpu.memory_space<vmem_shared>> -> memref<128x64xf32, #tpu.memory_space<vmem_shared>>
        %dma_wait3A_154 = arith.constant 0 : i32
        %dma_wait3A_155 = arith.constant 0 : i32
        %dma_wait3A_156 = tpu.memref_slice %arg8[%run_scoped3A_123, %dma_wait3A_154, %dma_wait3A_155] : memref<4x128x64xf32, #tpu.memory_space<vmem>> -> memref<1x128x64xf32, #tpu.memory_space<vmem>>
        %dma_wait3A_157 = tpu.memref_squeeze %dma_wait3A_156 : memref<1x128x64xf32, #tpu.memory_space<vmem>> -> memref<128x64xf32, #tpu.memory_space<vmem>>
        tpu.wait_dma2 semaphore(%run_scoped3A_133 : memref<!tpu.dma_semaphore, #tpu.memory_space<semaphore_mem>>) src(%dma_wait3A_157 : memref<128x64xf32, #tpu.memory_space<vmem>>) dst(%dma_wait3A_153 : memref<128x64xf32, #tpu.memory_space<vmem_shared>>)
        tpu.yield
      }) : () -> ()
      %add3A_124 = arith.constant 256 : i32
      %add3A_125 = arith.addi %mul3A_2, %add3A_124 : i32
      %run_scoped3A_126 = arith.constant 0 : i32
      "tpu.region"() ({
        %run_scoped3A_133 = tpu.sem_alloc : memref<!tpu.dma_semaphore, #tpu.memory_space<semaphore_mem>>
        %dma_start3A_134 = arith.constant 0 : i32
        %dma_start3A_135 = arith.constant 0 : i32
        %dma_start3A_136 = tpu.memref_slice %arg8[%run_scoped3A_126, %dma_start3A_134, %dma_start3A_135] : memref<4x128x64xf32, #tpu.memory_space<vmem>> -> memref<1x128x64xf32, #tpu.memory_space<vmem>>
        %dma_start3A_137 = tpu.memref_squeeze %dma_start3A_136 : memref<1x128x64xf32, #tpu.memory_space<vmem>> -> memref<128x64xf32, #tpu.memory_space<vmem>>
        %dma_start3A_138 = arith.constant 0 : i32
        %dma_start3A_139 = tpu.memref_slice %arg10[%add3A_125, %dma_start3A_138] : memref<10240x64xf32, #tpu.memory_space<vmem_shared>> -> memref<128x64xf32, #tpu.memory_space<vmem_shared>>
        %dma_start3A_140 = arith.constant 0 : i32
        %dma_start3A_141 = tpu.memref_slice %arg10[%add3A_125, %dma_start3A_140] : memref<10240x64xf32, #tpu.memory_space<vmem_shared>> -> memref<128x64xf32, #tpu.memory_space<vmem_shared>>
        %dma_start3A_142 = arith.constant 0 : i32
        %dma_start3A_143 = arith.constant 0 : i32
        %dma_start3A_144 = tpu.memref_slice %arg8[%run_scoped3A_126, %dma_start3A_142, %dma_start3A_143] : memref<4x128x64xf32, #tpu.memory_space<vmem>> -> memref<1x128x64xf32, #tpu.memory_space<vmem>>
        %dma_start3A_145 = tpu.memref_squeeze %dma_start3A_144 : memref<1x128x64xf32, #tpu.memory_space<vmem>> -> memref<128x64xf32, #tpu.memory_space<vmem>>
        tpu.enqueue_dma source(%dma_start3A_145 : memref<128x64xf32, #tpu.memory_space<vmem>>) target(%dma_start3A_141 : memref<128x64xf32, #tpu.memory_space<vmem_shared>>) target_semaphore(%run_scoped3A_133 : memref<!tpu.dma_semaphore, #tpu.memory_space<semaphore_mem>>)
        %dma_wait3A_146 = arith.constant 0 : i32
        %dma_wait3A_147 = arith.constant 0 : i32
        %dma_wait3A_148 = tpu.memref_slice %arg8[%run_scoped3A_126, %dma_wait3A_146, %dma_wait3A_147] : memref<4x128x64xf32, #tpu.memory_space<vmem>> -> memref<1x128x64xf32, #tpu.memory_space<vmem>>
        %dma_wait3A_149 = tpu.memref_squeeze %dma_wait3A_148 : memref<1x128x64xf32, #tpu.memory_space<vmem>> -> memref<128x64xf32, #tpu.memory_space<vmem>>
        %dma_wait3A_150 = arith.constant 0 : i32
        %dma_wait3A_151 = tpu.memref_slice %arg10[%add3A_125, %dma_wait3A_150] : memref<10240x64xf32, #tpu.memory_space<vmem_shared>> -> memref<128x64xf32, #tpu.memory_space<vmem_shared>>
        %dma_wait3A_152 = arith.constant 0 : i32
        %dma_wait3A_153 = tpu.memref_slice %arg10[%add3A_125, %dma_wait3A_152] : memref<10240x64xf32, #tpu.memory_space<vmem_shared>> -> memref<128x64xf32, #tpu.memory_space<vmem_shared>>
        %dma_wait3A_154 = arith.constant 0 : i32
        %dma_wait3A_155 = arith.constant 0 : i32
        %dma_wait3A_156 = tpu.memref_slice %arg8[%run_scoped3A_126, %dma_wait3A_154, %dma_wait3A_155] : memref<4x128x64xf32, #tpu.memory_space<vmem>> -> memref<1x128x64xf32, #tpu.memory_space<vmem>>
        %dma_wait3A_157 = tpu.memref_squeeze %dma_wait3A_156 : memref<1x128x64xf32, #tpu.memory_space<vmem>> -> memref<128x64xf32, #tpu.memory_space<vmem>>
        tpu.wait_dma2 semaphore(%run_scoped3A_133 : memref<!tpu.dma_semaphore, #tpu.memory_space<semaphore_mem>>) src(%dma_wait3A_157 : memref<128x64xf32, #tpu.memory_space<vmem>>) dst(%dma_wait3A_153 : memref<128x64xf32, #tpu.memory_space<vmem_shared>>)
        tpu.yield
      }) : () -> ()
      %add3A_127 = arith.constant 384 : i32
      %add3A_128 = arith.addi %mul3A_2, %add3A_127 : i32
      %run_scoped3A_129 = arith.constant 0 : i32
      "tpu.region"() ({
        %run_scoped3A_133 = tpu.sem_alloc : memref<!tpu.dma_semaphore, #tpu.memory_space<semaphore_mem>>
        %dma_start3A_134 = arith.constant 0 : i32
        %dma_start3A_135 = arith.constant 0 : i32
        %dma_start3A_136 = tpu.memref_slice %arg8[%run_scoped3A_129, %dma_start3A_134, %dma_start3A_135] : memref<4x128x64xf32, #tpu.memory_space<vmem>> -> memref<1x128x64xf32, #tpu.memory_space<vmem>>
        %dma_start3A_137 = tpu.memref_squeeze %dma_start3A_136 : memref<1x128x64xf32, #tpu.memory_space<vmem>> -> memref<128x64xf32, #tpu.memory_space<vmem>>
        %dma_start3A_138 = arith.constant 0 : i32
        %dma_start3A_139 = tpu.memref_slice %arg10[%add3A_128, %dma_start3A_138] : memref<10240x64xf32, #tpu.memory_space<vmem_shared>> -> memref<128x64xf32, #tpu.memory_space<vmem_shared>>
        %dma_start3A_140 = arith.constant 0 : i32
        %dma_start3A_141 = tpu.memref_slice %arg10[%add3A_128, %dma_start3A_140] : memref<10240x64xf32, #tpu.memory_space<vmem_shared>> -> memref<128x64xf32, #tpu.memory_space<vmem_shared>>
        %dma_start3A_142 = arith.constant 0 : i32
        %dma_start3A_143 = arith.constant 0 : i32
        %dma_start3A_144 = tpu.memref_slice %arg8[%run_scoped3A_129, %dma_start3A_142, %dma_start3A_143] : memref<4x128x64xf32, #tpu.memory_space<vmem>> -> memref<1x128x64xf32, #tpu.memory_space<vmem>>
        %dma_start3A_145 = tpu.memref_squeeze %dma_start3A_144 : memref<1x128x64xf32, #tpu.memory_space<vmem>> -> memref<128x64xf32, #tpu.memory_space<vmem>>
        tpu.enqueue_dma source(%dma_start3A_145 : memref<128x64xf32, #tpu.memory_space<vmem>>) target(%dma_start3A_141 : memref<128x64xf32, #tpu.memory_space<vmem_shared>>) target_semaphore(%run_scoped3A_133 : memref<!tpu.dma_semaphore, #tpu.memory_space<semaphore_mem>>)
        %dma_wait3A_146 = arith.constant 0 : i32
        %dma_wait3A_147 = arith.constant 0 : i32
        %dma_wait3A_148 = tpu.memref_slice %arg8[%run_scoped3A_129, %dma_wait3A_146, %dma_wait3A_147] : memref<4x128x64xf32, #tpu.memory_space<vmem>> -> memref<1x128x64xf32, #tpu.memory_space<vmem>>
        %dma_wait3A_149 = tpu.memref_squeeze %dma_wait3A_148 : memref<1x128x64xf32, #tpu.memory_space<vmem>> -> memref<128x64xf32, #tpu.memory_space<vmem>>
        %dma_wait3A_150 = arith.constant 0 : i32
        %dma_wait3A_151 = tpu.memref_slice %arg10[%add3A_128, %dma_wait3A_150] : memref<10240x64xf32, #tpu.memory_space<vmem_shared>> -> memref<128x64xf32, #tpu.memory_space<vmem_shared>>
        %dma_wait3A_152 = arith.constant 0 : i32
        %dma_wait3A_153 = tpu.memref_slice %arg10[%add3A_128, %dma_wait3A_152] : memref<10240x64xf32, #tpu.memory_space<vmem_shared>> -> memref<128x64xf32, #tpu.memory_space<vmem_shared>>
        %dma_wait3A_154 = arith.constant 0 : i32
        %dma_wait3A_155 = arith.constant 0 : i32
        %dma_wait3A_156 = tpu.memref_slice %arg8[%run_scoped3A_129, %dma_wait3A_154, %dma_wait3A_155] : memref<4x128x64xf32, #tpu.memory_space<vmem>> -> memref<1x128x64xf32, #tpu.memory_space<vmem>>
        %dma_wait3A_157 = tpu.memref_squeeze %dma_wait3A_156 : memref<1x128x64xf32, #tpu.memory_space<vmem>> -> memref<128x64xf32, #tpu.memory_space<vmem>>
        tpu.wait_dma2 semaphore(%run_scoped3A_133 : memref<!tpu.dma_semaphore, #tpu.memory_space<semaphore_mem>>) src(%dma_wait3A_157 : memref<128x64xf32, #tpu.memory_space<vmem>>) dst(%dma_wait3A_153 : memref<128x64xf32, #tpu.memory_space<vmem_shared>>)
        tpu.yield
      }) : () -> ()
      %add3A_130 = arith.constant 512 : i32
      %add3A_131 = arith.addi %mul3A_2, %add3A_130 : i32
      %run_scoped3A_132 = arith.constant 0 : i32
      "tpu.region"() ({
        %run_scoped3A_133 = tpu.sem_alloc : memref<!tpu.dma_semaphore, #tpu.memory_space<semaphore_mem>>
        %dma_start3A_134 = arith.constant 0 : i32
        %dma_start3A_135 = arith.constant 0 : i32
        %dma_start3A_136 = tpu.memref_slice %arg8[%run_scoped3A_132, %dma_start3A_134, %dma_start3A_135] : memref<4x128x64xf32, #tpu.memory_space<vmem>> -> memref<1x128x64xf32, #tpu.memory_space<vmem>>
        %dma_start3A_137 = tpu.memref_squeeze %dma_start3A_136 : memref<1x128x64xf32, #tpu.memory_space<vmem>> -> memref<128x64xf32, #tpu.memory_space<vmem>>
        %dma_start3A_138 = arith.constant 0 : i32
        %dma_start3A_139 = tpu.memref_slice %arg10[%add3A_131, %dma_start3A_138] : memref<10240x64xf32, #tpu.memory_space<vmem_shared>> -> memref<128x64xf32, #tpu.memory_space<vmem_shared>>
        %dma_start3A_140 = arith.constant 0 : i32
        %dma_start3A_141 = tpu.memref_slice %arg10[%add3A_131, %dma_start3A_140] : memref<10240x64xf32, #tpu.memory_space<vmem_shared>> -> memref<128x64xf32, #tpu.memory_space<vmem_shared>>
        %dma_start3A_142 = arith.constant 0 : i32
        %dma_start3A_143 = arith.constant 0 : i32
        %dma_start3A_144 = tpu.memref_slice %arg8[%run_scoped3A_132, %dma_start3A_142, %dma_start3A_143] : memref<4x128x64xf32, #tpu.memory_space<vmem>> -> memref<1x128x64xf32, #tpu.memory_space<vmem>>
        %dma_start3A_145 = tpu.memref_squeeze %dma_start3A_144 : memref<1x128x64xf32, #tpu.memory_space<vmem>> -> memref<128x64xf32, #tpu.memory_space<vmem>>
        tpu.enqueue_dma source(%dma_start3A_145 : memref<128x64xf32, #tpu.memory_space<vmem>>) target(%dma_start3A_141 : memref<128x64xf32, #tpu.memory_space<vmem_shared>>) target_semaphore(%run_scoped3A_133 : memref<!tpu.dma_semaphore, #tpu.memory_space<semaphore_mem>>)
        %dma_wait3A_146 = arith.constant 0 : i32
        %dma_wait3A_147 = arith.constant 0 : i32
        %dma_wait3A_148 = tpu.memref_slice %arg8[%run_scoped3A_132, %dma_wait3A_146, %dma_wait3A_147] : memref<4x128x64xf32, #tpu.memory_space<vmem>> -> memref<1x128x64xf32, #tpu.memory_space<vmem>>
        %dma_wait3A_149 = tpu.memref_squeeze %dma_wait3A_148 : memref<1x128x64xf32, #tpu.memory_space<vmem>> -> memref<128x64xf32, #tpu.memory_space<vmem>>
        %dma_wait3A_150 = arith.constant 0 : i32
        %dma_wait3A_151 = tpu.memref_slice %arg10[%add3A_131, %dma_wait3A_150] : memref<10240x64xf32, #tpu.memory_space<vmem_shared>> -> memref<128x64xf32, #tpu.memory_space<vmem_shared>>
        %dma_wait3A_152 = arith.constant 0 : i32
        %dma_wait3A_153 = tpu.memref_slice %arg10[%add3A_131, %dma_wait3A_152] : memref<10240x64xf32, #tpu.memory_space<vmem_shared>> -> memref<128x64xf32, #tpu.memory_space<vmem_shared>>
        %dma_wait3A_154 = arith.constant 0 : i32
        %dma_wait3A_155 = arith.constant 0 : i32
        %dma_wait3A_156 = tpu.memref_slice %arg8[%run_scoped3A_132, %dma_wait3A_154, %dma_wait3A_155] : memref<4x128x64xf32, #tpu.memory_space<vmem>> -> memref<1x128x64xf32, #tpu.memory_space<vmem>>
        %dma_wait3A_157 = tpu.memref_squeeze %dma_wait3A_156 : memref<1x128x64xf32, #tpu.memory_space<vmem>> -> memref<128x64xf32, #tpu.memory_space<vmem>>
        tpu.wait_dma2 semaphore(%run_scoped3A_133 : memref<!tpu.dma_semaphore, #tpu.memory_space<semaphore_mem>>) src(%dma_wait3A_157 : memref<128x64xf32, #tpu.memory_space<vmem>>) dst(%dma_wait3A_153 : memref<128x64xf32, #tpu.memory_space<vmem_shared>>)
        tpu.yield
      }) : () -> ()
    } else {
    }
    %dma_wait3A = arith.constant 0 : i32
    %dma_wait3A_46 = arith.constant 0 : i32
    %dma_wait3A_47 = arith.constant 0 : i32
    %dma_wait3A_48 = tpu.memref_slice %arg4[%add3A, %dma_wait3A_46, %dma_wait3A_47] : memref<32x40x128xi32, #tpu.memory_space<hbm>> -> memref<1x40x128xi32, #tpu.memory_space<hbm>>
    %dma_wait3A_49 = tpu.memref_squeeze %dma_wait3A_48 : memref<1x40x128xi32, #tpu.memory_space<hbm>> -> memref<40x128xi32, #tpu.memory_space<hbm>>
    %dma_wait3A_50 = tpu.memref_slice %arg11[%dma_wait3A] : memref<4x!tpu.dma_semaphore, #tpu.memory_space<semaphore_mem>> -> memref<1x!tpu.dma_semaphore, #tpu.memory_space<semaphore_mem>>
    %dma_wait3A_51 = tpu.memref_squeeze %dma_wait3A_50 : memref<1x!tpu.dma_semaphore, #tpu.memory_space<semaphore_mem>> -> memref<!tpu.dma_semaphore, #tpu.memory_space<semaphore_mem>>
    %dma_wait3A_52 = arith.constant 0 : i32
    %dma_wait3A_53 = arith.constant 0 : i32
    %dma_wait3A_54 = tpu.memref_slice %arg4[%add3A, %dma_wait3A_52, %dma_wait3A_53] : memref<32x40x128xi32, #tpu.memory_space<hbm>> -> memref<1x40x128xi32, #tpu.memory_space<hbm>>
    %dma_wait3A_55 = tpu.memref_squeeze %dma_wait3A_54 : memref<1x40x128xi32, #tpu.memory_space<hbm>> -> memref<40x128xi32, #tpu.memory_space<hbm>>
    tpu.wait_dma2 semaphore(%dma_wait3A_51 : memref<!tpu.dma_semaphore, #tpu.memory_space<semaphore_mem>>) src(%dma_wait3A_55 : memref<40x128xi32, #tpu.memory_space<hbm>>) dst(%arg7 : memref<40x128xi32, #tpu.memory_space<vmem>>)
    %dma_wait3A_56 = arith.constant 1 : i32
    %dma_wait3A_57 = arith.constant 0 : i32
    %dma_wait3A_58 = arith.constant 0 : i32
    %dma_wait3A_59 = tpu.memref_slice %arg3[%add3A, %dma_wait3A_57, %dma_wait3A_58] : memref<32x40x128xi32, #tpu.memory_space<hbm>> -> memref<1x40x128xi32, #tpu.memory_space<hbm>>
    %dma_wait3A_60 = tpu.memref_squeeze %dma_wait3A_59 : memref<1x40x128xi32, #tpu.memory_space<hbm>> -> memref<40x128xi32, #tpu.memory_space<hbm>>
    %dma_wait3A_61 = tpu.memref_slice %arg11[%dma_wait3A_56] : memref<4x!tpu.dma_semaphore, #tpu.memory_space<semaphore_mem>> -> memref<1x!tpu.dma_semaphore, #tpu.memory_space<semaphore_mem>>
    %dma_wait3A_62 = tpu.memref_squeeze %dma_wait3A_61 : memref<1x!tpu.dma_semaphore, #tpu.memory_space<semaphore_mem>> -> memref<!tpu.dma_semaphore, #tpu.memory_space<semaphore_mem>>
    %dma_wait3A_63 = arith.constant 0 : i32
    %dma_wait3A_64 = arith.constant 0 : i32
    %dma_wait3A_65 = tpu.memref_slice %arg3[%add3A, %dma_wait3A_63, %dma_wait3A_64] : memref<32x40x128xi32, #tpu.memory_space<hbm>> -> memref<1x40x128xi32, #tpu.memory_space<hbm>>
    %dma_wait3A_66 = tpu.memref_squeeze %dma_wait3A_65 : memref<1x40x128xi32, #tpu.memory_space<hbm>> -> memref<40x128xi32, #tpu.memory_space<hbm>>
    tpu.wait_dma2 semaphore(%dma_wait3A_62 : memref<!tpu.dma_semaphore, #tpu.memory_space<semaphore_mem>>) src(%dma_wait3A_66 : memref<40x128xi32, #tpu.memory_space<hbm>>) dst(%arg6 : memref<40x128xi32, #tpu.memory_space<vmem>>)
    %barrier3A = arith.constant 0 : index
    tpu.barrier barrier_id(%barrier3A)
    %dma_start3A_67 = arith.constant 0 : i32
    %dma_start3A_68 = arith.constant 0 : i32
    %dma_start3A_69 = arith.constant 0 : i32
    %dma_start3A_70 = arith.constant 0 : i32
    %dma_start3A_71 = arith.constant 0 : i32
    %dma_start3A_72 = tpu.memref_slice %arg8[%dma_start3A_68, %dma_start3A_70, %dma_start3A_71] : memref<4x128x64xf32, #tpu.memory_space<vmem>> -> memref<1x128x64xf32, #tpu.memory_space<vmem>>
    %dma_start3A_73 = tpu.memref_squeeze %dma_start3A_72 : memref<1x128x64xf32, #tpu.memory_space<vmem>> -> memref<128x64xf32, #tpu.memory_space<vmem>>
    %dma_start3A_74 = arith.constant 0 : i32
    %dma_start3A_75 = tpu.memref_slice %arg6[%dma_start3A_67, %dma_start3A_74] : memref<40x128xi32, #tpu.memory_space<vmem>> -> memref<1x128xi32, #tpu.memory_space<vmem>>
    %dma_start3A_76 = tpu.memref_squeeze %dma_start3A_75 : memref<1x128xi32, #tpu.memory_space<vmem>> -> memref<128xi32, #tpu.memory_space<vmem>>
    %dma_start3A_77 = arith.constant 0 : i32
    %dma_start3A_78 = arith.constant 0 : i32
    %dma_start3A_79 = tpu.memref_slice %arg2[%dma_start3A_77, %dma_start3A_78] : memref<10000x64xf32, #tpu.memory_space<hbm>> -> memref<10000x64xf32, #tpu.memory_space<hbm>>
    %dma_start3A_80 = tpu.memref_slice %arg11[%dma_start3A_69] : memref<4x!tpu.dma_semaphore, #tpu.memory_space<semaphore_mem>> -> memref<1x!tpu.dma_semaphore, #tpu.memory_space<semaphore_mem>>
    %dma_start3A_81 = tpu.memref_squeeze %dma_start3A_80 : memref<1x!tpu.dma_semaphore, #tpu.memory_space<semaphore_mem>> -> memref<!tpu.dma_semaphore, #tpu.memory_space<semaphore_mem>>
    tpu.enqueue_indirect_dma source(%dma_start3A_79 : memref<10000x64xf32, #tpu.memory_space<hbm>>) target(%dma_start3A_73 : memref<128x64xf32, #tpu.memory_space<vmem>>) offsets(%dma_start3A_76 : memref<128xi32, #tpu.memory_space<vmem>>) semaphore(%dma_start3A_81 : memref<!tpu.dma_semaphore, #tpu.memory_space<semaphore_mem>>)
    %dma_start3A_82 = arith.constant 1 : i32
    %dma_start3A_83 = arith.constant 1 : i32
    %dma_start3A_84 = arith.constant 1 : i32
    %dma_start3A_85 = arith.constant 0 : i32
    %dma_start3A_86 = arith.constant 0 : i32
    %dma_start3A_87 = tpu.memref_slice %arg8[%dma_start3A_83, %dma_start3A_85, %dma_start3A_86] : memref<4x128x64xf32, #tpu.memory_space<vmem>> -> memref<1x128x64xf32, #tpu.memory_space<vmem>>
    %dma_start3A_88 = tpu.memref_squeeze %dma_start3A_87 : memref<1x128x64xf32, #tpu.memory_space<vmem>> -> memref<128x64xf32, #tpu.memory_space<vmem>>
    %dma_start3A_89 = arith.constant 0 : i32
    %dma_start3A_90 = tpu.memref_slice %arg6[%dma_start3A_82, %dma_start3A_89] : memref<40x128xi32, #tpu.memory_space<vmem>> -> memref<1x128xi32, #tpu.memory_space<vmem>>
    %dma_start3A_91 = tpu.memref_squeeze %dma_start3A_90 : memref<1x128xi32, #tpu.memory_space<vmem>> -> memref<128xi32, #tpu.memory_space<vmem>>
    %dma_start3A_92 = arith.constant 0 : i32
    %dma_start3A_93 = arith.constant 0 : i32
    %dma_start3A_94 = tpu.memref_slice %arg2[%dma_start3A_92, %dma_start3A_93] : memref<10000x64xf32, #tpu.memory_space<hbm>> -> memref<10000x64xf32, #tpu.memory_space<hbm>>
    %dma_start3A_95 = tpu.memref_slice %arg11[%dma_start3A_84] : memref<4x!tpu.dma_semaphore, #tpu.memory_space<semaphore_mem>> -> memref<1x!tpu.dma_semaphore, #tpu.memory_space<semaphore_mem>>
    %dma_start3A_96 = tpu.memref_squeeze %dma_start3A_95 : memref<1x!tpu.dma_semaphore, #tpu.memory_space<semaphore_mem>> -> memref<!tpu.dma_semaphore, #tpu.memory_space<semaphore_mem>>
    tpu.enqueue_indirect_dma source(%dma_start3A_94 : memref<10000x64xf32, #tpu.memory_space<hbm>>) target(%dma_start3A_88 : memref<128x64xf32, #tpu.memory_space<vmem>>) offsets(%dma_start3A_91 : memref<128xi32, #tpu.memory_space<vmem>>) semaphore(%dma_start3A_96 : memref<!tpu.dma_semaphore, #tpu.memory_space<semaphore_mem>>)
    %dma_start3A_97 = arith.constant 2 : i32
    %dma_start3A_98 = arith.constant 2 : i32
    %dma_start3A_99 = arith.constant 2 : i32
    %dma_start3A_100 = arith.constant 0 : i32
    %dma_start3A_101 = arith.constant 0 : i32
    %dma_start3A_102 = tpu.memref_slice %arg8[%dma_start3A_98, %dma_start3A_100, %dma_start3A_101] : memref<4x128x64xf32, #tpu.memory_space<vmem>> -> memref<1x128x64xf32, #tpu.memory_space<vmem>>
    %dma_start3A_103 = tpu.memref_squeeze %dma_start3A_102 : memref<1x128x64xf32, #tpu.memory_space<vmem>> -> memref<128x64xf32, #tpu.memory_space<vmem>>
    %dma_start3A_104 = arith.constant 0 : i32
    %dma_start3A_105 = tpu.memref_slice %arg6[%dma_start3A_97, %dma_start3A_104] : memref<40x128xi32, #tpu.memory_space<vmem>> -> memref<1x128xi32, #tpu.memory_space<vmem>>
    %dma_start3A_106 = tpu.memref_squeeze %dma_start3A_105 : memref<1x128xi32, #tpu.memory_space<vmem>> -> memref<128xi32, #tpu.memory_space<vmem>>
    %dma_start3A_107 = arith.constant 0 : i32
    %dma_start3A_108 = arith.constant 0 : i32
    %dma_start3A_109 = tpu.memref_slice %arg2[%dma_start3A_107, %dma_start3A_108] : memref<10000x64xf32, #tpu.memory_space<hbm>> -> memref<10000x64xf32, #tpu.memory_space<hbm>>
    %dma_start3A_110 = tpu.memref_slice %arg11[%dma_start3A_99] : memref<4x!tpu.dma_semaphore, #tpu.memory_space<semaphore_mem>> -> memref<1x!tpu.dma_semaphore, #tpu.memory_space<semaphore_mem>>
    %dma_start3A_111 = tpu.memref_squeeze %dma_start3A_110 : memref<1x!tpu.dma_semaphore, #tpu.memory_space<semaphore_mem>> -> memref<!tpu.dma_semaphore, #tpu.memory_space<semaphore_mem>>
    tpu.enqueue_indirect_dma source(%dma_start3A_109 : memref<10000x64xf32, #tpu.memory_space<hbm>>) target(%dma_start3A_103 : memref<128x64xf32, #tpu.memory_space<vmem>>) offsets(%dma_start3A_106 : memref<128xi32, #tpu.memory_space<vmem>>) semaphore(%dma_start3A_111 : memref<!tpu.dma_semaphore, #tpu.memory_space<semaphore_mem>>)
    %scan3A_112 = arith.constant 0 : i32
    %scan3A_113 = arith.constant 0 : i32
    %scan3A_114 = arith.constant 20 : i32
    %scan3A_115 = arith.addi %scan3A_113, %scan3A_114 : i32
    %scan3A_116 = arith.constant 1 : i32
    scf.for %scan3A_119 = %scan3A_113 to %scan3A_115 step %scan3A_116  : i32 {
      %mul3A_120 = arith.constant 2 : i32
      %mul3A_121 = arith.muli %scan3A_119, %mul3A_120 : i32
      %add3A_122 = arith.constant 0 : i32
      %add3A_123 = arith.addi %mul3A_121, %add3A_122 : i32
      %jit3A = arith.constant 4 : i32
      %eq3A_124 = arith.constant 0 : i32
      %eq3A_125 = arith.cmpi eq, %jit3A, %eq3A_124 : i32
      %jit3A_126 = arith.constant 1 : i32
      %select_n3A = arith.select %eq3A_125, %jit3A_126, %jit3A : i32
      %rem3A = arith.remsi %add3A_123, %select_n3A : i32
      %ne3A_127 = arith.constant 0 : i32
      %ne3A_128 = arith.cmpi ne, %rem3A, %ne3A_127 : i32
      %lt3A_129 = arith.constant 0 : i32
      %lt3A_130 = arith.cmpi slt, %rem3A, %lt3A_129 : i32
      %lt3A_131 = arith.constant 0 : i32
      %lt3A_132 = arith.cmpi slt, %select_n3A, %lt3A_131 : i32
      %ne3A_133 = arith.xori %lt3A_130, %lt3A_132 : i1
      %and3A_134 = arith.andi %ne3A_133, %ne3A_128 : i1
      %add3A_135 = arith.addi %rem3A, %select_n3A : i32
      %select_n3A_136 = arith.select %and3A_134, %add3A_135, %rem3A : i32
      %dma_wait3A_137 = arith.constant 0 : i32
      %dma_wait3A_138 = arith.constant 0 : i32
      %dma_wait3A_139 = tpu.memref_slice %arg8[%select_n3A_136, %dma_wait3A_137, %dma_wait3A_138] : memref<4x128x64xf32, #tpu.memory_space<vmem>> -> memref<1x128x64xf32, #tpu.memory_space<vmem>>
      %dma_wait3A_140 = tpu.memref_squeeze %dma_wait3A_139 : memref<1x128x64xf32, #tpu.memory_space<vmem>> -> memref<128x64xf32, #tpu.memory_space<vmem>>
      %dma_wait3A_141 = arith.constant 0 : i32
      %dma_wait3A_142 = tpu.memref_slice %arg6[%add3A_123, %dma_wait3A_141] : memref<40x128xi32, #tpu.memory_space<vmem>> -> memref<1x128xi32, #tpu.memory_space<vmem>>
      %dma_wait3A_143 = tpu.memref_squeeze %dma_wait3A_142 : memref<1x128xi32, #tpu.memory_space<vmem>> -> memref<128xi32, #tpu.memory_space<vmem>>
      %dma_wait3A_144 = arith.constant 0 : i32
      %dma_wait3A_145 = arith.constant 0 : i32
      %dma_wait3A_146 = tpu.memref_slice %arg2[%dma_wait3A_144, %dma_wait3A_145] : memref<10000x64xf32, #tpu.memory_space<hbm>> -> memref<10000x64xf32, #tpu.memory_space<hbm>>
      %dma_wait3A_147 = tpu.memref_slice %arg11[%select_n3A_136] : memref<4x!tpu.dma_semaphore, #tpu.memory_space<semaphore_mem>> -> memref<1x!tpu.dma_semaphore, #tpu.memory_space<semaphore_mem>>
      %dma_wait3A_148 = tpu.memref_squeeze %dma_wait3A_147 : memref<1x!tpu.dma_semaphore, #tpu.memory_space<semaphore_mem>> -> memref<!tpu.dma_semaphore, #tpu.memory_space<semaphore_mem>>
      tpu.wait_indirect_dma semaphore(%dma_wait3A_148 : memref<!tpu.dma_semaphore, #tpu.memory_space<semaphore_mem>>) src(%dma_wait3A_146 : memref<10000x64xf32, #tpu.memory_space<hbm>>) dst(%dma_wait3A_140 : memref<128x64xf32, #tpu.memory_space<vmem>>)
      "tpu.region"() ({
        %run_scoped3A = tpu.sem_alloc : memref<!tpu.dma_semaphore, #tpu.memory_space<semaphore_mem>>
        %dma_start3A_195 = arith.constant 0 : i32
        %dma_start3A_196 = arith.constant 0 : i32
        %dma_start3A_197 = tpu.memref_slice %arg8[%select_n3A_136, %dma_start3A_195, %dma_start3A_196] : memref<4x128x64xf32, #tpu.memory_space<vmem>> -> memref<1x128x64xf32, #tpu.memory_space<vmem>>
        %dma_start3A_198 = tpu.memref_squeeze %dma_start3A_197 : memref<1x128x64xf32, #tpu.memory_space<vmem>> -> memref<128x64xf32, #tpu.memory_space<vmem>>
        %dma_start3A_199 = arith.constant 0 : i32
        %dma_start3A_200 = tpu.memref_slice %arg7[%add3A_123, %dma_start3A_199] : memref<40x128xi32, #tpu.memory_space<vmem>> -> memref<1x128xi32, #tpu.memory_space<vmem>>
        %dma_start3A_201 = tpu.memref_squeeze %dma_start3A_200 : memref<1x128xi32, #tpu.memory_space<vmem>> -> memref<128xi32, #tpu.memory_space<vmem>>
        %dma_start3A_202 = arith.constant 0 : i32
        %dma_start3A_203 = arith.constant 0 : i32
        %dma_start3A_204 = tpu.memref_slice %arg10[%dma_start3A_202, %dma_start3A_203] : memref<10240x64xf32, #tpu.memory_space<vmem_shared>> -> memref<10240x64xf32, #tpu.memory_space<vmem_shared>>
        tpu.enqueue_indirect_dma source(%dma_start3A_198 : memref<128x64xf32, #tpu.memory_space<vmem>>) target(%dma_start3A_204 : memref<10240x64xf32, #tpu.memory_space<vmem_shared>>) offsets(%dma_start3A_201 : memref<128xi32, #tpu.memory_space<vmem>>) semaphore(%run_scoped3A : memref<!tpu.dma_semaphore, #tpu.memory_space<semaphore_mem>>) {add = true}
        %dma_wait3A_205 = arith.constant 0 : i32
        %dma_wait3A_206 = arith.constant 0 : i32
        %dma_wait3A_207 = tpu.memref_slice %arg8[%select_n3A_136, %dma_wait3A_205, %dma_wait3A_206] : memref<4x128x64xf32, #tpu.memory_space<vmem>> -> memref<1x128x64xf32, #tpu.memory_space<vmem>>
        %dma_wait3A_208 = tpu.memref_squeeze %dma_wait3A_207 : memref<1x128x64xf32, #tpu.memory_space<vmem>> -> memref<128x64xf32, #tpu.memory_space<vmem>>
        %dma_wait3A_209 = arith.constant 0 : i32
        %dma_wait3A_210 = tpu.memref_slice %arg7[%add3A_123, %dma_wait3A_209] : memref<40x128xi32, #tpu.memory_space<vmem>> -> memref<1x128xi32, #tpu.memory_space<vmem>>
        %dma_wait3A_211 = tpu.memref_squeeze %dma_wait3A_210 : memref<1x128xi32, #tpu.memory_space<vmem>> -> memref<128xi32, #tpu.memory_space<vmem>>
        %dma_wait3A_212 = arith.constant 0 : i32
        %dma_wait3A_213 = arith.constant 0 : i32
        %dma_wait3A_214 = tpu.memref_slice %arg10[%dma_wait3A_212, %dma_wait3A_213] : memref<10240x64xf32, #tpu.memory_space<vmem_shared>> -> memref<10240x64xf32, #tpu.memory_space<vmem_shared>>
        tpu.wait_indirect_dma semaphore(%run_scoped3A : memref<!tpu.dma_semaphore, #tpu.memory_space<semaphore_mem>>) src(%dma_wait3A_208 : memref<128x64xf32, #tpu.memory_space<vmem>>) dst(%dma_wait3A_214 : memref<10240x64xf32, #tpu.memory_space<vmem_shared>>)
        tpu.yield
      }) : () -> ()
      %add3A_149 = arith.constant 3 : i32
      %add3A_150 = arith.addi %add3A_123, %add3A_149 : i32
      %lt3A_151 = arith.constant 40 : i32
      %lt3A_152 = arith.cmpi slt, %add3A_150, %lt3A_151 : i32
      %convert_element_type3A_153 = arith.extui %lt3A_152 : i1 to i32
      %cond3A_154 = arith.constant 0 : i32
      %cond3A_155 = arith.cmpi ne, %convert_element_type3A_153, %cond3A_154 : i32
      scf.if %cond3A_155 {
        %add3A_195 = arith.constant 3 : i32
        %add3A_196 = arith.addi %add3A_123, %add3A_195 : i32
        %add3A_197 = arith.constant 3 : i32
        %add3A_198 = arith.addi %add3A_123, %add3A_197 : i32
        %jit3A_199 = arith.constant 4 : i32
        %eq3A_200 = arith.constant 0 : i32
        %eq3A_201 = arith.cmpi eq, %jit3A_199, %eq3A_200 : i32
        %jit3A_202 = arith.constant 1 : i32
        %select_n3A_203 = arith.select %eq3A_201, %jit3A_202, %jit3A_199 : i32
        %rem3A_204 = arith.remsi %add3A_198, %select_n3A_203 : i32
        %ne3A_205 = arith.constant 0 : i32
        %ne3A_206 = arith.cmpi ne, %rem3A_204, %ne3A_205 : i32
        %lt3A_207 = arith.constant 0 : i32
        %lt3A_208 = arith.cmpi slt, %rem3A_204, %lt3A_207 : i32
        %lt3A_209 = arith.constant 0 : i32
        %lt3A_210 = arith.cmpi slt, %select_n3A_203, %lt3A_209 : i32
        %ne3A_211 = arith.xori %lt3A_208, %lt3A_210 : i1
        %and3A_212 = arith.andi %ne3A_211, %ne3A_206 : i1
        %add3A_213 = arith.addi %rem3A_204, %select_n3A_203 : i32
        %select_n3A_214 = arith.select %and3A_212, %add3A_213, %rem3A_204 : i32
        %dma_start3A_215 = arith.constant 0 : i32
        %dma_start3A_216 = arith.constant 0 : i32
        %dma_start3A_217 = tpu.memref_slice %arg8[%select_n3A_214, %dma_start3A_215, %dma_start3A_216] : memref<4x128x64xf32, #tpu.memory_space<vmem>> -> memref<1x128x64xf32, #tpu.memory_space<vmem>>
        %dma_start3A_218 = tpu.memref_squeeze %dma_start3A_217 : memref<1x128x64xf32, #tpu.memory_space<vmem>> -> memref<128x64xf32, #tpu.memory_space<vmem>>
        %dma_start3A_219 = arith.constant 0 : i32
        %dma_start3A_220 = tpu.memref_slice %arg6[%add3A_196, %dma_start3A_219] : memref<40x128xi32, #tpu.memory_space<vmem>> -> memref<1x128xi32, #tpu.memory_space<vmem>>
        %dma_start3A_221 = tpu.memref_squeeze %dma_start3A_220 : memref<1x128xi32, #tpu.memory_space<vmem>> -> memref<128xi32, #tpu.memory_space<vmem>>
        %dma_start3A_222 = arith.constant 0 : i32
        %dma_start3A_223 = arith.constant 0 : i32
        %dma_start3A_224 = tpu.memref_slice %arg2[%dma_start3A_222, %dma_start3A_223] : memref<10000x64xf32, #tpu.memory_space<hbm>> -> memref<10000x64xf32, #tpu.memory_space<hbm>>
        %dma_start3A_225 = tpu.memref_slice %arg11[%select_n3A_214] : memref<4x!tpu.dma_semaphore, #tpu.memory_space<semaphore_mem>> -> memref<1x!tpu.dma_semaphore, #tpu.memory_space<semaphore_mem>>
        %dma_start3A_226 = tpu.memref_squeeze %dma_start3A_225 : memref<1x!tpu.dma_semaphore, #tpu.memory_space<semaphore_mem>> -> memref<!tpu.dma_semaphore, #tpu.memory_space<semaphore_mem>>
        tpu.enqueue_indirect_dma source(%dma_start3A_224 : memref<10000x64xf32, #tpu.memory_space<hbm>>) target(%dma_start3A_218 : memref<128x64xf32, #tpu.memory_space<vmem>>) offsets(%dma_start3A_221 : memref<128xi32, #tpu.memory_space<vmem>>) semaphore(%dma_start3A_226 : memref<!tpu.dma_semaphore, #tpu.memory_space<semaphore_mem>>)
      } else {
      }
      %mul3A_156 = arith.constant 2 : i32
      %mul3A_157 = arith.muli %scan3A_119, %mul3A_156 : i32
      %add3A_158 = arith.constant 1 : i32
      %add3A_159 = arith.addi %mul3A_157, %add3A_158 : i32
      %jit3A_160 = arith.constant 4 : i32
      %eq3A_161 = arith.constant 0 : i32
      %eq3A_162 = arith.cmpi eq, %jit3A_160, %eq3A_161 : i32
      %jit3A_163 = arith.constant 1 : i32
      %select_n3A_164 = arith.select %eq3A_162, %jit3A_163, %jit3A_160 : i32
      %rem3A_165 = arith.remsi %add3A_159, %select_n3A_164 : i32
      %ne3A_166 = arith.constant 0 : i32
      %ne3A_167 = arith.cmpi ne, %rem3A_165, %ne3A_166 : i32
      %lt3A_168 = arith.constant 0 : i32
      %lt3A_169 = arith.cmpi slt, %rem3A_165, %lt3A_168 : i32
      %lt3A_170 = arith.constant 0 : i32
      %lt3A_171 = arith.cmpi slt, %select_n3A_164, %lt3A_170 : i32
      %ne3A_172 = arith.xori %lt3A_169, %lt3A_171 : i1
      %and3A_173 = arith.andi %ne3A_172, %ne3A_167 : i1
      %add3A_174 = arith.addi %rem3A_165, %select_n3A_164 : i32
      %select_n3A_175 = arith.select %and3A_173, %add3A_174, %rem3A_165 : i32
      %dma_wait3A_176 = arith.constant 0 : i32
      %dma_wait3A_177 = arith.constant 0 : i32
      %dma_wait3A_178 = tpu.memref_slice %arg8[%select_n3A_175, %dma_wait3A_176, %dma_wait3A_177] : memref<4x128x64xf32, #tpu.memory_space<vmem>> -> memref<1x128x64xf32, #tpu.memory_space<vmem>>
      %dma_wait3A_179 = tpu.memref_squeeze %dma_wait3A_178 : memref<1x128x64xf32, #tpu.memory_space<vmem>> -> memref<128x64xf32, #tpu.memory_space<vmem>>
      %dma_wait3A_180 = arith.constant 0 : i32
      %dma_wait3A_181 = tpu.memref_slice %arg6[%add3A_159, %dma_wait3A_180] : memref<40x128xi32, #tpu.memory_space<vmem>> -> memref<1x128xi32, #tpu.memory_space<vmem>>
      %dma_wait3A_182 = tpu.memref_squeeze %dma_wait3A_181 : memref<1x128xi32, #tpu.memory_space<vmem>> -> memref<128xi32, #tpu.memory_space<vmem>>
      %dma_wait3A_183 = arith.constant 0 : i32
      %dma_wait3A_184 = arith.constant 0 : i32
      %dma_wait3A_185 = tpu.memref_slice %arg2[%dma_wait3A_183, %dma_wait3A_184] : memref<10000x64xf32, #tpu.memory_space<hbm>> -> memref<10000x64xf32, #tpu.memory_space<hbm>>
      %dma_wait3A_186 = tpu.memref_slice %arg11[%select_n3A_175] : memref<4x!tpu.dma_semaphore, #tpu.memory_space<semaphore_mem>> -> memref<1x!tpu.dma_semaphore, #tpu.memory_space<semaphore_mem>>
      %dma_wait3A_187 = tpu.memref_squeeze %dma_wait3A_186 : memref<1x!tpu.dma_semaphore, #tpu.memory_space<semaphore_mem>> -> memref<!tpu.dma_semaphore, #tpu.memory_space<semaphore_mem>>
      tpu.wait_indirect_dma semaphore(%dma_wait3A_187 : memref<!tpu.dma_semaphore, #tpu.memory_space<semaphore_mem>>) src(%dma_wait3A_185 : memref<10000x64xf32, #tpu.memory_space<hbm>>) dst(%dma_wait3A_179 : memref<128x64xf32, #tpu.memory_space<vmem>>)
      "tpu.region"() ({
        %run_scoped3A = tpu.sem_alloc : memref<!tpu.dma_semaphore, #tpu.memory_space<semaphore_mem>>
        %dma_start3A_195 = arith.constant 0 : i32
        %dma_start3A_196 = arith.constant 0 : i32
        %dma_start3A_197 = tpu.memref_slice %arg8[%select_n3A_175, %dma_start3A_195, %dma_start3A_196] : memref<4x128x64xf32, #tpu.memory_space<vmem>> -> memref<1x128x64xf32, #tpu.memory_space<vmem>>
        %dma_start3A_198 = tpu.memref_squeeze %dma_start3A_197 : memref<1x128x64xf32, #tpu.memory_space<vmem>> -> memref<128x64xf32, #tpu.memory_space<vmem>>
        %dma_start3A_199 = arith.constant 0 : i32
        %dma_start3A_200 = tpu.memref_slice %arg7[%add3A_159, %dma_start3A_199] : memref<40x128xi32, #tpu.memory_space<vmem>> -> memref<1x128xi32, #tpu.memory_space<vmem>>
        %dma_start3A_201 = tpu.memref_squeeze %dma_start3A_200 : memref<1x128xi32, #tpu.memory_space<vmem>> -> memref<128xi32, #tpu.memory_space<vmem>>
        %dma_start3A_202 = arith.constant 0 : i32
        %dma_start3A_203 = arith.constant 0 : i32
        %dma_start3A_204 = tpu.memref_slice %arg10[%dma_start3A_202, %dma_start3A_203] : memref<10240x64xf32, #tpu.memory_space<vmem_shared>> -> memref<10240x64xf32, #tpu.memory_space<vmem_shared>>
        tpu.enqueue_indirect_dma source(%dma_start3A_198 : memref<128x64xf32, #tpu.memory_space<vmem>>) target(%dma_start3A_204 : memref<10240x64xf32, #tpu.memory_space<vmem_shared>>) offsets(%dma_start3A_201 : memref<128xi32, #tpu.memory_space<vmem>>) semaphore(%run_scoped3A : memref<!tpu.dma_semaphore, #tpu.memory_space<semaphore_mem>>) {add = true}
        %dma_wait3A_205 = arith.constant 0 : i32
        %dma_wait3A_206 = arith.constant 0 : i32
        %dma_wait3A_207 = tpu.memref_slice %arg8[%select_n3A_175, %dma_wait3A_205, %dma_wait3A_206] : memref<4x128x64xf32, #tpu.memory_space<vmem>> -> memref<1x128x64xf32, #tpu.memory_space<vmem>>
        %dma_wait3A_208 = tpu.memref_squeeze %dma_wait3A_207 : memref<1x128x64xf32, #tpu.memory_space<vmem>> -> memref<128x64xf32, #tpu.memory_space<vmem>>
        %dma_wait3A_209 = arith.constant 0 : i32
        %dma_wait3A_210 = tpu.memref_slice %arg7[%add3A_159, %dma_wait3A_209] : memref<40x128xi32, #tpu.memory_space<vmem>> -> memref<1x128xi32, #tpu.memory_space<vmem>>
        %dma_wait3A_211 = tpu.memref_squeeze %dma_wait3A_210 : memref<1x128xi32, #tpu.memory_space<vmem>> -> memref<128xi32, #tpu.memory_space<vmem>>
        %dma_wait3A_212 = arith.constant 0 : i32
        %dma_wait3A_213 = arith.constant 0 : i32
        %dma_wait3A_214 = tpu.memref_slice %arg10[%dma_wait3A_212, %dma_wait3A_213] : memref<10240x64xf32, #tpu.memory_space<vmem_shared>> -> memref<10240x64xf32, #tpu.memory_space<vmem_shared>>
        tpu.wait_indirect_dma semaphore(%run_scoped3A : memref<!tpu.dma_semaphore, #tpu.memory_space<semaphore_mem>>) src(%dma_wait3A_208 : memref<128x64xf32, #tpu.memory_space<vmem>>) dst(%dma_wait3A_214 : memref<10240x64xf32, #tpu.memory_space<vmem_shared>>)
        tpu.yield
      }) : () -> ()
      %add3A_188 = arith.constant 3 : i32
      %add3A_189 = arith.addi %add3A_159, %add3A_188 : i32
      %lt3A_190 = arith.constant 40 : i32
      %lt3A_191 = arith.cmpi slt, %add3A_189, %lt3A_190 : i32
      %convert_element_type3A_192 = arith.extui %lt3A_191 : i1 to i32
      %cond3A_193 = arith.constant 0 : i32
      %cond3A_194 = arith.cmpi ne, %convert_element_type3A_192, %cond3A_193 : i32
      scf.if %cond3A_194 {
        %add3A_195 = arith.constant 3 : i32
        %add3A_196 = arith.addi %add3A_159, %add3A_195 : i32
        %add3A_197 = arith.constant 3 : i32
        %add3A_198 = arith.addi %add3A_159, %add3A_197 : i32
        %jit3A_199 = arith.constant 4 : i32
        %eq3A_200 = arith.constant 0 : i32
        %eq3A_201 = arith.cmpi eq, %jit3A_199, %eq3A_200 : i32
        %jit3A_202 = arith.constant 1 : i32
        %select_n3A_203 = arith.select %eq3A_201, %jit3A_202, %jit3A_199 : i32
        %rem3A_204 = arith.remsi %add3A_198, %select_n3A_203 : i32
        %ne3A_205 = arith.constant 0 : i32
        %ne3A_206 = arith.cmpi ne, %rem3A_204, %ne3A_205 : i32
        %lt3A_207 = arith.constant 0 : i32
        %lt3A_208 = arith.cmpi slt, %rem3A_204, %lt3A_207 : i32
        %lt3A_209 = arith.constant 0 : i32
        %lt3A_210 = arith.cmpi slt, %select_n3A_203, %lt3A_209 : i32
        %ne3A_211 = arith.xori %lt3A_208, %lt3A_210 : i1
        %and3A_212 = arith.andi %ne3A_211, %ne3A_206 : i1
        %add3A_213 = arith.addi %rem3A_204, %select_n3A_203 : i32
        %select_n3A_214 = arith.select %and3A_212, %add3A_213, %rem3A_204 : i32
        %dma_start3A_215 = arith.constant 0 : i32
        %dma_start3A_216 = arith.constant 0 : i32
        %dma_start3A_217 = tpu.memref_slice %arg8[%select_n3A_214, %dma_start3A_215, %dma_start3A_216] : memref<4x128x64xf32, #tpu.memory_space<vmem>> -> memref<1x128x64xf32, #tpu.memory_space<vmem>>
        %dma_start3A_218 = tpu.memref_squeeze %dma_start3A_217 : memref<1x128x64xf32, #tpu.memory_space<vmem>> -> memref<128x64xf32, #tpu.memory_space<vmem>>
        %dma_start3A_219 = arith.constant 0 : i32
        %dma_start3A_220 = tpu.memref_slice %arg6[%add3A_196, %dma_start3A_219] : memref<40x128xi32, #tpu.memory_space<vmem>> -> memref<1x128xi32, #tpu.memory_space<vmem>>
        %dma_start3A_221 = tpu.memref_squeeze %dma_start3A_220 : memref<1x128xi32, #tpu.memory_space<vmem>> -> memref<128xi32, #tpu.memory_space<vmem>>
        %dma_start3A_222 = arith.constant 0 : i32
        %dma_start3A_223 = arith.constant 0 : i32
        %dma_start3A_224 = tpu.memref_slice %arg2[%dma_start3A_222, %dma_start3A_223] : memref<10000x64xf32, #tpu.memory_space<hbm>> -> memref<10000x64xf32, #tpu.memory_space<hbm>>
        %dma_start3A_225 = tpu.memref_slice %arg11[%select_n3A_214] : memref<4x!tpu.dma_semaphore, #tpu.memory_space<semaphore_mem>> -> memref<1x!tpu.dma_semaphore, #tpu.memory_space<semaphore_mem>>
        %dma_start3A_226 = tpu.memref_squeeze %dma_start3A_225 : memref<1x!tpu.dma_semaphore, #tpu.memory_space<semaphore_mem>> -> memref<!tpu.dma_semaphore, #tpu.memory_space<semaphore_mem>>
        tpu.enqueue_indirect_dma source(%dma_start3A_224 : memref<10000x64xf32, #tpu.memory_space<hbm>>) target(%dma_start3A_218 : memref<128x64xf32, #tpu.memory_space<vmem>>) offsets(%dma_start3A_221 : memref<128xi32, #tpu.memory_space<vmem>>) semaphore(%dma_start3A_226 : memref<!tpu.dma_semaphore, #tpu.memory_space<semaphore_mem>>)
      } else {
      }
    }
    %scan3A_117 = arith.constant 20 : i32
    %barrier3A_118 = arith.constant 0 : index
    tpu.barrier barrier_id(%barrier3A_118)
    "tpu.region"() ({
      %run_scoped3A = tpu.sem_alloc : memref<!tpu.dma_semaphore, #tpu.memory_space<semaphore_mem>>
      %dma_start3A_119 = arith.constant 0 : i32
      %dma_start3A_120 = tpu.memref_slice %arg10[%mul3A_2, %dma_start3A_119] : memref<10240x64xf32, #tpu.memory_space<vmem_shared>> -> memref<640x64xf32, #tpu.memory_space<vmem_shared>>
      %dma_start3A_121 = arith.constant 0 : i32
      %dma_start3A_122 = tpu.memref_slice %arg10[%mul3A_2, %dma_start3A_121] : memref<10240x64xf32, #tpu.memory_space<vmem_shared>> -> memref<640x64xf32, #tpu.memory_space<vmem_shared>>
      tpu.enqueue_dma source(%dma_start3A_122 : memref<640x64xf32, #tpu.memory_space<vmem_shared>>) target(%arg9 : memref<640x64xf32, #tpu.memory_space<vmem>>) target_semaphore(%run_scoped3A : memref<!tpu.dma_semaphore, #tpu.memory_space<semaphore_mem>>)
      %dma_wait3A_123 = arith.constant 0 : i32
      %dma_wait3A_124 = tpu.memref_slice %arg10[%mul3A_2, %dma_wait3A_123] : memref<10240x64xf32, #tpu.memory_space<vmem_shared>> -> memref<640x64xf32, #tpu.memory_space<vmem_shared>>
      %dma_wait3A_125 = arith.constant 0 : i32
      %dma_wait3A_126 = tpu.memref_slice %arg10[%mul3A_2, %dma_wait3A_125] : memref<10240x64xf32, #tpu.memory_space<vmem_shared>> -> memref<640x64xf32, #tpu.memory_space<vmem_shared>>
      tpu.wait_dma2 semaphore(%run_scoped3A : memref<!tpu.dma_semaphore, #tpu.memory_space<semaphore_mem>>) src(%dma_wait3A_126 : memref<640x64xf32, #tpu.memory_space<vmem_shared>>) dst(%arg9 : memref<640x64xf32, #tpu.memory_space<vmem>>)
      tpu.yield
    }) : () -> ()
    "tpu.region"() ({
      %run_scoped3A = tpu.sem_alloc : memref<!tpu.dma_semaphore, #tpu.memory_space<semaphore_mem>>
      %dma_start3A_119 = arith.constant 0 : i32
      %dma_start3A_120 = tpu.memref_slice %arg5[%arg0, %mul3A_2, %dma_start3A_119] : memref<2x10240x64xf32, #tpu.memory_space<hbm>> -> memref<1x640x64xf32, #tpu.memory_space<hbm>>
      %dma_start3A_121 = tpu.memref_squeeze %dma_start3A_120 : memref<1x640x64xf32, #tpu.memory_space<hbm>> -> memref<640x64xf32, #tpu.memory_space<hbm>>
      %dma_start3A_122 = arith.constant 0 : i32
      %dma_start3A_123 = tpu.memref_slice %arg5[%arg0, %mul3A_2, %dma_start3A_122] : memref<2x10240x64xf32, #tpu.memory_space<hbm>> -> memref<1x640x64xf32, #tpu.memory_space<hbm>>
      %dma_start3A_124 = tpu.memref_squeeze %dma_start3A_123 : memref<1x640x64xf32, #tpu.memory_space<hbm>> -> memref<640x64xf32, #tpu.memory_space<hbm>>
      tpu.enqueue_dma source(%arg9 : memref<640x64xf32, #tpu.memory_space<vmem>>) target(%dma_start3A_124 : memref<640x64xf32, #tpu.memory_space<hbm>>) target_semaphore(%run_scoped3A : memref<!tpu.dma_semaphore, #tpu.memory_space<semaphore_mem>>)
      %dma_wait3A_125 = arith.constant 0 : i32
      %dma_wait3A_126 = tpu.memref_slice %arg5[%arg0, %mul3A_2, %dma_wait3A_125] : memref<2x10240x64xf32, #tpu.memory_space<hbm>> -> memref<1x640x64xf32, #tpu.memory_space<hbm>>
      %dma_wait3A_127 = tpu.memref_squeeze %dma_wait3A_126 : memref<1x640x64xf32, #tpu.memory_space<hbm>> -> memref<640x64xf32, #tpu.memory_space<hbm>>
      %dma_wait3A_128 = arith.constant 0 : i32
      %dma_wait3A_129 = tpu.memref_slice %arg5[%arg0, %mul3A_2, %dma_wait3A_128] : memref<2x10240x64xf32, #tpu.memory_space<hbm>> -> memref<1x640x64xf32, #tpu.memory_space<hbm>>
      %dma_wait3A_130 = tpu.memref_squeeze %dma_wait3A_129 : memref<1x640x64xf32, #tpu.memory_space<hbm>> -> memref<640x64xf32, #tpu.memory_space<hbm>>
      tpu.wait_dma2 semaphore(%run_scoped3A : memref<!tpu.dma_semaphore, #tpu.memory_space<semaphore_mem>>) src(%arg9 : memref<640x64xf32, #tpu.memory_space<vmem>>) dst(%dma_wait3A_130 : memref<640x64xf32, #tpu.memory_space<hbm>>)
      tpu.yield
    }) : () -> ()
    return
  }
}

#map = affine_map<(d0, d1) -> (0, 0, 0)>
module attributes {stable_mosaic.version = 14 : i64} {
  func.func @body(%arg0: i32, %arg1: i32, %arg2: memref<32x40x128xi32, #tpu.memory_space<hbm>>, %arg3: memref<2x10240x16xf32, #tpu.memory_space<hbm>>, %arg4: memref<40x128xi32, #tpu.memory_space<vmem>>, %arg5: memref<4x128x16xf32, #tpu.memory_space<vmem>>, %arg6: memref<640x16xf32, #tpu.memory_space<vmem>>, %arg7: memref<10240x16xf32, #tpu.memory_space<vmem_shared>>, %arg8: memref<4x!tpu.dma_semaphore, #tpu.memory_space<semaphore_mem>>, %arg9: memref<4x!tpu.dma_semaphore, #tpu.memory_space<semaphore_mem>>) attributes {dimension_semantics = [#tpu.dimension_semantics<core_parallel>, #tpu.dimension_semantics<subcore_parallel>], iteration_bounds = array<i64: 2, 16>, scalar_prefetch = 0 : i64, scratch_operands = 6 : i64, tpu.core_type = #tpu.core_type<sc_vector_subcore>, window_params = [{transform_indices = #map}, {transform_indices = #map}]} {
    %mul3A = arith.constant 2 : i32
    %mul3A_0 = arith.muli %arg1, %mul3A : i32
    %add3A = arith.addi %mul3A_0, %arg0 : i32
    %mul3A_1 = arith.constant 640 : i32
    %mul3A_2 = arith.muli %arg1, %mul3A_1 : i32
    %dma_start3A = arith.constant 0 : i32
    %dma_start3A_3 = arith.constant 0 : i32
    %dma_start3A_4 = arith.constant 0 : i32
    %dma_start3A_5 = tpu.memref_slice %arg2[%add3A, %dma_start3A_3, %dma_start3A_4] : memref<32x40x128xi32, #tpu.memory_space<hbm>> -> memref<1x40x128xi32, #tpu.memory_space<hbm>>
    %dma_start3A_6 = tpu.memref_squeeze %dma_start3A_5 : memref<1x40x128xi32, #tpu.memory_space<hbm>> -> memref<40x128xi32, #tpu.memory_space<hbm>>
    %dma_start3A_7 = tpu.memref_slice %arg8[%dma_start3A] : memref<4x!tpu.dma_semaphore, #tpu.memory_space<semaphore_mem>> -> memref<1x!tpu.dma_semaphore, #tpu.memory_space<semaphore_mem>>
    %dma_start3A_8 = tpu.memref_squeeze %dma_start3A_7 : memref<1x!tpu.dma_semaphore, #tpu.memory_space<semaphore_mem>> -> memref<!tpu.dma_semaphore, #tpu.memory_space<semaphore_mem>>
    %dma_start3A_9 = arith.constant 0 : i32
    %dma_start3A_10 = arith.constant 0 : i32
    %dma_start3A_11 = tpu.memref_slice %arg2[%add3A, %dma_start3A_9, %dma_start3A_10] : memref<32x40x128xi32, #tpu.memory_space<hbm>> -> memref<1x40x128xi32, #tpu.memory_space<hbm>>
    %dma_start3A_12 = tpu.memref_squeeze %dma_start3A_11 : memref<1x40x128xi32, #tpu.memory_space<hbm>> -> memref<40x128xi32, #tpu.memory_space<hbm>>
    tpu.enqueue_dma source(%dma_start3A_12 : memref<40x128xi32, #tpu.memory_space<hbm>>) target(%arg4 : memref<40x128xi32, #tpu.memory_space<vmem>>) target_semaphore(%dma_start3A_8 : memref<!tpu.dma_semaphore, #tpu.memory_space<semaphore_mem>>)
    %broadcast_in_dim3A = arith.constant 0.000000e+00 : f32
    %broadcast_in_dim3A_13 = vector.broadcast %broadcast_in_dim3A : f32 to vector<16xf32>
    %scan3A = arith.constant 0 : i32
    %scan3A_14 = arith.constant 0 : i32
    %scan3A_15 = arith.constant 128 : i32
    %scan3A_16 = arith.addi %scan3A_14, %scan3A_15 : i32
    %scan3A_17 = arith.constant 1 : i32
    scf.for %scan3A_58 = %scan3A_14 to %scan3A_16 step %scan3A_17  : i32 {
      %swap3A = arith.constant 0 : i32
      %swap3A_59 = arith.index_cast %swap3A : i32 to index
      %swap3A_60 = arith.index_cast %scan3A_58 : i32 to index
      %swap3A_61 = arith.constant 0 : index
      %swap3A_62 = tpu.vector_load %arg5[%swap3A_59, %swap3A_60, %swap3A_61] {strides = array<i32>} : memref<4x128x16xf32, #tpu.memory_space<vmem>>, vector<1x1x16xf32>,
      %swap3A_63 = vector.shape_cast %swap3A_62 : vector<1x1x16xf32> to vector<16xf32>
      %swap3A_64 = vector.shape_cast %broadcast_in_dim3A_13 : vector<16xf32> to vector<1x1x16xf32>
      tpu.vector_store %arg5[%swap3A_59, %swap3A_60, %swap3A_61], %swap3A_64 {strides = array<i32>} : memref<4x128x16xf32, #tpu.memory_space<vmem>>, vector<1x1x16xf32>,
    }
    %scan3A_18 = arith.constant 128 : i32
    %add3A_19 = arith.constant 0 : i32
    %add3A_20 = arith.addi %mul3A_2, %add3A_19 : i32
    %run_scoped3A = arith.constant 0 : i32
    "tpu.region"() ({
      %run_scoped3A_58 = tpu.sem_alloc : memref<!tpu.dma_semaphore, #tpu.memory_space<semaphore_mem>>
      %dma_start3A_59 = arith.constant 0 : i32
      %dma_start3A_60 = arith.constant 0 : i32
      %dma_start3A_61 = tpu.memref_slice %arg5[%run_scoped3A, %dma_start3A_59, %dma_start3A_60] : memref<4x128x16xf32, #tpu.memory_space<vmem>> -> memref<1x128x16xf32, #tpu.memory_space<vmem>>
      %dma_start3A_62 = tpu.memref_squeeze %dma_start3A_61 : memref<1x128x16xf32, #tpu.memory_space<vmem>> -> memref<128x16xf32, #tpu.memory_space<vmem>>
      %dma_start3A_63 = arith.constant 0 : i32
      %dma_start3A_64 = tpu.memref_slice %arg7[%add3A_20, %dma_start3A_63] : memref<10240x16xf32, #tpu.memory_space<vmem_shared>> -> memref<128x16xf32, #tpu.memory_space<vmem_shared>>
      %dma_start3A_65 = arith.constant 0 : i32
      %dma_start3A_66 = tpu.memref_slice %arg7[%add3A_20, %dma_start3A_65] : memref<10240x16xf32, #tpu.memory_space<vmem_shared>> -> memref<128x16xf32, #tpu.memory_space<vmem_shared>>
      %dma_start3A_67 = arith.constant 0 : i32
      %dma_start3A_68 = arith.constant 0 : i32
      %dma_start3A_69 = tpu.memref_slice %arg5[%run_scoped3A, %dma_start3A_67, %dma_start3A_68] : memref<4x128x16xf32, #tpu.memory_space<vmem>> -> memref<1x128x16xf32, #tpu.memory_space<vmem>>
      %dma_start3A_70 = tpu.memref_squeeze %dma_start3A_69 : memref<1x128x16xf32, #tpu.memory_space<vmem>> -> memref<128x16xf32, #tpu.memory_space<vmem>>
      tpu.enqueue_dma source(%dma_start3A_70 : memref<128x16xf32, #tpu.memory_space<vmem>>) target(%dma_start3A_66 : memref<128x16xf32, #tpu.memory_space<vmem_shared>>) target_semaphore(%run_scoped3A_58 : memref<!tpu.dma_semaphore, #tpu.memory_space<semaphore_mem>>)
      %dma_wait3A_71 = arith.constant 0 : i32
      %dma_wait3A_72 = arith.constant 0 : i32
      %dma_wait3A_73 = tpu.memref_slice %arg5[%run_scoped3A, %dma_wait3A_71, %dma_wait3A_72] : memref<4x128x16xf32, #tpu.memory_space<vmem>> -> memref<1x128x16xf32, #tpu.memory_space<vmem>>
      %dma_wait3A_74 = tpu.memref_squeeze %dma_wait3A_73 : memref<1x128x16xf32, #tpu.memory_space<vmem>> -> memref<128x16xf32, #tpu.memory_space<vmem>>
      %dma_wait3A_75 = arith.constant 0 : i32
      %dma_wait3A_76 = tpu.memref_slice %arg7[%add3A_20, %dma_wait3A_75] : memref<10240x16xf32, #tpu.memory_space<vmem_shared>> -> memref<128x16xf32, #tpu.memory_space<vmem_shared>>
      %dma_wait3A_77 = arith.constant 0 : i32
      %dma_wait3A_78 = tpu.memref_slice %arg7[%add3A_20, %dma_wait3A_77] : memref<10240x16xf32, #tpu.memory_space<vmem_shared>> -> memref<128x16xf32, #tpu.memory_space<vmem_shared>>
      %dma_wait3A_79 = arith.constant 0 : i32
      %dma_wait3A_80 = arith.constant 0 : i32
      %dma_wait3A_81 = tpu.memref_slice %arg5[%run_scoped3A, %dma_wait3A_79, %dma_wait3A_80] : memref<4x128x16xf32, #tpu.memory_space<vmem>> -> memref<1x128x16xf32, #tpu.memory_space<vmem>>
      %dma_wait3A_82 = tpu.memref_squeeze %dma_wait3A_81 : memref<1x128x16xf32, #tpu.memory_space<vmem>> -> memref<128x16xf32, #tpu.memory_space<vmem>>
      tpu.wait_dma2 semaphore(%run_scoped3A_58 : memref<!tpu.dma_semaphore, #tpu.memory_space<semaphore_mem>>) src(%dma_wait3A_82 : memref<128x16xf32, #tpu.memory_space<vmem>>) dst(%dma_wait3A_78 : memref<128x16xf32, #tpu.memory_space<vmem_shared>>)
      tpu.yield
    }) : () -> ()
    %add3A_21 = arith.constant 128 : i32
    %add3A_22 = arith.addi %mul3A_2, %add3A_21 : i32
    %run_scoped3A_23 = arith.constant 0 : i32
    "tpu.region"() ({
      %run_scoped3A_58 = tpu.sem_alloc : memref<!tpu.dma_semaphore, #tpu.memory_space<semaphore_mem>>
      %dma_start3A_59 = arith.constant 0 : i32
      %dma_start3A_60 = arith.constant 0 : i32
      %dma_start3A_61 = tpu.memref_slice %arg5[%run_scoped3A_23, %dma_start3A_59, %dma_start3A_60] : memref<4x128x16xf32, #tpu.memory_space<vmem>> -> memref<1x128x16xf32, #tpu.memory_space<vmem>>
      %dma_start3A_62 = tpu.memref_squeeze %dma_start3A_61 : memref<1x128x16xf32, #tpu.memory_space<vmem>> -> memref<128x16xf32, #tpu.memory_space<vmem>>
      %dma_start3A_63 = arith.constant 0 : i32
      %dma_start3A_64 = tpu.memref_slice %arg7[%add3A_22, %dma_start3A_63] : memref<10240x16xf32, #tpu.memory_space<vmem_shared>> -> memref<128x16xf32, #tpu.memory_space<vmem_shared>>
      %dma_start3A_65 = arith.constant 0 : i32
      %dma_start3A_66 = tpu.memref_slice %arg7[%add3A_22, %dma_start3A_65] : memref<10240x16xf32, #tpu.memory_space<vmem_shared>> -> memref<128x16xf32, #tpu.memory_space<vmem_shared>>
      %dma_start3A_67 = arith.constant 0 : i32
      %dma_start3A_68 = arith.constant 0 : i32
      %dma_start3A_69 = tpu.memref_slice %arg5[%run_scoped3A_23, %dma_start3A_67, %dma_start3A_68] : memref<4x128x16xf32, #tpu.memory_space<vmem>> -> memref<1x128x16xf32, #tpu.memory_space<vmem>>
      %dma_start3A_70 = tpu.memref_squeeze %dma_start3A_69 : memref<1x128x16xf32, #tpu.memory_space<vmem>> -> memref<128x16xf32, #tpu.memory_space<vmem>>
      tpu.enqueue_dma source(%dma_start3A_70 : memref<128x16xf32, #tpu.memory_space<vmem>>) target(%dma_start3A_66 : memref<128x16xf32, #tpu.memory_space<vmem_shared>>) target_semaphore(%run_scoped3A_58 : memref<!tpu.dma_semaphore, #tpu.memory_space<semaphore_mem>>)
      %dma_wait3A_71 = arith.constant 0 : i32
      %dma_wait3A_72 = arith.constant 0 : i32
      %dma_wait3A_73 = tpu.memref_slice %arg5[%run_scoped3A_23, %dma_wait3A_71, %dma_wait3A_72] : memref<4x128x16xf32, #tpu.memory_space<vmem>> -> memref<1x128x16xf32, #tpu.memory_space<vmem>>
      %dma_wait3A_74 = tpu.memref_squeeze %dma_wait3A_73 : memref<1x128x16xf32, #tpu.memory_space<vmem>> -> memref<128x16xf32, #tpu.memory_space<vmem>>
      %dma_wait3A_75 = arith.constant 0 : i32
      %dma_wait3A_76 = tpu.memref_slice %arg7[%add3A_22, %dma_wait3A_75] : memref<10240x16xf32, #tpu.memory_space<vmem_shared>> -> memref<128x16xf32, #tpu.memory_space<vmem_shared>>
      %dma_wait3A_77 = arith.constant 0 : i32
      %dma_wait3A_78 = tpu.memref_slice %arg7[%add3A_22, %dma_wait3A_77] : memref<10240x16xf32, #tpu.memory_space<vmem_shared>> -> memref<128x16xf32, #tpu.memory_space<vmem_shared>>
      %dma_wait3A_79 = arith.constant 0 : i32
      %dma_wait3A_80 = arith.constant 0 : i32
      %dma_wait3A_81 = tpu.memref_slice %arg5[%run_scoped3A_23, %dma_wait3A_79, %dma_wait3A_80] : memref<4x128x16xf32, #tpu.memory_space<vmem>> -> memref<1x128x16xf32, #tpu.memory_space<vmem>>
      %dma_wait3A_82 = tpu.memref_squeeze %dma_wait3A_81 : memref<1x128x16xf32, #tpu.memory_space<vmem>> -> memref<128x16xf32, #tpu.memory_space<vmem>>
      tpu.wait_dma2 semaphore(%run_scoped3A_58 : memref<!tpu.dma_semaphore, #tpu.memory_space<semaphore_mem>>) src(%dma_wait3A_82 : memref<128x16xf32, #tpu.memory_space<vmem>>) dst(%dma_wait3A_78 : memref<128x16xf32, #tpu.memory_space<vmem_shared>>)
      tpu.yield
    }) : () -> ()
    %add3A_24 = arith.constant 256 : i32
    %add3A_25 = arith.addi %mul3A_2, %add3A_24 : i32
    %run_scoped3A_26 = arith.constant 0 : i32
    "tpu.region"() ({
      %run_scoped3A_58 = tpu.sem_alloc : memref<!tpu.dma_semaphore, #tpu.memory_space<semaphore_mem>>
      %dma_start3A_59 = arith.constant 0 : i32
      %dma_start3A_60 = arith.constant 0 : i32
      %dma_start3A_61 = tpu.memref_slice %arg5[%run_scoped3A_26, %dma_start3A_59, %dma_start3A_60] : memref<4x128x16xf32, #tpu.memory_space<vmem>> -> memref<1x128x16xf32, #tpu.memory_space<vmem>>
      %dma_start3A_62 = tpu.memref_squeeze %dma_start3A_61 : memref<1x128x16xf32, #tpu.memory_space<vmem>> -> memref<128x16xf32, #tpu.memory_space<vmem>>
      %dma_start3A_63 = arith.constant 0 : i32
      %dma_start3A_64 = tpu.memref_slice %arg7[%add3A_25, %dma_start3A_63] : memref<10240x16xf32, #tpu.memory_space<vmem_shared>> -> memref<128x16xf32, #tpu.memory_space<vmem_shared>>
      %dma_start3A_65 = arith.constant 0 : i32
      %dma_start3A_66 = tpu.memref_slice %arg7[%add3A_25, %dma_start3A_65] : memref<10240x16xf32, #tpu.memory_space<vmem_shared>> -> memref<128x16xf32, #tpu.memory_space<vmem_shared>>
      %dma_start3A_67 = arith.constant 0 : i32
      %dma_start3A_68 = arith.constant 0 : i32
      %dma_start3A_69 = tpu.memref_slice %arg5[%run_scoped3A_26, %dma_start3A_67, %dma_start3A_68] : memref<4x128x16xf32, #tpu.memory_space<vmem>> -> memref<1x128x16xf32, #tpu.memory_space<vmem>>
      %dma_start3A_70 = tpu.memref_squeeze %dma_start3A_69 : memref<1x128x16xf32, #tpu.memory_space<vmem>> -> memref<128x16xf32, #tpu.memory_space<vmem>>
      tpu.enqueue_dma source(%dma_start3A_70 : memref<128x16xf32, #tpu.memory_space<vmem>>) target(%dma_start3A_66 : memref<128x16xf32, #tpu.memory_space<vmem_shared>>) target_semaphore(%run_scoped3A_58 : memref<!tpu.dma_semaphore, #tpu.memory_space<semaphore_mem>>)
      %dma_wait3A_71 = arith.constant 0 : i32
      %dma_wait3A_72 = arith.constant 0 : i32
      %dma_wait3A_73 = tpu.memref_slice %arg5[%run_scoped3A_26, %dma_wait3A_71, %dma_wait3A_72] : memref<4x128x16xf32, #tpu.memory_space<vmem>> -> memref<1x128x16xf32, #tpu.memory_space<vmem>>
      %dma_wait3A_74 = tpu.memref_squeeze %dma_wait3A_73 : memref<1x128x16xf32, #tpu.memory_space<vmem>> -> memref<128x16xf32, #tpu.memory_space<vmem>>
      %dma_wait3A_75 = arith.constant 0 : i32
      %dma_wait3A_76 = tpu.memref_slice %arg7[%add3A_25, %dma_wait3A_75] : memref<10240x16xf32, #tpu.memory_space<vmem_shared>> -> memref<128x16xf32, #tpu.memory_space<vmem_shared>>
      %dma_wait3A_77 = arith.constant 0 : i32
      %dma_wait3A_78 = tpu.memref_slice %arg7[%add3A_25, %dma_wait3A_77] : memref<10240x16xf32, #tpu.memory_space<vmem_shared>> -> memref<128x16xf32, #tpu.memory_space<vmem_shared>>
      %dma_wait3A_79 = arith.constant 0 : i32
      %dma_wait3A_80 = arith.constant 0 : i32
      %dma_wait3A_81 = tpu.memref_slice %arg5[%run_scoped3A_26, %dma_wait3A_79, %dma_wait3A_80] : memref<4x128x16xf32, #tpu.memory_space<vmem>> -> memref<1x128x16xf32, #tpu.memory_space<vmem>>
      %dma_wait3A_82 = tpu.memref_squeeze %dma_wait3A_81 : memref<1x128x16xf32, #tpu.memory_space<vmem>> -> memref<128x16xf32, #tpu.memory_space<vmem>>
      tpu.wait_dma2 semaphore(%run_scoped3A_58 : memref<!tpu.dma_semaphore, #tpu.memory_space<semaphore_mem>>) src(%dma_wait3A_82 : memref<128x16xf32, #tpu.memory_space<vmem>>) dst(%dma_wait3A_78 : memref<128x16xf32, #tpu.memory_space<vmem_shared>>)
      tpu.yield
    }) : () -> ()
    %add3A_27 = arith.constant 384 : i32
    %add3A_28 = arith.addi %mul3A_2, %add3A_27 : i32
    %run_scoped3A_29 = arith.constant 0 : i32
    "tpu.region"() ({
      %run_scoped3A_58 = tpu.sem_alloc : memref<!tpu.dma_semaphore, #tpu.memory_space<semaphore_mem>>
      %dma_start3A_59 = arith.constant 0 : i32
      %dma_start3A_60 = arith.constant 0 : i32
      %dma_start3A_61 = tpu.memref_slice %arg5[%run_scoped3A_29, %dma_start3A_59, %dma_start3A_60] : memref<4x128x16xf32, #tpu.memory_space<vmem>> -> memref<1x128x16xf32, #tpu.memory_space<vmem>>
      %dma_start3A_62 = tpu.memref_squeeze %dma_start3A_61 : memref<1x128x16xf32, #tpu.memory_space<vmem>> -> memref<128x16xf32, #tpu.memory_space<vmem>>
      %dma_start3A_63 = arith.constant 0 : i32
      %dma_start3A_64 = tpu.memref_slice %arg7[%add3A_28, %dma_start3A_63] : memref<10240x16xf32, #tpu.memory_space<vmem_shared>> -> memref<128x16xf32, #tpu.memory_space<vmem_shared>>
      %dma_start3A_65 = arith.constant 0 : i32
      %dma_start3A_66 = tpu.memref_slice %arg7[%add3A_28, %dma_start3A_65] : memref<10240x16xf32, #tpu.memory_space<vmem_shared>> -> memref<128x16xf32, #tpu.memory_space<vmem_shared>>
      %dma_start3A_67 = arith.constant 0 : i32
      %dma_start3A_68 = arith.constant 0 : i32
      %dma_start3A_69 = tpu.memref_slice %arg5[%run_scoped3A_29, %dma_start3A_67, %dma_start3A_68] : memref<4x128x16xf32, #tpu.memory_space<vmem>> -> memref<1x128x16xf32, #tpu.memory_space<vmem>>
      %dma_start3A_70 = tpu.memref_squeeze %dma_start3A_69 : memref<1x128x16xf32, #tpu.memory_space<vmem>> -> memref<128x16xf32, #tpu.memory_space<vmem>>
      tpu.enqueue_dma source(%dma_start3A_70 : memref<128x16xf32, #tpu.memory_space<vmem>>) target(%dma_start3A_66 : memref<128x16xf32, #tpu.memory_space<vmem_shared>>) target_semaphore(%run_scoped3A_58 : memref<!tpu.dma_semaphore, #tpu.memory_space<semaphore_mem>>)
      %dma_wait3A_71 = arith.constant 0 : i32
      %dma_wait3A_72 = arith.constant 0 : i32
      %dma_wait3A_73 = tpu.memref_slice %arg5[%run_scoped3A_29, %dma_wait3A_71, %dma_wait3A_72] : memref<4x128x16xf32, #tpu.memory_space<vmem>> -> memref<1x128x16xf32, #tpu.memory_space<vmem>>
      %dma_wait3A_74 = tpu.memref_squeeze %dma_wait3A_73 : memref<1x128x16xf32, #tpu.memory_space<vmem>> -> memref<128x16xf32, #tpu.memory_space<vmem>>
      %dma_wait3A_75 = arith.constant 0 : i32
      %dma_wait3A_76 = tpu.memref_slice %arg7[%add3A_28, %dma_wait3A_75] : memref<10240x16xf32, #tpu.memory_space<vmem_shared>> -> memref<128x16xf32, #tpu.memory_space<vmem_shared>>
      %dma_wait3A_77 = arith.constant 0 : i32
      %dma_wait3A_78 = tpu.memref_slice %arg7[%add3A_28, %dma_wait3A_77] : memref<10240x16xf32, #tpu.memory_space<vmem_shared>> -> memref<128x16xf32, #tpu.memory_space<vmem_shared>>
      %dma_wait3A_79 = arith.constant 0 : i32
      %dma_wait3A_80 = arith.constant 0 : i32
      %dma_wait3A_81 = tpu.memref_slice %arg5[%run_scoped3A_29, %dma_wait3A_79, %dma_wait3A_80] : memref<4x128x16xf32, #tpu.memory_space<vmem>> -> memref<1x128x16xf32, #tpu.memory_space<vmem>>
      %dma_wait3A_82 = tpu.memref_squeeze %dma_wait3A_81 : memref<1x128x16xf32, #tpu.memory_space<vmem>> -> memref<128x16xf32, #tpu.memory_space<vmem>>
      tpu.wait_dma2 semaphore(%run_scoped3A_58 : memref<!tpu.dma_semaphore, #tpu.memory_space<semaphore_mem>>) src(%dma_wait3A_82 : memref<128x16xf32, #tpu.memory_space<vmem>>) dst(%dma_wait3A_78 : memref<128x16xf32, #tpu.memory_space<vmem_shared>>)
      tpu.yield
    }) : () -> ()
    %add3A_30 = arith.constant 512 : i32
    %add3A_31 = arith.addi %mul3A_2, %add3A_30 : i32
    %run_scoped3A_32 = arith.constant 0 : i32
    "tpu.region"() ({
      %run_scoped3A_58 = tpu.sem_alloc : memref<!tpu.dma_semaphore, #tpu.memory_space<semaphore_mem>>
      %dma_start3A_59 = arith.constant 0 : i32
      %dma_start3A_60 = arith.constant 0 : i32
      %dma_start3A_61 = tpu.memref_slice %arg5[%run_scoped3A_32, %dma_start3A_59, %dma_start3A_60] : memref<4x128x16xf32, #tpu.memory_space<vmem>> -> memref<1x128x16xf32, #tpu.memory_space<vmem>>
      %dma_start3A_62 = tpu.memref_squeeze %dma_start3A_61 : memref<1x128x16xf32, #tpu.memory_space<vmem>> -> memref<128x16xf32, #tpu.memory_space<vmem>>
      %dma_start3A_63 = arith.constant 0 : i32
      %dma_start3A_64 = tpu.memref_slice %arg7[%add3A_31, %dma_start3A_63] : memref<10240x16xf32, #tpu.memory_space<vmem_shared>> -> memref<128x16xf32, #tpu.memory_space<vmem_shared>>
      %dma_start3A_65 = arith.constant 0 : i32
      %dma_start3A_66 = tpu.memref_slice %arg7[%add3A_31, %dma_start3A_65] : memref<10240x16xf32, #tpu.memory_space<vmem_shared>> -> memref<128x16xf32, #tpu.memory_space<vmem_shared>>
      %dma_start3A_67 = arith.constant 0 : i32
      %dma_start3A_68 = arith.constant 0 : i32
      %dma_start3A_69 = tpu.memref_slice %arg5[%run_scoped3A_32, %dma_start3A_67, %dma_start3A_68] : memref<4x128x16xf32, #tpu.memory_space<vmem>> -> memref<1x128x16xf32, #tpu.memory_space<vmem>>
      %dma_start3A_70 = tpu.memref_squeeze %dma_start3A_69 : memref<1x128x16xf32, #tpu.memory_space<vmem>> -> memref<128x16xf32, #tpu.memory_space<vmem>>
      tpu.enqueue_dma source(%dma_start3A_70 : memref<128x16xf32, #tpu.memory_space<vmem>>) target(%dma_start3A_66 : memref<128x16xf32, #tpu.memory_space<vmem_shared>>) target_semaphore(%run_scoped3A_58 : memref<!tpu.dma_semaphore, #tpu.memory_space<semaphore_mem>>)
      %dma_wait3A_71 = arith.constant 0 : i32
      %dma_wait3A_72 = arith.constant 0 : i32
      %dma_wait3A_73 = tpu.memref_slice %arg5[%run_scoped3A_32, %dma_wait3A_71, %dma_wait3A_72] : memref<4x128x16xf32, #tpu.memory_space<vmem>> -> memref<1x128x16xf32, #tpu.memory_space<vmem>>
      %dma_wait3A_74 = tpu.memref_squeeze %dma_wait3A_73 : memref<1x128x16xf32, #tpu.memory_space<vmem>> -> memref<128x16xf32, #tpu.memory_space<vmem>>
      %dma_wait3A_75 = arith.constant 0 : i32
      %dma_wait3A_76 = tpu.memref_slice %arg7[%add3A_31, %dma_wait3A_75] : memref<10240x16xf32, #tpu.memory_space<vmem_shared>> -> memref<128x16xf32, #tpu.memory_space<vmem_shared>>
      %dma_wait3A_77 = arith.constant 0 : i32
      %dma_wait3A_78 = tpu.memref_slice %arg7[%add3A_31, %dma_wait3A_77] : memref<10240x16xf32, #tpu.memory_space<vmem_shared>> -> memref<128x16xf32, #tpu.memory_space<vmem_shared>>
      %dma_wait3A_79 = arith.constant 0 : i32
      %dma_wait3A_80 = arith.constant 0 : i32
      %dma_wait3A_81 = tpu.memref_slice %arg5[%run_scoped3A_32, %dma_wait3A_79, %dma_wait3A_80] : memref<4x128x16xf32, #tpu.memory_space<vmem>> -> memref<1x128x16xf32, #tpu.memory_space<vmem>>
      %dma_wait3A_82 = tpu.memref_squeeze %dma_wait3A_81 : memref<1x128x16xf32, #tpu.memory_space<vmem>> -> memref<128x16xf32, #tpu.memory_space<vmem>>
      tpu.wait_dma2 semaphore(%run_scoped3A_58 : memref<!tpu.dma_semaphore, #tpu.memory_space<semaphore_mem>>) src(%dma_wait3A_82 : memref<128x16xf32, #tpu.memory_space<vmem>>) dst(%dma_wait3A_78 : memref<128x16xf32, #tpu.memory_space<vmem_shared>>)
      tpu.yield
    }) : () -> ()
    %dma_wait3A = arith.constant 0 : i32
    %dma_wait3A_33 = arith.constant 0 : i32
    %dma_wait3A_34 = arith.constant 0 : i32
    %dma_wait3A_35 = tpu.memref_slice %arg2[%add3A, %dma_wait3A_33, %dma_wait3A_34] : memref<32x40x128xi32, #tpu.memory_space<hbm>> -> memref<1x40x128xi32, #tpu.memory_space<hbm>>
    %dma_wait3A_36 = tpu.memref_squeeze %dma_wait3A_35 : memref<1x40x128xi32, #tpu.memory_space<hbm>> -> memref<40x128xi32, #tpu.memory_space<hbm>>
    %dma_wait3A_37 = tpu.memref_slice %arg8[%dma_wait3A] : memref<4x!tpu.dma_semaphore, #tpu.memory_space<semaphore_mem>> -> memref<1x!tpu.dma_semaphore, #tpu.memory_space<semaphore_mem>>
    %dma_wait3A_38 = tpu.memref_squeeze %dma_wait3A_37 : memref<1x!tpu.dma_semaphore, #tpu.memory_space<semaphore_mem>> -> memref<!tpu.dma_semaphore, #tpu.memory_space<semaphore_mem>>
    %dma_wait3A_39 = arith.constant 0 : i32
    %dma_wait3A_40 = arith.constant 0 : i32
    %dma_wait3A_41 = tpu.memref_slice %arg2[%add3A, %dma_wait3A_39, %dma_wait3A_40] : memref<32x40x128xi32, #tpu.memory_space<hbm>> -> memref<1x40x128xi32, #tpu.memory_space<hbm>>
    %dma_wait3A_42 = tpu.memref_squeeze %dma_wait3A_41 : memref<1x40x128xi32, #tpu.memory_space<hbm>> -> memref<40x128xi32, #tpu.memory_space<hbm>>
    tpu.wait_dma2 semaphore(%dma_wait3A_38 : memref<!tpu.dma_semaphore, #tpu.memory_space<semaphore_mem>>) src(%dma_wait3A_42 : memref<40x128xi32, #tpu.memory_space<hbm>>) dst(%arg4 : memref<40x128xi32, #tpu.memory_space<vmem>>)
    %barrier3A = arith.constant 0 : index
    tpu.barrier barrier_id(%barrier3A)
    %broadcast_in_dim3A_43 = arith.constant 1.000000e+00 : f32
    %broadcast_in_dim3A_44 = vector.broadcast %broadcast_in_dim3A_43 : f32 to vector<16xf32>
    %scan3A_45 = arith.constant 0 : i32
    %scan3A_46 = arith.constant 0 : i32
    %scan3A_47 = arith.constant 128 : i32
    %scan3A_48 = arith.addi %scan3A_46, %scan3A_47 : i32
    %scan3A_49 = arith.constant 1 : i32
    scf.for %scan3A_58 = %scan3A_46 to %scan3A_48 step %scan3A_49  : i32 {
      %swap3A = arith.constant 0 : i32
      %swap3A_59 = arith.index_cast %swap3A : i32 to index
      %swap3A_60 = arith.index_cast %scan3A_58 : i32 to index
      %swap3A_61 = arith.constant 0 : index
      %swap3A_62 = tpu.vector_load %arg5[%swap3A_59, %swap3A_60, %swap3A_61] {strides = array<i32>} : memref<4x128x16xf32, #tpu.memory_space<vmem>>, vector<1x1x16xf32>,
      %swap3A_63 = vector.shape_cast %swap3A_62 : vector<1x1x16xf32> to vector<16xf32>
      %swap3A_64 = vector.shape_cast %broadcast_in_dim3A_44 : vector<16xf32> to vector<1x1x16xf32>
      tpu.vector_store %arg5[%swap3A_59, %swap3A_60, %swap3A_61], %swap3A_64 {strides = array<i32>} : memref<4x128x16xf32, #tpu.memory_space<vmem>>, vector<1x1x16xf32>,
    }
    %scan3A_50 = arith.constant 128 : i32
    %scan3A_51 = arith.constant 0 : i32
    %scan3A_52 = arith.constant 0 : i32
    %scan3A_53 = arith.constant 40 : i32
    %scan3A_54 = arith.addi %scan3A_52, %scan3A_53 : i32
    %scan3A_55 = arith.constant 1 : i32
    scf.for %scan3A_58 = %scan3A_52 to %scan3A_54 step %scan3A_55  : i32 {
      %run_scoped3A_59 = arith.constant 0 : i32
      "tpu.region"() ({
        %run_scoped3A_60 = tpu.sem_alloc : memref<!tpu.dma_semaphore, #tpu.memory_space<semaphore_mem>>
        %dma_start3A_61 = arith.constant 0 : i32
        %dma_start3A_62 = arith.constant 0 : i32
        %dma_start3A_63 = tpu.memref_slice %arg5[%run_scoped3A_59, %dma_start3A_61, %dma_start3A_62] : memref<4x128x16xf32, #tpu.memory_space<vmem>> -> memref<1x128x16xf32, #tpu.memory_space<vmem>>
        %dma_start3A_64 = tpu.memref_squeeze %dma_start3A_63 : memref<1x128x16xf32, #tpu.memory_space<vmem>> -> memref<128x16xf32, #tpu.memory_space<vmem>>
        %dma_start3A_65 = arith.constant 0 : i32
        %dma_start3A_66 = tpu.memref_slice %arg4[%scan3A_58, %dma_start3A_65] : memref<40x128xi32, #tpu.memory_space<vmem>> -> memref<1x128xi32, #tpu.memory_space<vmem>>
        %dma_start3A_67 = tpu.memref_squeeze %dma_start3A_66 : memref<1x128xi32, #tpu.memory_space<vmem>> -> memref<128xi32, #tpu.memory_space<vmem>>
        %dma_start3A_68 = arith.constant 0 : i32
        %dma_start3A_69 = arith.constant 0 : i32
        %dma_start3A_70 = tpu.memref_slice %arg7[%dma_start3A_68, %dma_start3A_69] : memref<10240x16xf32, #tpu.memory_space<vmem_shared>> -> memref<10240x16xf32, #tpu.memory_space<vmem_shared>>
        tpu.enqueue_indirect_dma source(%dma_start3A_64 : memref<128x16xf32, #tpu.memory_space<vmem>>) target(%dma_start3A_70 : memref<10240x16xf32, #tpu.memory_space<vmem_shared>>) offsets(%dma_start3A_67 : memref<128xi32, #tpu.memory_space<vmem>>) semaphore(%run_scoped3A_60 : memref<!tpu.dma_semaphore, #tpu.memory_space<semaphore_mem>>) {add = true}
        %dma_wait3A_71 = arith.constant 0 : i32
        %dma_wait3A_72 = arith.constant 0 : i32
        %dma_wait3A_73 = tpu.memref_slice %arg5[%run_scoped3A_59, %dma_wait3A_71, %dma_wait3A_72] : memref<4x128x16xf32, #tpu.memory_space<vmem>> -> memref<1x128x16xf32, #tpu.memory_space<vmem>>
        %dma_wait3A_74 = tpu.memref_squeeze %dma_wait3A_73 : memref<1x128x16xf32, #tpu.memory_space<vmem>> -> memref<128x16xf32, #tpu.memory_space<vmem>>
        %dma_wait3A_75 = arith.constant 0 : i32
        %dma_wait3A_76 = tpu.memref_slice %arg4[%scan3A_58, %dma_wait3A_75] : memref<40x128xi32, #tpu.memory_space<vmem>> -> memref<1x128xi32, #tpu.memory_space<vmem>>
        %dma_wait3A_77 = tpu.memref_squeeze %dma_wait3A_76 : memref<1x128xi32, #tpu.memory_space<vmem>> -> memref<128xi32, #tpu.memory_space<vmem>>
        %dma_wait3A_78 = arith.constant 0 : i32
        %dma_wait3A_79 = arith.constant 0 : i32
        %dma_wait3A_80 = tpu.memref_slice %arg7[%dma_wait3A_78, %dma_wait3A_79] : memref<10240x16xf32, #tpu.memory_space<vmem_shared>> -> memref<10240x16xf32, #tpu.memory_space<vmem_shared>>
        tpu.wait_indirect_dma semaphore(%run_scoped3A_60 : memref<!tpu.dma_semaphore, #tpu.memory_space<semaphore_mem>>) src(%dma_wait3A_74 : memref<128x16xf32, #tpu.memory_space<vmem>>) dst(%dma_wait3A_80 : memref<10240x16xf32, #tpu.memory_space<vmem_shared>>)
        tpu.yield
      }) : () -> ()
    }
    %scan3A_56 = arith.constant 40 : i32
    %barrier3A_57 = arith.constant 0 : index
    tpu.barrier barrier_id(%barrier3A_57)
    "tpu.region"() ({
      %run_scoped3A_58 = tpu.sem_alloc : memref<!tpu.dma_semaphore, #tpu.memory_space<semaphore_mem>>
      %dma_start3A_59 = arith.constant 0 : i32
      %dma_start3A_60 = tpu.memref_slice %arg7[%mul3A_2, %dma_start3A_59] : memref<10240x16xf32, #tpu.memory_space<vmem_shared>> -> memref<640x16xf32, #tpu.memory_space<vmem_shared>>
      %dma_start3A_61 = arith.constant 0 : i32
      %dma_start3A_62 = tpu.memref_slice %arg7[%mul3A_2, %dma_start3A_61] : memref<10240x16xf32, #tpu.memory_space<vmem_shared>> -> memref<640x16xf32, #tpu.memory_space<vmem_shared>>
      tpu.enqueue_dma source(%dma_start3A_62 : memref<640x16xf32, #tpu.memory_space<vmem_shared>>) target(%arg6 : memref<640x16xf32, #tpu.memory_space<vmem>>) target_semaphore(%run_scoped3A_58 : memref<!tpu.dma_semaphore, #tpu.memory_space<semaphore_mem>>)
      %dma_wait3A_63 = arith.constant 0 : i32
      %dma_wait3A_64 = tpu.memref_slice %arg7[%mul3A_2, %dma_wait3A_63] : memref<10240x16xf32, #tpu.memory_space<vmem_shared>> -> memref<640x16xf32, #tpu.memory_space<vmem_shared>>
      %dma_wait3A_65 = arith.constant 0 : i32
      %dma_wait3A_66 = tpu.memref_slice %arg7[%mul3A_2, %dma_wait3A_65] : memref<10240x16xf32, #tpu.memory_space<vmem_shared>> -> memref<640x16xf32, #tpu.memory_space<vmem_shared>>
      tpu.wait_dma2 semaphore(%run_scoped3A_58 : memref<!tpu.dma_semaphore, #tpu.memory_space<semaphore_mem>>) src(%dma_wait3A_66 : memref<640x16xf32, #tpu.memory_space<vmem_shared>>) dst(%arg6 : memref<640x16xf32, #tpu.memory_space<vmem>>)
      tpu.yield
    }) : () -> ()
    "tpu.region"() ({
      %run_scoped3A_58 = tpu.sem_alloc : memref<!tpu.dma_semaphore, #tpu.memory_space<semaphore_mem>>
      %dma_start3A_59 = arith.constant 0 : i32
      %dma_start3A_60 = tpu.memref_slice %arg3[%arg0, %mul3A_2, %dma_start3A_59] : memref<2x10240x16xf32, #tpu.memory_space<hbm>> -> memref<1x640x16xf32, #tpu.memory_space<hbm>>
      %dma_start3A_61 = tpu.memref_squeeze %dma_start3A_60 : memref<1x640x16xf32, #tpu.memory_space<hbm>> -> memref<640x16xf32, #tpu.memory_space<hbm>>
      %dma_start3A_62 = arith.constant 0 : i32
      %dma_start3A_63 = tpu.memref_slice %arg3[%arg0, %mul3A_2, %dma_start3A_62] : memref<2x10240x16xf32, #tpu.memory_space<hbm>> -> memref<1x640x16xf32, #tpu.memory_space<hbm>>
      %dma_start3A_64 = tpu.memref_squeeze %dma_start3A_63 : memref<1x640x16xf32, #tpu.memory_space<hbm>> -> memref<640x16xf32, #tpu.memory_space<hbm>>
      tpu.enqueue_dma source(%arg6 : memref<640x16xf32, #tpu.memory_space<vmem>>) target(%dma_start3A_64 : memref<640x16xf32, #tpu.memory_space<hbm>>) target_semaphore(%run_scoped3A_58 : memref<!tpu.dma_semaphore, #tpu.memory_space<semaphore_mem>>)
      %dma_wait3A_65 = arith.constant 0 : i32
      %dma_wait3A_66 = tpu.memref_slice %arg3[%arg0, %mul3A_2, %dma_wait3A_65] : memref<2x10240x16xf32, #tpu.memory_space<hbm>> -> memref<1x640x16xf32, #tpu.memory_space<hbm>>
      %dma_wait3A_67 = tpu.memref_squeeze %dma_wait3A_66 : memref<1x640x16xf32, #tpu.memory_space<hbm>> -> memref<640x16xf32, #tpu.memory_space<hbm>>
      %dma_wait3A_68 = arith.constant 0 : i32
      %dma_wait3A_69 = tpu.memref_slice %arg3[%arg0, %mul3A_2, %dma_wait3A_68] : memref<2x10240x16xf32, #tpu.memory_space<hbm>> -> memref<1x640x16xf32, #tpu.memory_space<hbm>>
      %dma_wait3A_70 = tpu.memref_squeeze %dma_wait3A_69 : memref<1x640x16xf32, #tpu.memory_space<hbm>> -> memref<640x16xf32, #tpu.memory_space<hbm>>
      tpu.wait_dma2 semaphore(%run_scoped3A_58 : memref<!tpu.dma_semaphore, #tpu.memory_space<semaphore_mem>>) src(%arg6 : memref<640x16xf32, #tpu.memory_space<vmem>>) dst(%dma_wait3A_70 : memref<640x16xf32, #tpu.memory_space<hbm>>)
      tpu.yield
    }) : () -> ()
    return
  }
}

#map = affine_map<(d0, d1) -> (0, 0)>
#map1 = affine_map<(d0, d1) -> (0, 0, 0)>
module attributes {stable_mosaic.version = 14 : i64} {
  func.func @body(%arg0: i32, %arg1: i32, %arg2: memref<10000x16xf32, #tpu.memory_space<hbm>>, %arg3: memref<32x40x128xi32, #tpu.memory_space<hbm>>, %arg4: memref<32x40x128xi32, #tpu.memory_space<hbm>>, %arg5: memref<2x10240x16xf32, #tpu.memory_space<hbm>>, %arg6: memref<40x128xi32, #tpu.memory_space<vmem>>, %arg7: memref<40x128xi32, #tpu.memory_space<vmem>>, %arg8: memref<4x128x16xf32, #tpu.memory_space<vmem>>, %arg9: memref<640x16xf32, #tpu.memory_space<vmem>>, %arg10: memref<10240x16xf32, #tpu.memory_space<vmem_shared>>, %arg11: memref<4x!tpu.dma_semaphore, #tpu.memory_space<semaphore_mem>>, %arg12: memref<4x!tpu.dma_semaphore, #tpu.memory_space<semaphore_mem>>) attributes {dimension_semantics = [#tpu.dimension_semantics<core_parallel>, #tpu.dimension_semantics<subcore_parallel>], iteration_bounds = array<i64: 2, 16>, scalar_prefetch = 0 : i64, scratch_operands = 7 : i64, tpu.core_type = #tpu.core_type<sc_vector_subcore>, window_params = [{transform_indices = #map}, {transform_indices = #map1}, {transform_indices = #map1}, {transform_indices = #map1}]} {
    %mul3A = arith.constant 2 : i32
    %mul3A_0 = arith.muli %arg1, %mul3A : i32
    %add3A = arith.addi %mul3A_0, %arg0 : i32
    %mul3A_1 = arith.constant 640 : i32
    %mul3A_2 = arith.muli %arg1, %mul3A_1 : i32
    %dma_start3A = arith.constant 0 : i32
    %dma_start3A_3 = arith.constant 0 : i32
    %dma_start3A_4 = arith.constant 0 : i32
    %dma_start3A_5 = tpu.memref_slice %arg4[%add3A, %dma_start3A_3, %dma_start3A_4] : memref<32x40x128xi32, #tpu.memory_space<hbm>> -> memref<1x40x128xi32, #tpu.memory_space<hbm>>
    %dma_start3A_6 = tpu.memref_squeeze %dma_start3A_5 : memref<1x40x128xi32, #tpu.memory_space<hbm>> -> memref<40x128xi32, #tpu.memory_space<hbm>>
    %dma_start3A_7 = tpu.memref_slice %arg11[%dma_start3A] : memref<4x!tpu.dma_semaphore, #tpu.memory_space<semaphore_mem>> -> memref<1x!tpu.dma_semaphore, #tpu.memory_space<semaphore_mem>>
    %dma_start3A_8 = tpu.memref_squeeze %dma_start3A_7 : memref<1x!tpu.dma_semaphore, #tpu.memory_space<semaphore_mem>> -> memref<!tpu.dma_semaphore, #tpu.memory_space<semaphore_mem>>
    %dma_start3A_9 = arith.constant 0 : i32
    %dma_start3A_10 = arith.constant 0 : i32
    %dma_start3A_11 = tpu.memref_slice %arg4[%add3A, %dma_start3A_9, %dma_start3A_10] : memref<32x40x128xi32, #tpu.memory_space<hbm>> -> memref<1x40x128xi32, #tpu.memory_space<hbm>>
    %dma_start3A_12 = tpu.memref_squeeze %dma_start3A_11 : memref<1x40x128xi32, #tpu.memory_space<hbm>> -> memref<40x128xi32, #tpu.memory_space<hbm>>
    tpu.enqueue_dma source(%dma_start3A_12 : memref<40x128xi32, #tpu.memory_space<hbm>>) target(%arg7 : memref<40x128xi32, #tpu.memory_space<vmem>>) target_semaphore(%dma_start3A_8 : memref<!tpu.dma_semaphore, #tpu.memory_space<semaphore_mem>>)
    %dma_start3A_13 = arith.constant 1 : i32
    %dma_start3A_14 = arith.constant 0 : i32
    %dma_start3A_15 = arith.constant 0 : i32
    %dma_start3A_16 = tpu.memref_slice %arg3[%add3A, %dma_start3A_14, %dma_start3A_15] : memref<32x40x128xi32, #tpu.memory_space<hbm>> -> memref<1x40x128xi32, #tpu.memory_space<hbm>>
    %dma_start3A_17 = tpu.memref_squeeze %dma_start3A_16 : memref<1x40x128xi32, #tpu.memory_space<hbm>> -> memref<40x128xi32, #tpu.memory_space<hbm>>
    %dma_start3A_18 = tpu.memref_slice %arg11[%dma_start3A_13] : memref<4x!tpu.dma_semaphore, #tpu.memory_space<semaphore_mem>> -> memref<1x!tpu.dma_semaphore, #tpu.memory_space<semaphore_mem>>
    %dma_start3A_19 = tpu.memref_squeeze %dma_start3A_18 : memref<1x!tpu.dma_semaphore, #tpu.memory_space<semaphore_mem>> -> memref<!tpu.dma_semaphore, #tpu.memory_space<semaphore_mem>>
    %dma_start3A_20 = arith.constant 0 : i32
    %dma_start3A_21 = arith.constant 0 : i32
    %dma_start3A_22 = tpu.memref_slice %arg3[%add3A, %dma_start3A_20, %dma_start3A_21] : memref<32x40x128xi32, #tpu.memory_space<hbm>> -> memref<1x40x128xi32, #tpu.memory_space<hbm>>
    %dma_start3A_23 = tpu.memref_squeeze %dma_start3A_22 : memref<1x40x128xi32, #tpu.memory_space<hbm>> -> memref<40x128xi32, #tpu.memory_space<hbm>>
    tpu.enqueue_dma source(%dma_start3A_23 : memref<40x128xi32, #tpu.memory_space<hbm>>) target(%arg6 : memref<40x128xi32, #tpu.memory_space<vmem>>) target_semaphore(%dma_start3A_19 : memref<!tpu.dma_semaphore, #tpu.memory_space<semaphore_mem>>)
    %broadcast_in_dim3A = arith.constant 0.000000e+00 : f32
    %broadcast_in_dim3A_24 = vector.broadcast %broadcast_in_dim3A : f32 to vector<16xf32>
    %scan3A = arith.constant 0 : i32
    %scan3A_25 = arith.constant 0 : i32
    %scan3A_26 = arith.constant 128 : i32
    %scan3A_27 = arith.addi %scan3A_25, %scan3A_26 : i32
    %scan3A_28 = arith.constant 1 : i32
    scf.for %scan3A_119 = %scan3A_25 to %scan3A_27 step %scan3A_28  : i32 {
      %swap3A = arith.constant 0 : i32
      %swap3A_120 = arith.index_cast %swap3A : i32 to index
      %swap3A_121 = arith.index_cast %scan3A_119 : i32 to index
      %swap3A_122 = arith.constant 0 : index
      %swap3A_123 = tpu.vector_load %arg8[%swap3A_120, %swap3A_121, %swap3A_122] {strides = array<i32>} : memref<4x128x16xf32, #tpu.memory_space<vmem>>, vector<1x1x16xf32>,
      %swap3A_124 = vector.shape_cast %swap3A_123 : vector<1x1x16xf32> to vector<16xf32>
      %swap3A_125 = vector.shape_cast %broadcast_in_dim3A_24 : vector<16xf32> to vector<1x1x16xf32>
      tpu.vector_store %arg8[%swap3A_120, %swap3A_121, %swap3A_122], %swap3A_125 {strides = array<i32>} : memref<4x128x16xf32, #tpu.memory_space<vmem>>, vector<1x1x16xf32>,
    }
    %scan3A_29 = arith.constant 128 : i32
    %eq3A = arith.constant 0 : i32
    %eq3A_30 = arith.cmpi eq, %arg0, %eq3A : i32
    %lt3A = arith.constant 15 : i32
    %lt3A_31 = arith.cmpi slt, %arg1, %lt3A : i32
    %and3A = arith.andi %eq3A_30, %lt3A_31 : i1
    %convert_element_type3A = arith.extui %and3A : i1 to i32
    %cond3A = arith.constant 0 : i32
    %cond3A_32 = arith.cmpi ne, %convert_element_type3A, %cond3A : i32
    scf.if %cond3A_32 {
      %add3A_119 = arith.constant 0 : i32
      %add3A_120 = arith.addi %mul3A_2, %add3A_119 : i32
      %add3A_121 = arith.constant 0 : i32
      %add3A_122 = arith.addi %mul3A_2, %add3A_121 : i32
      "tpu.region"() ({
        %run_scoped3A = tpu.sem_alloc : memref<!tpu.dma_semaphore, #tpu.memory_space<semaphore_mem>>
        %dma_start3A_139 = arith.constant 0 : i32
        %dma_start3A_140 = tpu.memref_slice %arg10[%add3A_122, %dma_start3A_139] : memref<10240x16xf32, #tpu.memory_space<vmem_shared>> -> memref<128x16xf32, #tpu.memory_space<vmem_shared>>
        %dma_start3A_141 = arith.constant 0 : i32
        %dma_start3A_142 = tpu.memref_slice %arg2[%add3A_120, %dma_start3A_141] : memref<10000x16xf32, #tpu.memory_space<hbm>> -> memref<128x16xf32, #tpu.memory_space<hbm>>
        tpu.enqueue_dma source(%dma_start3A_142 : memref<128x16xf32, #tpu.memory_space<hbm>>) target(%dma_start3A_140 : memref<128x16xf32, #tpu.memory_space<vmem_shared>>) target_semaphore(%run_scoped3A : memref<!tpu.dma_semaphore, #tpu.memory_space<semaphore_mem>>)
        %dma_wait3A_143 = arith.constant 0 : i32
        %dma_wait3A_144 = tpu.memref_slice %arg10[%add3A_122, %dma_wait3A_143] : memref<10240x16xf32, #tpu.memory_space<vmem_shared>> -> memref<128x16xf32, #tpu.memory_space<vmem_shared>>
        %dma_wait3A_145 = arith.constant 0 : i32
        %dma_wait3A_146 = tpu.memref_slice %arg2[%add3A_120, %dma_wait3A_145] : memref<10000x16xf32, #tpu.memory_space<hbm>> -> memref<128x16xf32, #tpu.memory_space<hbm>>
        tpu.wait_dma2 semaphore(%run_scoped3A : memref<!tpu.dma_semaphore, #tpu.memory_space<semaphore_mem>>) src(%dma_wait3A_146 : memref<128x16xf32, #tpu.memory_space<hbm>>) dst(%dma_wait3A_144 : memref<128x16xf32, #tpu.memory_space<vmem_shared>>)
        tpu.yield
      }) : () -> ()
      %add3A_123 = arith.constant 128 : i32
      %add3A_124 = arith.addi %mul3A_2, %add3A_123 : i32
      %add3A_125 = arith.constant 128 : i32
      %add3A_126 = arith.addi %mul3A_2, %add3A_125 : i32
      "tpu.region"() ({
        %run_scoped3A = tpu.sem_alloc : memref<!tpu.dma_semaphore, #tpu.memory_space<semaphore_mem>>
        %dma_start3A_139 = arith.constant 0 : i32
        %dma_start3A_140 = tpu.memref_slice %arg10[%add3A_126, %dma_start3A_139] : memref<10240x16xf32, #tpu.memory_space<vmem_shared>> -> memref<128x16xf32, #tpu.memory_space<vmem_shared>>
        %dma_start3A_141 = arith.constant 0 : i32
        %dma_start3A_142 = tpu.memref_slice %arg2[%add3A_124, %dma_start3A_141] : memref<10000x16xf32, #tpu.memory_space<hbm>> -> memref<128x16xf32, #tpu.memory_space<hbm>>
        tpu.enqueue_dma source(%dma_start3A_142 : memref<128x16xf32, #tpu.memory_space<hbm>>) target(%dma_start3A_140 : memref<128x16xf32, #tpu.memory_space<vmem_shared>>) target_semaphore(%run_scoped3A : memref<!tpu.dma_semaphore, #tpu.memory_space<semaphore_mem>>)
        %dma_wait3A_143 = arith.constant 0 : i32
        %dma_wait3A_144 = tpu.memref_slice %arg10[%add3A_126, %dma_wait3A_143] : memref<10240x16xf32, #tpu.memory_space<vmem_shared>> -> memref<128x16xf32, #tpu.memory_space<vmem_shared>>
        %dma_wait3A_145 = arith.constant 0 : i32
        %dma_wait3A_146 = tpu.memref_slice %arg2[%add3A_124, %dma_wait3A_145] : memref<10000x16xf32, #tpu.memory_space<hbm>> -> memref<128x16xf32, #tpu.memory_space<hbm>>
        tpu.wait_dma2 semaphore(%run_scoped3A : memref<!tpu.dma_semaphore, #tpu.memory_space<semaphore_mem>>) src(%dma_wait3A_146 : memref<128x16xf32, #tpu.memory_space<hbm>>) dst(%dma_wait3A_144 : memref<128x16xf32, #tpu.memory_space<vmem_shared>>)
        tpu.yield
      }) : () -> ()
      %add3A_127 = arith.constant 256 : i32
      %add3A_128 = arith.addi %mul3A_2, %add3A_127 : i32
      %add3A_129 = arith.constant 256 : i32
      %add3A_130 = arith.addi %mul3A_2, %add3A_129 : i32
      "tpu.region"() ({
        %run_scoped3A = tpu.sem_alloc : memref<!tpu.dma_semaphore, #tpu.memory_space<semaphore_mem>>
        %dma_start3A_139 = arith.constant 0 : i32
        %dma_start3A_140 = tpu.memref_slice %arg10[%add3A_130, %dma_start3A_139] : memref<10240x16xf32, #tpu.memory_space<vmem_shared>> -> memref<128x16xf32, #tpu.memory_space<vmem_shared>>
        %dma_start3A_141 = arith.constant 0 : i32
        %dma_start3A_142 = tpu.memref_slice %arg2[%add3A_128, %dma_start3A_141] : memref<10000x16xf32, #tpu.memory_space<hbm>> -> memref<128x16xf32, #tpu.memory_space<hbm>>
        tpu.enqueue_dma source(%dma_start3A_142 : memref<128x16xf32, #tpu.memory_space<hbm>>) target(%dma_start3A_140 : memref<128x16xf32, #tpu.memory_space<vmem_shared>>) target_semaphore(%run_scoped3A : memref<!tpu.dma_semaphore, #tpu.memory_space<semaphore_mem>>)
        %dma_wait3A_143 = arith.constant 0 : i32
        %dma_wait3A_144 = tpu.memref_slice %arg10[%add3A_130, %dma_wait3A_143] : memref<10240x16xf32, #tpu.memory_space<vmem_shared>> -> memref<128x16xf32, #tpu.memory_space<vmem_shared>>
        %dma_wait3A_145 = arith.constant 0 : i32
        %dma_wait3A_146 = tpu.memref_slice %arg2[%add3A_128, %dma_wait3A_145] : memref<10000x16xf32, #tpu.memory_space<hbm>> -> memref<128x16xf32, #tpu.memory_space<hbm>>
        tpu.wait_dma2 semaphore(%run_scoped3A : memref<!tpu.dma_semaphore, #tpu.memory_space<semaphore_mem>>) src(%dma_wait3A_146 : memref<128x16xf32, #tpu.memory_space<hbm>>) dst(%dma_wait3A_144 : memref<128x16xf32, #tpu.memory_space<vmem_shared>>)
        tpu.yield
      }) : () -> ()
      %add3A_131 = arith.constant 384 : i32
      %add3A_132 = arith.addi %mul3A_2, %add3A_131 : i32
      %add3A_133 = arith.constant 384 : i32
      %add3A_134 = arith.addi %mul3A_2, %add3A_133 : i32
      "tpu.region"() ({
        %run_scoped3A = tpu.sem_alloc : memref<!tpu.dma_semaphore, #tpu.memory_space<semaphore_mem>>
        %dma_start3A_139 = arith.constant 0 : i32
        %dma_start3A_140 = tpu.memref_slice %arg10[%add3A_134, %dma_start3A_139] : memref<10240x16xf32, #tpu.memory_space<vmem_shared>> -> memref<128x16xf32, #tpu.memory_space<vmem_shared>>
        %dma_start3A_141 = arith.constant 0 : i32
        %dma_start3A_142 = tpu.memref_slice %arg2[%add3A_132, %dma_start3A_141] : memref<10000x16xf32, #tpu.memory_space<hbm>> -> memref<128x16xf32, #tpu.memory_space<hbm>>
        tpu.enqueue_dma source(%dma_start3A_142 : memref<128x16xf32, #tpu.memory_space<hbm>>) target(%dma_start3A_140 : memref<128x16xf32, #tpu.memory_space<vmem_shared>>) target_semaphore(%run_scoped3A : memref<!tpu.dma_semaphore, #tpu.memory_space<semaphore_mem>>)
        %dma_wait3A_143 = arith.constant 0 : i32
        %dma_wait3A_144 = tpu.memref_slice %arg10[%add3A_134, %dma_wait3A_143] : memref<10240x16xf32, #tpu.memory_space<vmem_shared>> -> memref<128x16xf32, #tpu.memory_space<vmem_shared>>
        %dma_wait3A_145 = arith.constant 0 : i32
        %dma_wait3A_146 = tpu.memref_slice %arg2[%add3A_132, %dma_wait3A_145] : memref<10000x16xf32, #tpu.memory_space<hbm>> -> memref<128x16xf32, #tpu.memory_space<hbm>>
        tpu.wait_dma2 semaphore(%run_scoped3A : memref<!tpu.dma_semaphore, #tpu.memory_space<semaphore_mem>>) src(%dma_wait3A_146 : memref<128x16xf32, #tpu.memory_space<hbm>>) dst(%dma_wait3A_144 : memref<128x16xf32, #tpu.memory_space<vmem_shared>>)
        tpu.yield
      }) : () -> ()
      %add3A_135 = arith.constant 512 : i32
      %add3A_136 = arith.addi %mul3A_2, %add3A_135 : i32
      %add3A_137 = arith.constant 512 : i32
      %add3A_138 = arith.addi %mul3A_2, %add3A_137 : i32
      "tpu.region"() ({
        %run_scoped3A = tpu.sem_alloc : memref<!tpu.dma_semaphore, #tpu.memory_space<semaphore_mem>>
        %dma_start3A_139 = arith.constant 0 : i32
        %dma_start3A_140 = tpu.memref_slice %arg10[%add3A_138, %dma_start3A_139] : memref<10240x16xf32, #tpu.memory_space<vmem_shared>> -> memref<128x16xf32, #tpu.memory_space<vmem_shared>>
        %dma_start3A_141 = arith.constant 0 : i32
        %dma_start3A_142 = tpu.memref_slice %arg2[%add3A_136, %dma_start3A_141] : memref<10000x16xf32, #tpu.memory_space<hbm>> -> memref<128x16xf32, #tpu.memory_space<hbm>>
        tpu.enqueue_dma source(%dma_start3A_142 : memref<128x16xf32, #tpu.memory_space<hbm>>) target(%dma_start3A_140 : memref<128x16xf32, #tpu.memory_space<vmem_shared>>) target_semaphore(%run_scoped3A : memref<!tpu.dma_semaphore, #tpu.memory_space<semaphore_mem>>)
        %dma_wait3A_143 = arith.constant 0 : i32
        %dma_wait3A_144 = tpu.memref_slice %arg10[%add3A_138, %dma_wait3A_143] : memref<10240x16xf32, #tpu.memory_space<vmem_shared>> -> memref<128x16xf32, #tpu.memory_space<vmem_shared>>
        %dma_wait3A_145 = arith.constant 0 : i32
        %dma_wait3A_146 = tpu.memref_slice %arg2[%add3A_136, %dma_wait3A_145] : memref<10000x16xf32, #tpu.memory_space<hbm>> -> memref<128x16xf32, #tpu.memory_space<hbm>>
        tpu.wait_dma2 semaphore(%run_scoped3A : memref<!tpu.dma_semaphore, #tpu.memory_space<semaphore_mem>>) src(%dma_wait3A_146 : memref<128x16xf32, #tpu.memory_space<hbm>>) dst(%dma_wait3A_144 : memref<128x16xf32, #tpu.memory_space<vmem_shared>>)
        tpu.yield
      }) : () -> ()
    } else {
    }
    %eq3A_33 = arith.constant 0 : i32
    %eq3A_34 = arith.cmpi eq, %arg0, %eq3A_33 : i32
    %eq3A_35 = arith.constant 15 : i32
    %eq3A_36 = arith.cmpi eq, %arg1, %eq3A_35 : i32
    %and3A_37 = arith.andi %eq3A_34, %eq3A_36 : i1
    %convert_element_type3A_38 = arith.extui %and3A_37 : i1 to i32
    %cond3A_39 = arith.constant 0 : i32
    %cond3A_40 = arith.cmpi ne, %convert_element_type3A_38, %cond3A_39 : i32
    scf.if %cond3A_40 {
      "tpu.region"() ({
        %run_scoped3A_120 = tpu.sem_alloc : memref<!tpu.dma_semaphore, #tpu.memory_space<semaphore_mem>>
        %dma_start3A_121 = arith.constant 9600 : i32
        %dma_start3A_122 = arith.constant 0 : i32
        %dma_start3A_123 = tpu.memref_slice %arg10[%dma_start3A_121, %dma_start3A_122] : memref<10240x16xf32, #tpu.memory_space<vmem_shared>> -> memref<128x16xf32, #tpu.memory_space<vmem_shared>>
        %dma_start3A_124 = arith.constant 9600 : i32
        %dma_start3A_125 = arith.constant 0 : i32
        %dma_start3A_126 = tpu.memref_slice %arg2[%dma_start3A_124, %dma_start3A_125] : memref<10000x16xf32, #tpu.memory_space<hbm>> -> memref<128x16xf32, #tpu.memory_space<hbm>>
        tpu.enqueue_dma source(%dma_start3A_126 : memref<128x16xf32, #tpu.memory_space<hbm>>) target(%dma_start3A_123 : memref<128x16xf32, #tpu.memory_space<vmem_shared>>) target_semaphore(%run_scoped3A_120 : memref<!tpu.dma_semaphore, #tpu.memory_space<semaphore_mem>>)
        %dma_wait3A_127 = arith.constant 9600 : i32
        %dma_wait3A_128 = arith.constant 0 : i32
        %dma_wait3A_129 = tpu.memref_slice %arg10[%dma_wait3A_127, %dma_wait3A_128] : memref<10240x16xf32, #tpu.memory_space<vmem_shared>> -> memref<128x16xf32, #tpu.memory_space<vmem_shared>>
        %dma_wait3A_130 = arith.constant 9600 : i32
        %dma_wait3A_131 = arith.constant 0 : i32
        %dma_wait3A_132 = tpu.memref_slice %arg2[%dma_wait3A_130, %dma_wait3A_131] : memref<10000x16xf32, #tpu.memory_space<hbm>> -> memref<128x16xf32, #tpu.memory_space<hbm>>
        tpu.wait_dma2 semaphore(%run_scoped3A_120 : memref<!tpu.dma_semaphore, #tpu.memory_space<semaphore_mem>>) src(%dma_wait3A_132 : memref<128x16xf32, #tpu.memory_space<hbm>>) dst(%dma_wait3A_129 : memref<128x16xf32, #tpu.memory_space<vmem_shared>>)
        tpu.yield
      }) : () -> ()
      "tpu.region"() ({
        %run_scoped3A_120 = tpu.sem_alloc : memref<!tpu.dma_semaphore, #tpu.memory_space<semaphore_mem>>
        %dma_start3A_121 = arith.constant 9728 : i32
        %dma_start3A_122 = arith.constant 0 : i32
        %dma_start3A_123 = tpu.memref_slice %arg10[%dma_start3A_121, %dma_start3A_122] : memref<10240x16xf32, #tpu.memory_space<vmem_shared>> -> memref<128x16xf32, #tpu.memory_space<vmem_shared>>
        %dma_start3A_124 = arith.constant 9728 : i32
        %dma_start3A_125 = arith.constant 0 : i32
        %dma_start3A_126 = tpu.memref_slice %arg2[%dma_start3A_124, %dma_start3A_125] : memref<10000x16xf32, #tpu.memory_space<hbm>> -> memref<128x16xf32, #tpu.memory_space<hbm>>
        tpu.enqueue_dma source(%dma_start3A_126 : memref<128x16xf32, #tpu.memory_space<hbm>>) target(%dma_start3A_123 : memref<128x16xf32, #tpu.memory_space<vmem_shared>>) target_semaphore(%run_scoped3A_120 : memref<!tpu.dma_semaphore, #tpu.memory_space<semaphore_mem>>)
        %dma_wait3A_127 = arith.constant 9728 : i32
        %dma_wait3A_128 = arith.constant 0 : i32
        %dma_wait3A_129 = tpu.memref_slice %arg10[%dma_wait3A_127, %dma_wait3A_128] : memref<10240x16xf32, #tpu.memory_space<vmem_shared>> -> memref<128x16xf32, #tpu.memory_space<vmem_shared>>
        %dma_wait3A_130 = arith.constant 9728 : i32
        %dma_wait3A_131 = arith.constant 0 : i32
        %dma_wait3A_132 = tpu.memref_slice %arg2[%dma_wait3A_130, %dma_wait3A_131] : memref<10000x16xf32, #tpu.memory_space<hbm>> -> memref<128x16xf32, #tpu.memory_space<hbm>>
        tpu.wait_dma2 semaphore(%run_scoped3A_120 : memref<!tpu.dma_semaphore, #tpu.memory_space<semaphore_mem>>) src(%dma_wait3A_132 : memref<128x16xf32, #tpu.memory_space<hbm>>) dst(%dma_wait3A_129 : memref<128x16xf32, #tpu.memory_space<vmem_shared>>)
        tpu.yield
      }) : () -> ()
      "tpu.region"() ({
        %run_scoped3A_120 = tpu.sem_alloc : memref<!tpu.dma_semaphore, #tpu.memory_space<semaphore_mem>>
        %dma_start3A_121 = arith.constant 9856 : i32
        %dma_start3A_122 = arith.constant 0 : i32
        %dma_start3A_123 = tpu.memref_slice %arg10[%dma_start3A_121, %dma_start3A_122] : memref<10240x16xf32, #tpu.memory_space<vmem_shared>> -> memref<128x16xf32, #tpu.memory_space<vmem_shared>>
        %dma_start3A_124 = arith.constant 9856 : i32
        %dma_start3A_125 = arith.constant 0 : i32
        %dma_start3A_126 = tpu.memref_slice %arg2[%dma_start3A_124, %dma_start3A_125] : memref<10000x16xf32, #tpu.memory_space<hbm>> -> memref<128x16xf32, #tpu.memory_space<hbm>>
        tpu.enqueue_dma source(%dma_start3A_126 : memref<128x16xf32, #tpu.memory_space<hbm>>) target(%dma_start3A_123 : memref<128x16xf32, #tpu.memory_space<vmem_shared>>) target_semaphore(%run_scoped3A_120 : memref<!tpu.dma_semaphore, #tpu.memory_space<semaphore_mem>>)
        %dma_wait3A_127 = arith.constant 9856 : i32
        %dma_wait3A_128 = arith.constant 0 : i32
        %dma_wait3A_129 = tpu.memref_slice %arg10[%dma_wait3A_127, %dma_wait3A_128] : memref<10240x16xf32, #tpu.memory_space<vmem_shared>> -> memref<128x16xf32, #tpu.memory_space<vmem_shared>>
        %dma_wait3A_130 = arith.constant 9856 : i32
        %dma_wait3A_131 = arith.constant 0 : i32
        %dma_wait3A_132 = tpu.memref_slice %arg2[%dma_wait3A_130, %dma_wait3A_131] : memref<10000x16xf32, #tpu.memory_space<hbm>> -> memref<128x16xf32, #tpu.memory_space<hbm>>
        tpu.wait_dma2 semaphore(%run_scoped3A_120 : memref<!tpu.dma_semaphore, #tpu.memory_space<semaphore_mem>>) src(%dma_wait3A_132 : memref<128x16xf32, #tpu.memory_space<hbm>>) dst(%dma_wait3A_129 : memref<128x16xf32, #tpu.memory_space<vmem_shared>>)
        tpu.yield
      }) : () -> ()
      "tpu.region"() ({
        %run_scoped3A_120 = tpu.sem_alloc : memref<!tpu.dma_semaphore, #tpu.memory_space<semaphore_mem>>
        %dma_start3A_121 = arith.constant 9984 : i32
        %dma_start3A_122 = arith.constant 0 : i32
        %dma_start3A_123 = tpu.memref_slice %arg10[%dma_start3A_121, %dma_start3A_122] : memref<10240x16xf32, #tpu.memory_space<vmem_shared>> -> memref<16x16xf32, #tpu.memory_space<vmem_shared>>
        %dma_start3A_124 = arith.constant 9984 : i32
        %dma_start3A_125 = arith.constant 0 : i32
        %dma_start3A_126 = tpu.memref_slice %arg2[%dma_start3A_124, %dma_start3A_125] : memref<10000x16xf32, #tpu.memory_space<hbm>> -> memref<16x16xf32, #tpu.memory_space<hbm>>
        tpu.enqueue_dma source(%dma_start3A_126 : memref<16x16xf32, #tpu.memory_space<hbm>>) target(%dma_start3A_123 : memref<16x16xf32, #tpu.memory_space<vmem_shared>>) target_semaphore(%run_scoped3A_120 : memref<!tpu.dma_semaphore, #tpu.memory_space<semaphore_mem>>)
        %dma_wait3A_127 = arith.constant 9984 : i32
        %dma_wait3A_128 = arith.constant 0 : i32
        %dma_wait3A_129 = tpu.memref_slice %arg10[%dma_wait3A_127, %dma_wait3A_128] : memref<10240x16xf32, #tpu.memory_space<vmem_shared>> -> memref<16x16xf32, #tpu.memory_space<vmem_shared>>
        %dma_wait3A_130 = arith.constant 9984 : i32
        %dma_wait3A_131 = arith.constant 0 : i32
        %dma_wait3A_132 = tpu.memref_slice %arg2[%dma_wait3A_130, %dma_wait3A_131] : memref<10000x16xf32, #tpu.memory_space<hbm>> -> memref<16x16xf32, #tpu.memory_space<hbm>>
        tpu.wait_dma2 semaphore(%run_scoped3A_120 : memref<!tpu.dma_semaphore, #tpu.memory_space<semaphore_mem>>) src(%dma_wait3A_132 : memref<16x16xf32, #tpu.memory_space<hbm>>) dst(%dma_wait3A_129 : memref<16x16xf32, #tpu.memory_space<vmem_shared>>)
        tpu.yield
      }) : () -> ()
      %run_scoped3A = arith.constant 0 : i32
      "tpu.region"() ({
        %run_scoped3A_120 = tpu.sem_alloc : memref<!tpu.dma_semaphore, #tpu.memory_space<semaphore_mem>>
        %dma_start3A_121 = arith.constant 0 : i32
        %dma_start3A_122 = arith.constant 0 : i32
        %dma_start3A_123 = tpu.memref_slice %arg8[%run_scoped3A, %dma_start3A_121, %dma_start3A_122] : memref<4x128x16xf32, #tpu.memory_space<vmem>> -> memref<1x128x16xf32, #tpu.memory_space<vmem>>
        %dma_start3A_124 = tpu.memref_squeeze %dma_start3A_123 : memref<1x128x16xf32, #tpu.memory_space<vmem>> -> memref<128x16xf32, #tpu.memory_space<vmem>>
        %dma_start3A_125 = arith.constant 0 : i32
        %dma_start3A_126 = arith.constant 0 : i32
        %dma_start3A_127 = tpu.memref_slice %dma_start3A_124[%dma_start3A_125, %dma_start3A_126] : memref<128x16xf32, #tpu.memory_space<vmem>> -> memref<112x16xf32, #tpu.memory_space<vmem>>
        %dma_start3A_128 = arith.constant 10000 : i32
        %dma_start3A_129 = arith.constant 0 : i32
        %dma_start3A_130 = tpu.memref_slice %arg10[%dma_start3A_128, %dma_start3A_129] : memref<10240x16xf32, #tpu.memory_space<vmem_shared>> -> memref<112x16xf32, #tpu.memory_space<vmem_shared>>
        %dma_start3A_131 = arith.constant 10000 : i32
        %dma_start3A_132 = arith.constant 0 : i32
        %dma_start3A_133 = tpu.memref_slice %arg10[%dma_start3A_131, %dma_start3A_132] : memref<10240x16xf32, #tpu.memory_space<vmem_shared>> -> memref<112x16xf32, #tpu.memory_space<vmem_shared>>
        %dma_start3A_134 = arith.constant 0 : i32
        %dma_start3A_135 = arith.constant 0 : i32
        %dma_start3A_136 = tpu.memref_slice %arg8[%run_scoped3A, %dma_start3A_134, %dma_start3A_135] : memref<4x128x16xf32, #tpu.memory_space<vmem>> -> memref<1x128x16xf32, #tpu.memory_space<vmem>>
        %dma_start3A_137 = tpu.memref_squeeze %dma_start3A_136 : memref<1x128x16xf32, #tpu.memory_space<vmem>> -> memref<128x16xf32, #tpu.memory_space<vmem>>
        %dma_start3A_138 = arith.constant 0 : i32
        %dma_start3A_139 = arith.constant 0 : i32
        %dma_start3A_140 = tpu.memref_slice %dma_start3A_137[%dma_start3A_138, %dma_start3A_139] : memref<128x16xf32, #tpu.memory_space<vmem>> -> memref<112x16xf32, #tpu.memory_space<vmem>>
        tpu.enqueue_dma source(%dma_start3A_140 : memref<112x16xf32, #tpu.memory_space<vmem>>) target(%dma_start3A_133 : memref<112x16xf32, #tpu.memory_space<vmem_shared>>) target_semaphore(%run_scoped3A_120 : memref<!tpu.dma_semaphore, #tpu.memory_space<semaphore_mem>>)
        %dma_wait3A_141 = arith.constant 0 : i32
        %dma_wait3A_142 = arith.constant 0 : i32
        %dma_wait3A_143 = tpu.memref_slice %arg8[%run_scoped3A, %dma_wait3A_141, %dma_wait3A_142] : memref<4x128x16xf32, #tpu.memory_space<vmem>> -> memref<1x128x16xf32, #tpu.memory_space<vmem>>
        %dma_wait3A_144 = tpu.memref_squeeze %dma_wait3A_143 : memref<1x128x16xf32, #tpu.memory_space<vmem>> -> memref<128x16xf32, #tpu.memory_space<vmem>>
        %dma_wait3A_145 = arith.constant 0 : i32
        %dma_wait3A_146 = arith.constant 0 : i32
        %dma_wait3A_147 = tpu.memref_slice %dma_wait3A_144[%dma_wait3A_145, %dma_wait3A_146] : memref<128x16xf32, #tpu.memory_space<vmem>> -> memref<112x16xf32, #tpu.memory_space<vmem>>
        %dma_wait3A_148 = arith.constant 10000 : i32
        %dma_wait3A_149 = arith.constant 0 : i32
        %dma_wait3A_150 = tpu.memref_slice %arg10[%dma_wait3A_148, %dma_wait3A_149] : memref<10240x16xf32, #tpu.memory_space<vmem_shared>> -> memref<112x16xf32, #tpu.memory_space<vmem_shared>>
        %dma_wait3A_151 = arith.constant 10000 : i32
        %dma_wait3A_152 = arith.constant 0 : i32
        %dma_wait3A_153 = tpu.memref_slice %arg10[%dma_wait3A_151, %dma_wait3A_152] : memref<10240x16xf32, #tpu.memory_space<vmem_shared>> -> memref<112x16xf32, #tpu.memory_space<vmem_shared>>
        %dma_wait3A_154 = arith.constant 0 : i32
        %dma_wait3A_155 = arith.constant 0 : i32
        %dma_wait3A_156 = tpu.memref_slice %arg8[%run_scoped3A, %dma_wait3A_154, %dma_wait3A_155] : memref<4x128x16xf32, #tpu.memory_space<vmem>> -> memref<1x128x16xf32, #tpu.memory_space<vmem>>
        %dma_wait3A_157 = tpu.memref_squeeze %dma_wait3A_156 : memref<1x128x16xf32, #tpu.memory_space<vmem>> -> memref<128x16xf32, #tpu.memory_space<vmem>>
        %dma_wait3A_158 = arith.constant 0 : i32
        %dma_wait3A_159 = arith.constant 0 : i32
        %dma_wait3A_160 = tpu.memref_slice %dma_wait3A_157[%dma_wait3A_158, %dma_wait3A_159] : memref<128x16xf32, #tpu.memory_space<vmem>> -> memref<112x16xf32, #tpu.memory_space<vmem>>
        tpu.wait_dma2 semaphore(%run_scoped3A_120 : memref<!tpu.dma_semaphore, #tpu.memory_space<semaphore_mem>>) src(%dma_wait3A_160 : memref<112x16xf32, #tpu.memory_space<vmem>>) dst(%dma_wait3A_153 : memref<112x16xf32, #tpu.memory_space<vmem_shared>>)
        tpu.yield
      }) : () -> ()
      %run_scoped3A_119 = arith.constant 0 : i32
      "tpu.region"() ({
        %run_scoped3A_120 = tpu.sem_alloc : memref<!tpu.dma_semaphore, #tpu.memory_space<semaphore_mem>>
        %dma_start3A_121 = arith.constant 0 : i32
        %dma_start3A_122 = arith.constant 0 : i32
        %dma_start3A_123 = tpu.memref_slice %arg8[%run_scoped3A_119, %dma_start3A_121, %dma_start3A_122] : memref<4x128x16xf32, #tpu.memory_space<vmem>> -> memref<1x128x16xf32, #tpu.memory_space<vmem>>
        %dma_start3A_124 = tpu.memref_squeeze %dma_start3A_123 : memref<1x128x16xf32, #tpu.memory_space<vmem>> -> memref<128x16xf32, #tpu.memory_space<vmem>>
        %dma_start3A_125 = arith.constant 10112 : i32
        %dma_start3A_126 = arith.constant 0 : i32
        %dma_start3A_127 = tpu.memref_slice %arg10[%dma_start3A_125, %dma_start3A_126] : memref<10240x16xf32, #tpu.memory_space<vmem_shared>> -> memref<128x16xf32, #tpu.memory_space<vmem_shared>>
        %dma_start3A_128 = arith.constant 10112 : i32
        %dma_start3A_129 = arith.constant 0 : i32
        %dma_start3A_130 = tpu.memref_slice %arg10[%dma_start3A_128, %dma_start3A_129] : memref<10240x16xf32, #tpu.memory_space<vmem_shared>> -> memref<128x16xf32, #tpu.memory_space<vmem_shared>>
        %dma_start3A_131 = arith.constant 0 : i32
        %dma_start3A_132 = arith.constant 0 : i32
        %dma_start3A_133 = tpu.memref_slice %arg8[%run_scoped3A_119, %dma_start3A_131, %dma_start3A_132] : memref<4x128x16xf32, #tpu.memory_space<vmem>> -> memref<1x128x16xf32, #tpu.memory_space<vmem>>
        %dma_start3A_134 = tpu.memref_squeeze %dma_start3A_133 : memref<1x128x16xf32, #tpu.memory_space<vmem>> -> memref<128x16xf32, #tpu.memory_space<vmem>>
        tpu.enqueue_dma source(%dma_start3A_134 : memref<128x16xf32, #tpu.memory_space<vmem>>) target(%dma_start3A_130 : memref<128x16xf32, #tpu.memory_space<vmem_shared>>) target_semaphore(%run_scoped3A_120 : memref<!tpu.dma_semaphore, #tpu.memory_space<semaphore_mem>>)
        %dma_wait3A_135 = arith.constant 0 : i32
        %dma_wait3A_136 = arith.constant 0 : i32
        %dma_wait3A_137 = tpu.memref_slice %arg8[%run_scoped3A_119, %dma_wait3A_135, %dma_wait3A_136] : memref<4x128x16xf32, #tpu.memory_space<vmem>> -> memref<1x128x16xf32, #tpu.memory_space<vmem>>
        %dma_wait3A_138 = tpu.memref_squeeze %dma_wait3A_137 : memref<1x128x16xf32, #tpu.memory_space<vmem>> -> memref<128x16xf32, #tpu.memory_space<vmem>>
        %dma_wait3A_139 = arith.constant 10112 : i32
        %dma_wait3A_140 = arith.constant 0 : i32
        %dma_wait3A_141 = tpu.memref_slice %arg10[%dma_wait3A_139, %dma_wait3A_140] : memref<10240x16xf32, #tpu.memory_space<vmem_shared>> -> memref<128x16xf32, #tpu.memory_space<vmem_shared>>
        %dma_wait3A_142 = arith.constant 10112 : i32
        %dma_wait3A_143 = arith.constant 0 : i32
        %dma_wait3A_144 = tpu.memref_slice %arg10[%dma_wait3A_142, %dma_wait3A_143] : memref<10240x16xf32, #tpu.memory_space<vmem_shared>> -> memref<128x16xf32, #tpu.memory_space<vmem_shared>>
        %dma_wait3A_145 = arith.constant 0 : i32
        %dma_wait3A_146 = arith.constant 0 : i32
        %dma_wait3A_147 = tpu.memref_slice %arg8[%run_scoped3A_119, %dma_wait3A_145, %dma_wait3A_146] : memref<4x128x16xf32, #tpu.memory_space<vmem>> -> memref<1x128x16xf32, #tpu.memory_space<vmem>>
        %dma_wait3A_148 = tpu.memref_squeeze %dma_wait3A_147 : memref<1x128x16xf32, #tpu.memory_space<vmem>> -> memref<128x16xf32, #tpu.memory_space<vmem>>
        tpu.wait_dma2 semaphore(%run_scoped3A_120 : memref<!tpu.dma_semaphore, #tpu.memory_space<semaphore_mem>>) src(%dma_wait3A_148 : memref<128x16xf32, #tpu.memory_space<vmem>>) dst(%dma_wait3A_144 : memref<128x16xf32, #tpu.memory_space<vmem_shared>>)
        tpu.yield
      }) : () -> ()
    } else {
    }
    %ne3A = arith.constant 0 : i32
    %ne3A_41 = arith.cmpi ne, %arg0, %ne3A : i32
    %gt3A = arith.constant 15 : i32
    %gt3A_42 = arith.cmpi sgt, %arg1, %gt3A : i32
    %or3A = arith.ori %ne3A_41, %gt3A_42 : i1
    %convert_element_type3A_43 = arith.extui %or3A : i1 to i32
    %cond3A_44 = arith.constant 0 : i32
    %cond3A_45 = arith.cmpi ne, %convert_element_type3A_43, %cond3A_44 : i32
    scf.if %cond3A_45 {
      %add3A_119 = arith.constant 0 : i32
      %add3A_120 = arith.addi %mul3A_2, %add3A_119 : i32
      %run_scoped3A = arith.constant 0 : i32
      "tpu.region"() ({
        %run_scoped3A_133 = tpu.sem_alloc : memref<!tpu.dma_semaphore, #tpu.memory_space<semaphore_mem>>
        %dma_start3A_134 = arith.constant 0 : i32
        %dma_start3A_135 = arith.constant 0 : i32
        %dma_start3A_136 = tpu.memref_slice %arg8[%run_scoped3A, %dma_start3A_134, %dma_start3A_135] : memref<4x128x16xf32, #tpu.memory_space<vmem>> -> memref<1x128x16xf32, #tpu.memory_space<vmem>>
        %dma_start3A_137 = tpu.memref_squeeze %dma_start3A_136 : memref<1x128x16xf32, #tpu.memory_space<vmem>> -> memref<128x16xf32, #tpu.memory_space<vmem>>
        %dma_start3A_138 = arith.constant 0 : i32
        %dma_start3A_139 = tpu.memref_slice %arg10[%add3A_120, %dma_start3A_138] : memref<10240x16xf32, #tpu.memory_space<vmem_shared>> -> memref<128x16xf32, #tpu.memory_space<vmem_shared>>
        %dma_start3A_140 = arith.constant 0 : i32
        %dma_start3A_141 = tpu.memref_slice %arg10[%add3A_120, %dma_start3A_140] : memref<10240x16xf32, #tpu.memory_space<vmem_shared>> -> memref<128x16xf32, #tpu.memory_space<vmem_shared>>
        %dma_start3A_142 = arith.constant 0 : i32
        %dma_start3A_143 = arith.constant 0 : i32
        %dma_start3A_144 = tpu.memref_slice %arg8[%run_scoped3A, %dma_start3A_142, %dma_start3A_143] : memref<4x128x16xf32, #tpu.memory_space<vmem>> -> memref<1x128x16xf32, #tpu.memory_space<vmem>>
        %dma_start3A_145 = tpu.memref_squeeze %dma_start3A_144 : memref<1x128x16xf32, #tpu.memory_space<vmem>> -> memref<128x16xf32, #tpu.memory_space<vmem>>
        tpu.enqueue_dma source(%dma_start3A_145 : memref<128x16xf32, #tpu.memory_space<vmem>>) target(%dma_start3A_141 : memref<128x16xf32, #tpu.memory_space<vmem_shared>>) target_semaphore(%run_scoped3A_133 : memref<!tpu.dma_semaphore, #tpu.memory_space<semaphore_mem>>)
        %dma_wait3A_146 = arith.constant 0 : i32
        %dma_wait3A_147 = arith.constant 0 : i32
        %dma_wait3A_148 = tpu.memref_slice %arg8[%run_scoped3A, %dma_wait3A_146, %dma_wait3A_147] : memref<4x128x16xf32, #tpu.memory_space<vmem>> -> memref<1x128x16xf32, #tpu.memory_space<vmem>>
        %dma_wait3A_149 = tpu.memref_squeeze %dma_wait3A_148 : memref<1x128x16xf32, #tpu.memory_space<vmem>> -> memref<128x16xf32, #tpu.memory_space<vmem>>
        %dma_wait3A_150 = arith.constant 0 : i32
        %dma_wait3A_151 = tpu.memref_slice %arg10[%add3A_120, %dma_wait3A_150] : memref<10240x16xf32, #tpu.memory_space<vmem_shared>> -> memref<128x16xf32, #tpu.memory_space<vmem_shared>>
        %dma_wait3A_152 = arith.constant 0 : i32
        %dma_wait3A_153 = tpu.memref_slice %arg10[%add3A_120, %dma_wait3A_152] : memref<10240x16xf32, #tpu.memory_space<vmem_shared>> -> memref<128x16xf32, #tpu.memory_space<vmem_shared>>
        %dma_wait3A_154 = arith.constant 0 : i32
        %dma_wait3A_155 = arith.constant 0 : i32
        %dma_wait3A_156 = tpu.memref_slice %arg8[%run_scoped3A, %dma_wait3A_154, %dma_wait3A_155] : memref<4x128x16xf32, #tpu.memory_space<vmem>> -> memref<1x128x16xf32, #tpu.memory_space<vmem>>
        %dma_wait3A_157 = tpu.memref_squeeze %dma_wait3A_156 : memref<1x128x16xf32, #tpu.memory_space<vmem>> -> memref<128x16xf32, #tpu.memory_space<vmem>>
        tpu.wait_dma2 semaphore(%run_scoped3A_133 : memref<!tpu.dma_semaphore, #tpu.memory_space<semaphore_mem>>) src(%dma_wait3A_157 : memref<128x16xf32, #tpu.memory_space<vmem>>) dst(%dma_wait3A_153 : memref<128x16xf32, #tpu.memory_space<vmem_shared>>)
        tpu.yield
      }) : () -> ()
      %add3A_121 = arith.constant 128 : i32
      %add3A_122 = arith.addi %mul3A_2, %add3A_121 : i32
      %run_scoped3A_123 = arith.constant 0 : i32
      "tpu.region"() ({
        %run_scoped3A_133 = tpu.sem_alloc : memref<!tpu.dma_semaphore, #tpu.memory_space<semaphore_mem>>
        %dma_start3A_134 = arith.constant 0 : i32
        %dma_start3A_135 = arith.constant 0 : i32
        %dma_start3A_136 = tpu.memref_slice %arg8[%run_scoped3A_123, %dma_start3A_134, %dma_start3A_135] : memref<4x128x16xf32, #tpu.memory_space<vmem>> -> memref<1x128x16xf32, #tpu.memory_space<vmem>>
        %dma_start3A_137 = tpu.memref_squeeze %dma_start3A_136 : memref<1x128x16xf32, #tpu.memory_space<vmem>> -> memref<128x16xf32, #tpu.memory_space<vmem>>
        %dma_start3A_138 = arith.constant 0 : i32
        %dma_start3A_139 = tpu.memref_slice %arg10[%add3A_122, %dma_start3A_138] : memref<10240x16xf32, #tpu.memory_space<vmem_shared>> -> memref<128x16xf32, #tpu.memory_space<vmem_shared>>
        %dma_start3A_140 = arith.constant 0 : i32
        %dma_start3A_141 = tpu.memref_slice %arg10[%add3A_122, %dma_start3A_140] : memref<10240x16xf32, #tpu.memory_space<vmem_shared>> -> memref<128x16xf32, #tpu.memory_space<vmem_shared>>
        %dma_start3A_142 = arith.constant 0 : i32
        %dma_start3A_143 = arith.constant 0 : i32
        %dma_start3A_144 = tpu.memref_slice %arg8[%run_scoped3A_123, %dma_start3A_142, %dma_start3A_143] : memref<4x128x16xf32, #tpu.memory_space<vmem>> -> memref<1x128x16xf32, #tpu.memory_space<vmem>>
        %dma_start3A_145 = tpu.memref_squeeze %dma_start3A_144 : memref<1x128x16xf32, #tpu.memory_space<vmem>> -> memref<128x16xf32, #tpu.memory_space<vmem>>
        tpu.enqueue_dma source(%dma_start3A_145 : memref<128x16xf32, #tpu.memory_space<vmem>>) target(%dma_start3A_141 : memref<128x16xf32, #tpu.memory_space<vmem_shared>>) target_semaphore(%run_scoped3A_133 : memref<!tpu.dma_semaphore, #tpu.memory_space<semaphore_mem>>)
        %dma_wait3A_146 = arith.constant 0 : i32
        %dma_wait3A_147 = arith.constant 0 : i32
        %dma_wait3A_148 = tpu.memref_slice %arg8[%run_scoped3A_123, %dma_wait3A_146, %dma_wait3A_147] : memref<4x128x16xf32, #tpu.memory_space<vmem>> -> memref<1x128x16xf32, #tpu.memory_space<vmem>>
        %dma_wait3A_149 = tpu.memref_squeeze %dma_wait3A_148 : memref<1x128x16xf32, #tpu.memory_space<vmem>> -> memref<128x16xf32, #tpu.memory_space<vmem>>
        %dma_wait3A_150 = arith.constant 0 : i32
        %dma_wait3A_151 = tpu.memref_slice %arg10[%add3A_122, %dma_wait3A_150] : memref<10240x16xf32, #tpu.memory_space<vmem_shared>> -> memref<128x16xf32, #tpu.memory_space<vmem_shared>>
        %dma_wait3A_152 = arith.constant 0 : i32
        %dma_wait3A_153 = tpu.memref_slice %arg10[%add3A_122, %dma_wait3A_152] : memref<10240x16xf32, #tpu.memory_space<vmem_shared>> -> memref<128x16xf32, #tpu.memory_space<vmem_shared>>
        %dma_wait3A_154 = arith.constant 0 : i32
        %dma_wait3A_155 = arith.constant 0 : i32
        %dma_wait3A_156 = tpu.memref_slice %arg8[%run_scoped3A_123, %dma_wait3A_154, %dma_wait3A_155] : memref<4x128x16xf32, #tpu.memory_space<vmem>> -> memref<1x128x16xf32, #tpu.memory_space<vmem>>
        %dma_wait3A_157 = tpu.memref_squeeze %dma_wait3A_156 : memref<1x128x16xf32, #tpu.memory_space<vmem>> -> memref<128x16xf32, #tpu.memory_space<vmem>>
        tpu.wait_dma2 semaphore(%run_scoped3A_133 : memref<!tpu.dma_semaphore, #tpu.memory_space<semaphore_mem>>) src(%dma_wait3A_157 : memref<128x16xf32, #tpu.memory_space<vmem>>) dst(%dma_wait3A_153 : memref<128x16xf32, #tpu.memory_space<vmem_shared>>)
        tpu.yield
      }) : () -> ()
      %add3A_124 = arith.constant 256 : i32
      %add3A_125 = arith.addi %mul3A_2, %add3A_124 : i32
      %run_scoped3A_126 = arith.constant 0 : i32
      "tpu.region"() ({
        %run_scoped3A_133 = tpu.sem_alloc : memref<!tpu.dma_semaphore, #tpu.memory_space<semaphore_mem>>
        %dma_start3A_134 = arith.constant 0 : i32
        %dma_start3A_135 = arith.constant 0 : i32
        %dma_start3A_136 = tpu.memref_slice %arg8[%run_scoped3A_126, %dma_start3A_134, %dma_start3A_135] : memref<4x128x16xf32, #tpu.memory_space<vmem>> -> memref<1x128x16xf32, #tpu.memory_space<vmem>>
        %dma_start3A_137 = tpu.memref_squeeze %dma_start3A_136 : memref<1x128x16xf32, #tpu.memory_space<vmem>> -> memref<128x16xf32, #tpu.memory_space<vmem>>
        %dma_start3A_138 = arith.constant 0 : i32
        %dma_start3A_139 = tpu.memref_slice %arg10[%add3A_125, %dma_start3A_138] : memref<10240x16xf32, #tpu.memory_space<vmem_shared>> -> memref<128x16xf32, #tpu.memory_space<vmem_shared>>
        %dma_start3A_140 = arith.constant 0 : i32
        %dma_start3A_141 = tpu.memref_slice %arg10[%add3A_125, %dma_start3A_140] : memref<10240x16xf32, #tpu.memory_space<vmem_shared>> -> memref<128x16xf32, #tpu.memory_space<vmem_shared>>
        %dma_start3A_142 = arith.constant 0 : i32
        %dma_start3A_143 = arith.constant 0 : i32
        %dma_start3A_144 = tpu.memref_slice %arg8[%run_scoped3A_126, %dma_start3A_142, %dma_start3A_143] : memref<4x128x16xf32, #tpu.memory_space<vmem>> -> memref<1x128x16xf32, #tpu.memory_space<vmem>>
        %dma_start3A_145 = tpu.memref_squeeze %dma_start3A_144 : memref<1x128x16xf32, #tpu.memory_space<vmem>> -> memref<128x16xf32, #tpu.memory_space<vmem>>
        tpu.enqueue_dma source(%dma_start3A_145 : memref<128x16xf32, #tpu.memory_space<vmem>>) target(%dma_start3A_141 : memref<128x16xf32, #tpu.memory_space<vmem_shared>>) target_semaphore(%run_scoped3A_133 : memref<!tpu.dma_semaphore, #tpu.memory_space<semaphore_mem>>)
        %dma_wait3A_146 = arith.constant 0 : i32
        %dma_wait3A_147 = arith.constant 0 : i32
        %dma_wait3A_148 = tpu.memref_slice %arg8[%run_scoped3A_126, %dma_wait3A_146, %dma_wait3A_147] : memref<4x128x16xf32, #tpu.memory_space<vmem>> -> memref<1x128x16xf32, #tpu.memory_space<vmem>>
        %dma_wait3A_149 = tpu.memref_squeeze %dma_wait3A_148 : memref<1x128x16xf32, #tpu.memory_space<vmem>> -> memref<128x16xf32, #tpu.memory_space<vmem>>
        %dma_wait3A_150 = arith.constant 0 : i32
        %dma_wait3A_151 = tpu.memref_slice %arg10[%add3A_125, %dma_wait3A_150] : memref<10240x16xf32, #tpu.memory_space<vmem_shared>> -> memref<128x16xf32, #tpu.memory_space<vmem_shared>>
        %dma_wait3A_152 = arith.constant 0 : i32
        %dma_wait3A_153 = tpu.memref_slice %arg10[%add3A_125, %dma_wait3A_152] : memref<10240x16xf32, #tpu.memory_space<vmem_shared>> -> memref<128x16xf32, #tpu.memory_space<vmem_shared>>
        %dma_wait3A_154 = arith.constant 0 : i32
        %dma_wait3A_155 = arith.constant 0 : i32
        %dma_wait3A_156 = tpu.memref_slice %arg8[%run_scoped3A_126, %dma_wait3A_154, %dma_wait3A_155] : memref<4x128x16xf32, #tpu.memory_space<vmem>> -> memref<1x128x16xf32, #tpu.memory_space<vmem>>
        %dma_wait3A_157 = tpu.memref_squeeze %dma_wait3A_156 : memref<1x128x16xf32, #tpu.memory_space<vmem>> -> memref<128x16xf32, #tpu.memory_space<vmem>>
        tpu.wait_dma2 semaphore(%run_scoped3A_133 : memref<!tpu.dma_semaphore, #tpu.memory_space<semaphore_mem>>) src(%dma_wait3A_157 : memref<128x16xf32, #tpu.memory_space<vmem>>) dst(%dma_wait3A_153 : memref<128x16xf32, #tpu.memory_space<vmem_shared>>)
        tpu.yield
      }) : () -> ()
      %add3A_127 = arith.constant 384 : i32
      %add3A_128 = arith.addi %mul3A_2, %add3A_127 : i32
      %run_scoped3A_129 = arith.constant 0 : i32
      "tpu.region"() ({
        %run_scoped3A_133 = tpu.sem_alloc : memref<!tpu.dma_semaphore, #tpu.memory_space<semaphore_mem>>
        %dma_start3A_134 = arith.constant 0 : i32
        %dma_start3A_135 = arith.constant 0 : i32
        %dma_start3A_136 = tpu.memref_slice %arg8[%run_scoped3A_129, %dma_start3A_134, %dma_start3A_135] : memref<4x128x16xf32, #tpu.memory_space<vmem>> -> memref<1x128x16xf32, #tpu.memory_space<vmem>>
        %dma_start3A_137 = tpu.memref_squeeze %dma_start3A_136 : memref<1x128x16xf32, #tpu.memory_space<vmem>> -> memref<128x16xf32, #tpu.memory_space<vmem>>
        %dma_start3A_138 = arith.constant 0 : i32
        %dma_start3A_139 = tpu.memref_slice %arg10[%add3A_128, %dma_start3A_138] : memref<10240x16xf32, #tpu.memory_space<vmem_shared>> -> memref<128x16xf32, #tpu.memory_space<vmem_shared>>
        %dma_start3A_140 = arith.constant 0 : i32
        %dma_start3A_141 = tpu.memref_slice %arg10[%add3A_128, %dma_start3A_140] : memref<10240x16xf32, #tpu.memory_space<vmem_shared>> -> memref<128x16xf32, #tpu.memory_space<vmem_shared>>
        %dma_start3A_142 = arith.constant 0 : i32
        %dma_start3A_143 = arith.constant 0 : i32
        %dma_start3A_144 = tpu.memref_slice %arg8[%run_scoped3A_129, %dma_start3A_142, %dma_start3A_143] : memref<4x128x16xf32, #tpu.memory_space<vmem>> -> memref<1x128x16xf32, #tpu.memory_space<vmem>>
        %dma_start3A_145 = tpu.memref_squeeze %dma_start3A_144 : memref<1x128x16xf32, #tpu.memory_space<vmem>> -> memref<128x16xf32, #tpu.memory_space<vmem>>
        tpu.enqueue_dma source(%dma_start3A_145 : memref<128x16xf32, #tpu.memory_space<vmem>>) target(%dma_start3A_141 : memref<128x16xf32, #tpu.memory_space<vmem_shared>>) target_semaphore(%run_scoped3A_133 : memref<!tpu.dma_semaphore, #tpu.memory_space<semaphore_mem>>)
        %dma_wait3A_146 = arith.constant 0 : i32
        %dma_wait3A_147 = arith.constant 0 : i32
        %dma_wait3A_148 = tpu.memref_slice %arg8[%run_scoped3A_129, %dma_wait3A_146, %dma_wait3A_147] : memref<4x128x16xf32, #tpu.memory_space<vmem>> -> memref<1x128x16xf32, #tpu.memory_space<vmem>>
        %dma_wait3A_149 = tpu.memref_squeeze %dma_wait3A_148 : memref<1x128x16xf32, #tpu.memory_space<vmem>> -> memref<128x16xf32, #tpu.memory_space<vmem>>
        %dma_wait3A_150 = arith.constant 0 : i32
        %dma_wait3A_151 = tpu.memref_slice %arg10[%add3A_128, %dma_wait3A_150] : memref<10240x16xf32, #tpu.memory_space<vmem_shared>> -> memref<128x16xf32, #tpu.memory_space<vmem_shared>>
        %dma_wait3A_152 = arith.constant 0 : i32
        %dma_wait3A_153 = tpu.memref_slice %arg10[%add3A_128, %dma_wait3A_152] : memref<10240x16xf32, #tpu.memory_space<vmem_shared>> -> memref<128x16xf32, #tpu.memory_space<vmem_shared>>
        %dma_wait3A_154 = arith.constant 0 : i32
        %dma_wait3A_155 = arith.constant 0 : i32
        %dma_wait3A_156 = tpu.memref_slice %arg8[%run_scoped3A_129, %dma_wait3A_154, %dma_wait3A_155] : memref<4x128x16xf32, #tpu.memory_space<vmem>> -> memref<1x128x16xf32, #tpu.memory_space<vmem>>
        %dma_wait3A_157 = tpu.memref_squeeze %dma_wait3A_156 : memref<1x128x16xf32, #tpu.memory_space<vmem>> -> memref<128x16xf32, #tpu.memory_space<vmem>>
        tpu.wait_dma2 semaphore(%run_scoped3A_133 : memref<!tpu.dma_semaphore, #tpu.memory_space<semaphore_mem>>) src(%dma_wait3A_157 : memref<128x16xf32, #tpu.memory_space<vmem>>) dst(%dma_wait3A_153 : memref<128x16xf32, #tpu.memory_space<vmem_shared>>)
        tpu.yield
      }) : () -> ()
      %add3A_130 = arith.constant 512 : i32
      %add3A_131 = arith.addi %mul3A_2, %add3A_130 : i32
      %run_scoped3A_132 = arith.constant 0 : i32
      "tpu.region"() ({
        %run_scoped3A_133 = tpu.sem_alloc : memref<!tpu.dma_semaphore, #tpu.memory_space<semaphore_mem>>
        %dma_start3A_134 = arith.constant 0 : i32
        %dma_start3A_135 = arith.constant 0 : i32
        %dma_start3A_136 = tpu.memref_slice %arg8[%run_scoped3A_132, %dma_start3A_134, %dma_start3A_135] : memref<4x128x16xf32, #tpu.memory_space<vmem>> -> memref<1x128x16xf32, #tpu.memory_space<vmem>>
        %dma_start3A_137 = tpu.memref_squeeze %dma_start3A_136 : memref<1x128x16xf32, #tpu.memory_space<vmem>> -> memref<128x16xf32, #tpu.memory_space<vmem>>
        %dma_start3A_138 = arith.constant 0 : i32
        %dma_start3A_139 = tpu.memref_slice %arg10[%add3A_131, %dma_start3A_138] : memref<10240x16xf32, #tpu.memory_space<vmem_shared>> -> memref<128x16xf32, #tpu.memory_space<vmem_shared>>
        %dma_start3A_140 = arith.constant 0 : i32
        %dma_start3A_141 = tpu.memref_slice %arg10[%add3A_131, %dma_start3A_140] : memref<10240x16xf32, #tpu.memory_space<vmem_shared>> -> memref<128x16xf32, #tpu.memory_space<vmem_shared>>
        %dma_start3A_142 = arith.constant 0 : i32
        %dma_start3A_143 = arith.constant 0 : i32
        %dma_start3A_144 = tpu.memref_slice %arg8[%run_scoped3A_132, %dma_start3A_142, %dma_start3A_143] : memref<4x128x16xf32, #tpu.memory_space<vmem>> -> memref<1x128x16xf32, #tpu.memory_space<vmem>>
        %dma_start3A_145 = tpu.memref_squeeze %dma_start3A_144 : memref<1x128x16xf32, #tpu.memory_space<vmem>> -> memref<128x16xf32, #tpu.memory_space<vmem>>
        tpu.enqueue_dma source(%dma_start3A_145 : memref<128x16xf32, #tpu.memory_space<vmem>>) target(%dma_start3A_141 : memref<128x16xf32, #tpu.memory_space<vmem_shared>>) target_semaphore(%run_scoped3A_133 : memref<!tpu.dma_semaphore, #tpu.memory_space<semaphore_mem>>)
        %dma_wait3A_146 = arith.constant 0 : i32
        %dma_wait3A_147 = arith.constant 0 : i32
        %dma_wait3A_148 = tpu.memref_slice %arg8[%run_scoped3A_132, %dma_wait3A_146, %dma_wait3A_147] : memref<4x128x16xf32, #tpu.memory_space<vmem>> -> memref<1x128x16xf32, #tpu.memory_space<vmem>>
        %dma_wait3A_149 = tpu.memref_squeeze %dma_wait3A_148 : memref<1x128x16xf32, #tpu.memory_space<vmem>> -> memref<128x16xf32, #tpu.memory_space<vmem>>
        %dma_wait3A_150 = arith.constant 0 : i32
        %dma_wait3A_151 = tpu.memref_slice %arg10[%add3A_131, %dma_wait3A_150] : memref<10240x16xf32, #tpu.memory_space<vmem_shared>> -> memref<128x16xf32, #tpu.memory_space<vmem_shared>>
        %dma_wait3A_152 = arith.constant 0 : i32
        %dma_wait3A_153 = tpu.memref_slice %arg10[%add3A_131, %dma_wait3A_152] : memref<10240x16xf32, #tpu.memory_space<vmem_shared>> -> memref<128x16xf32, #tpu.memory_space<vmem_shared>>
        %dma_wait3A_154 = arith.constant 0 : i32
        %dma_wait3A_155 = arith.constant 0 : i32
        %dma_wait3A_156 = tpu.memref_slice %arg8[%run_scoped3A_132, %dma_wait3A_154, %dma_wait3A_155] : memref<4x128x16xf32, #tpu.memory_space<vmem>> -> memref<1x128x16xf32, #tpu.memory_space<vmem>>
        %dma_wait3A_157 = tpu.memref_squeeze %dma_wait3A_156 : memref<1x128x16xf32, #tpu.memory_space<vmem>> -> memref<128x16xf32, #tpu.memory_space<vmem>>
        tpu.wait_dma2 semaphore(%run_scoped3A_133 : memref<!tpu.dma_semaphore, #tpu.memory_space<semaphore_mem>>) src(%dma_wait3A_157 : memref<128x16xf32, #tpu.memory_space<vmem>>) dst(%dma_wait3A_153 : memref<128x16xf32, #tpu.memory_space<vmem_shared>>)
        tpu.yield
      }) : () -> ()
    } else {
    }
    %dma_wait3A = arith.constant 0 : i32
    %dma_wait3A_46 = arith.constant 0 : i32
    %dma_wait3A_47 = arith.constant 0 : i32
    %dma_wait3A_48 = tpu.memref_slice %arg4[%add3A, %dma_wait3A_46, %dma_wait3A_47] : memref<32x40x128xi32, #tpu.memory_space<hbm>> -> memref<1x40x128xi32, #tpu.memory_space<hbm>>
    %dma_wait3A_49 = tpu.memref_squeeze %dma_wait3A_48 : memref<1x40x128xi32, #tpu.memory_space<hbm>> -> memref<40x128xi32, #tpu.memory_space<hbm>>
    %dma_wait3A_50 = tpu.memref_slice %arg11[%dma_wait3A] : memref<4x!tpu.dma_semaphore, #tpu.memory_space<semaphore_mem>> -> memref<1x!tpu.dma_semaphore, #tpu.memory_space<semaphore_mem>>
    %dma_wait3A_51 = tpu.memref_squeeze %dma_wait3A_50 : memref<1x!tpu.dma_semaphore, #tpu.memory_space<semaphore_mem>> -> memref<!tpu.dma_semaphore, #tpu.memory_space<semaphore_mem>>
    %dma_wait3A_52 = arith.constant 0 : i32
    %dma_wait3A_53 = arith.constant 0 : i32
    %dma_wait3A_54 = tpu.memref_slice %arg4[%add3A, %dma_wait3A_52, %dma_wait3A_53] : memref<32x40x128xi32, #tpu.memory_space<hbm>> -> memref<1x40x128xi32, #tpu.memory_space<hbm>>
    %dma_wait3A_55 = tpu.memref_squeeze %dma_wait3A_54 : memref<1x40x128xi32, #tpu.memory_space<hbm>> -> memref<40x128xi32, #tpu.memory_space<hbm>>
    tpu.wait_dma2 semaphore(%dma_wait3A_51 : memref<!tpu.dma_semaphore, #tpu.memory_space<semaphore_mem>>) src(%dma_wait3A_55 : memref<40x128xi32, #tpu.memory_space<hbm>>) dst(%arg7 : memref<40x128xi32, #tpu.memory_space<vmem>>)
    %dma_wait3A_56 = arith.constant 1 : i32
    %dma_wait3A_57 = arith.constant 0 : i32
    %dma_wait3A_58 = arith.constant 0 : i32
    %dma_wait3A_59 = tpu.memref_slice %arg3[%add3A, %dma_wait3A_57, %dma_wait3A_58] : memref<32x40x128xi32, #tpu.memory_space<hbm>> -> memref<1x40x128xi32, #tpu.memory_space<hbm>>
    %dma_wait3A_60 = tpu.memref_squeeze %dma_wait3A_59 : memref<1x40x128xi32, #tpu.memory_space<hbm>> -> memref<40x128xi32, #tpu.memory_space<hbm>>
    %dma_wait3A_61 = tpu.memref_slice %arg11[%dma_wait3A_56] : memref<4x!tpu.dma_semaphore, #tpu.memory_space<semaphore_mem>> -> memref<1x!tpu.dma_semaphore, #tpu.memory_space<semaphore_mem>>
    %dma_wait3A_62 = tpu.memref_squeeze %dma_wait3A_61 : memref<1x!tpu.dma_semaphore, #tpu.memory_space<semaphore_mem>> -> memref<!tpu.dma_semaphore, #tpu.memory_space<semaphore_mem>>
    %dma_wait3A_63 = arith.constant 0 : i32
    %dma_wait3A_64 = arith.constant 0 : i32
    %dma_wait3A_65 = tpu.memref_slice %arg3[%add3A, %dma_wait3A_63, %dma_wait3A_64] : memref<32x40x128xi32, #tpu.memory_space<hbm>> -> memref<1x40x128xi32, #tpu.memory_space<hbm>>
    %dma_wait3A_66 = tpu.memref_squeeze %dma_wait3A_65 : memref<1x40x128xi32, #tpu.memory_space<hbm>> -> memref<40x128xi32, #tpu.memory_space<hbm>>
    tpu.wait_dma2 semaphore(%dma_wait3A_62 : memref<!tpu.dma_semaphore, #tpu.memory_space<semaphore_mem>>) src(%dma_wait3A_66 : memref<40x128xi32, #tpu.memory_space<hbm>>) dst(%arg6 : memref<40x128xi32, #tpu.memory_space<vmem>>)
    %barrier3A = arith.constant 0 : index
    tpu.barrier barrier_id(%barrier3A)
    %dma_start3A_67 = arith.constant 0 : i32
    %dma_start3A_68 = arith.constant 0 : i32
    %dma_start3A_69 = arith.constant 0 : i32
    %dma_start3A_70 = arith.constant 0 : i32
    %dma_start3A_71 = arith.constant 0 : i32
    %dma_start3A_72 = tpu.memref_slice %arg8[%dma_start3A_68, %dma_start3A_70, %dma_start3A_71] : memref<4x128x16xf32, #tpu.memory_space<vmem>> -> memref<1x128x16xf32, #tpu.memory_space<vmem>>
    %dma_start3A_73 = tpu.memref_squeeze %dma_start3A_72 : memref<1x128x16xf32, #tpu.memory_space<vmem>> -> memref<128x16xf32, #tpu.memory_space<vmem>>
    %dma_start3A_74 = arith.constant 0 : i32
    %dma_start3A_75 = tpu.memref_slice %arg6[%dma_start3A_67, %dma_start3A_74] : memref<40x128xi32, #tpu.memory_space<vmem>> -> memref<1x128xi32, #tpu.memory_space<vmem>>
    %dma_start3A_76 = tpu.memref_squeeze %dma_start3A_75 : memref<1x128xi32, #tpu.memory_space<vmem>> -> memref<128xi32, #tpu.memory_space<vmem>>
    %dma_start3A_77 = arith.constant 0 : i32
    %dma_start3A_78 = arith.constant 0 : i32
    %dma_start3A_79 = tpu.memref_slice %arg2[%dma_start3A_77, %dma_start3A_78] : memref<10000x16xf32, #tpu.memory_space<hbm>> -> memref<10000x16xf32, #tpu.memory_space<hbm>>
    %dma_start3A_80 = tpu.memref_slice %arg11[%dma_start3A_69] : memref<4x!tpu.dma_semaphore, #tpu.memory_space<semaphore_mem>> -> memref<1x!tpu.dma_semaphore, #tpu.memory_space<semaphore_mem>>
    %dma_start3A_81 = tpu.memref_squeeze %dma_start3A_80 : memref<1x!tpu.dma_semaphore, #tpu.memory_space<semaphore_mem>> -> memref<!tpu.dma_semaphore, #tpu.memory_space<semaphore_mem>>
    tpu.enqueue_indirect_dma source(%dma_start3A_79 : memref<10000x16xf32, #tpu.memory_space<hbm>>) target(%dma_start3A_73 : memref<128x16xf32, #tpu.memory_space<vmem>>) offsets(%dma_start3A_76 : memref<128xi32, #tpu.memory_space<vmem>>) semaphore(%dma_start3A_81 : memref<!tpu.dma_semaphore, #tpu.memory_space<semaphore_mem>>)
    %dma_start3A_82 = arith.constant 1 : i32
    %dma_start3A_83 = arith.constant 1 : i32
    %dma_start3A_84 = arith.constant 1 : i32
    %dma_start3A_85 = arith.constant 0 : i32
    %dma_start3A_86 = arith.constant 0 : i32
    %dma_start3A_87 = tpu.memref_slice %arg8[%dma_start3A_83, %dma_start3A_85, %dma_start3A_86] : memref<4x128x16xf32, #tpu.memory_space<vmem>> -> memref<1x128x16xf32, #tpu.memory_space<vmem>>
    %dma_start3A_88 = tpu.memref_squeeze %dma_start3A_87 : memref<1x128x16xf32, #tpu.memory_space<vmem>> -> memref<128x16xf32, #tpu.memory_space<vmem>>
    %dma_start3A_89 = arith.constant 0 : i32
    %dma_start3A_90 = tpu.memref_slice %arg6[%dma_start3A_82, %dma_start3A_89] : memref<40x128xi32, #tpu.memory_space<vmem>> -> memref<1x128xi32, #tpu.memory_space<vmem>>
    %dma_start3A_91 = tpu.memref_squeeze %dma_start3A_90 : memref<1x128xi32, #tpu.memory_space<vmem>> -> memref<128xi32, #tpu.memory_space<vmem>>
    %dma_start3A_92 = arith.constant 0 : i32
    %dma_start3A_93 = arith.constant 0 : i32
    %dma_start3A_94 = tpu.memref_slice %arg2[%dma_start3A_92, %dma_start3A_93] : memref<10000x16xf32, #tpu.memory_space<hbm>> -> memref<10000x16xf32, #tpu.memory_space<hbm>>
    %dma_start3A_95 = tpu.memref_slice %arg11[%dma_start3A_84] : memref<4x!tpu.dma_semaphore, #tpu.memory_space<semaphore_mem>> -> memref<1x!tpu.dma_semaphore, #tpu.memory_space<semaphore_mem>>
    %dma_start3A_96 = tpu.memref_squeeze %dma_start3A_95 : memref<1x!tpu.dma_semaphore, #tpu.memory_space<semaphore_mem>> -> memref<!tpu.dma_semaphore, #tpu.memory_space<semaphore_mem>>
    tpu.enqueue_indirect_dma source(%dma_start3A_94 : memref<10000x16xf32, #tpu.memory_space<hbm>>) target(%dma_start3A_88 : memref<128x16xf32, #tpu.memory_space<vmem>>) offsets(%dma_start3A_91 : memref<128xi32, #tpu.memory_space<vmem>>) semaphore(%dma_start3A_96 : memref<!tpu.dma_semaphore, #tpu.memory_space<semaphore_mem>>)
    %dma_start3A_97 = arith.constant 2 : i32
    %dma_start3A_98 = arith.constant 2 : i32
    %dma_start3A_99 = arith.constant 2 : i32
    %dma_start3A_100 = arith.constant 0 : i32
    %dma_start3A_101 = arith.constant 0 : i32
    %dma_start3A_102 = tpu.memref_slice %arg8[%dma_start3A_98, %dma_start3A_100, %dma_start3A_101] : memref<4x128x16xf32, #tpu.memory_space<vmem>> -> memref<1x128x16xf32, #tpu.memory_space<vmem>>
    %dma_start3A_103 = tpu.memref_squeeze %dma_start3A_102 : memref<1x128x16xf32, #tpu.memory_space<vmem>> -> memref<128x16xf32, #tpu.memory_space<vmem>>
    %dma_start3A_104 = arith.constant 0 : i32
    %dma_start3A_105 = tpu.memref_slice %arg6[%dma_start3A_97, %dma_start3A_104] : memref<40x128xi32, #tpu.memory_space<vmem>> -> memref<1x128xi32, #tpu.memory_space<vmem>>
    %dma_start3A_106 = tpu.memref_squeeze %dma_start3A_105 : memref<1x128xi32, #tpu.memory_space<vmem>> -> memref<128xi32, #tpu.memory_space<vmem>>
    %dma_start3A_107 = arith.constant 0 : i32
    %dma_start3A_108 = arith.constant 0 : i32
    %dma_start3A_109 = tpu.memref_slice %arg2[%dma_start3A_107, %dma_start3A_108] : memref<10000x16xf32, #tpu.memory_space<hbm>> -> memref<10000x16xf32, #tpu.memory_space<hbm>>
    %dma_start3A_110 = tpu.memref_slice %arg11[%dma_start3A_99] : memref<4x!tpu.dma_semaphore, #tpu.memory_space<semaphore_mem>> -> memref<1x!tpu.dma_semaphore, #tpu.memory_space<semaphore_mem>>
    %dma_start3A_111 = tpu.memref_squeeze %dma_start3A_110 : memref<1x!tpu.dma_semaphore, #tpu.memory_space<semaphore_mem>> -> memref<!tpu.dma_semaphore, #tpu.memory_space<semaphore_mem>>
    tpu.enqueue_indirect_dma source(%dma_start3A_109 : memref<10000x16xf32, #tpu.memory_space<hbm>>) target(%dma_start3A_103 : memref<128x16xf32, #tpu.memory_space<vmem>>) offsets(%dma_start3A_106 : memref<128xi32, #tpu.memory_space<vmem>>) semaphore(%dma_start3A_111 : memref<!tpu.dma_semaphore, #tpu.memory_space<semaphore_mem>>)
    %scan3A_112 = arith.constant 0 : i32
    %scan3A_113 = arith.constant 0 : i32
    %scan3A_114 = arith.constant 20 : i32
    %scan3A_115 = arith.addi %scan3A_113, %scan3A_114 : i32
    %scan3A_116 = arith.constant 1 : i32
    scf.for %scan3A_119 = %scan3A_113 to %scan3A_115 step %scan3A_116  : i32 {
      %mul3A_120 = arith.constant 2 : i32
      %mul3A_121 = arith.muli %scan3A_119, %mul3A_120 : i32
      %add3A_122 = arith.constant 0 : i32
      %add3A_123 = arith.addi %mul3A_121, %add3A_122 : i32
      %jit3A = arith.constant 4 : i32
      %eq3A_124 = arith.constant 0 : i32
      %eq3A_125 = arith.cmpi eq, %jit3A, %eq3A_124 : i32
      %jit3A_126 = arith.constant 1 : i32
      %select_n3A = arith.select %eq3A_125, %jit3A_126, %jit3A : i32
      %rem3A = arith.remsi %add3A_123, %select_n3A : i32
      %ne3A_127 = arith.constant 0 : i32
      %ne3A_128 = arith.cmpi ne, %rem3A, %ne3A_127 : i32
      %lt3A_129 = arith.constant 0 : i32
      %lt3A_130 = arith.cmpi slt, %rem3A, %lt3A_129 : i32
      %lt3A_131 = arith.constant 0 : i32
      %lt3A_132 = arith.cmpi slt, %select_n3A, %lt3A_131 : i32
      %ne3A_133 = arith.xori %lt3A_130, %lt3A_132 : i1
      %and3A_134 = arith.andi %ne3A_133, %ne3A_128 : i1
      %add3A_135 = arith.addi %rem3A, %select_n3A : i32
      %select_n3A_136 = arith.select %and3A_134, %add3A_135, %rem3A : i32
      %dma_wait3A_137 = arith.constant 0 : i32
      %dma_wait3A_138 = arith.constant 0 : i32
      %dma_wait3A_139 = tpu.memref_slice %arg8[%select_n3A_136, %dma_wait3A_137, %dma_wait3A_138] : memref<4x128x16xf32, #tpu.memory_space<vmem>> -> memref<1x128x16xf32, #tpu.memory_space<vmem>>
      %dma_wait3A_140 = tpu.memref_squeeze %dma_wait3A_139 : memref<1x128x16xf32, #tpu.memory_space<vmem>> -> memref<128x16xf32, #tpu.memory_space<vmem>>
      %dma_wait3A_141 = arith.constant 0 : i32
      %dma_wait3A_142 = tpu.memref_slice %arg6[%add3A_123, %dma_wait3A_141] : memref<40x128xi32, #tpu.memory_space<vmem>> -> memref<1x128xi32, #tpu.memory_space<vmem>>
      %dma_wait3A_143 = tpu.memref_squeeze %dma_wait3A_142 : memref<1x128xi32, #tpu.memory_space<vmem>> -> memref<128xi32, #tpu.memory_space<vmem>>
      %dma_wait3A_144 = arith.constant 0 : i32
      %dma_wait3A_145 = arith.constant 0 : i32
      %dma_wait3A_146 = tpu.memref_slice %arg2[%dma_wait3A_144, %dma_wait3A_145] : memref<10000x16xf32, #tpu.memory_space<hbm>> -> memref<10000x16xf32, #tpu.memory_space<hbm>>
      %dma_wait3A_147 = tpu.memref_slice %arg11[%select_n3A_136] : memref<4x!tpu.dma_semaphore, #tpu.memory_space<semaphore_mem>> -> memref<1x!tpu.dma_semaphore, #tpu.memory_space<semaphore_mem>>
      %dma_wait3A_148 = tpu.memref_squeeze %dma_wait3A_147 : memref<1x!tpu.dma_semaphore, #tpu.memory_space<semaphore_mem>> -> memref<!tpu.dma_semaphore, #tpu.memory_space<semaphore_mem>>
      tpu.wait_indirect_dma semaphore(%dma_wait3A_148 : memref<!tpu.dma_semaphore, #tpu.memory_space<semaphore_mem>>) src(%dma_wait3A_146 : memref<10000x16xf32, #tpu.memory_space<hbm>>) dst(%dma_wait3A_140 : memref<128x16xf32, #tpu.memory_space<vmem>>)
      "tpu.region"() ({
        %run_scoped3A = tpu.sem_alloc : memref<!tpu.dma_semaphore, #tpu.memory_space<semaphore_mem>>
        %dma_start3A_195 = arith.constant 0 : i32
        %dma_start3A_196 = arith.constant 0 : i32
        %dma_start3A_197 = tpu.memref_slice %arg8[%select_n3A_136, %dma_start3A_195, %dma_start3A_196] : memref<4x128x16xf32, #tpu.memory_space<vmem>> -> memref<1x128x16xf32, #tpu.memory_space<vmem>>
        %dma_start3A_198 = tpu.memref_squeeze %dma_start3A_197 : memref<1x128x16xf32, #tpu.memory_space<vmem>> -> memref<128x16xf32, #tpu.memory_space<vmem>>
        %dma_start3A_199 = arith.constant 0 : i32
        %dma_start3A_200 = tpu.memref_slice %arg7[%add3A_123, %dma_start3A_199] : memref<40x128xi32, #tpu.memory_space<vmem>> -> memref<1x128xi32, #tpu.memory_space<vmem>>
        %dma_start3A_201 = tpu.memref_squeeze %dma_start3A_200 : memref<1x128xi32, #tpu.memory_space<vmem>> -> memref<128xi32, #tpu.memory_space<vmem>>
        %dma_start3A_202 = arith.constant 0 : i32
        %dma_start3A_203 = arith.constant 0 : i32
        %dma_start3A_204 = tpu.memref_slice %arg10[%dma_start3A_202, %dma_start3A_203] : memref<10240x16xf32, #tpu.memory_space<vmem_shared>> -> memref<10240x16xf32, #tpu.memory_space<vmem_shared>>
        tpu.enqueue_indirect_dma source(%dma_start3A_198 : memref<128x16xf32, #tpu.memory_space<vmem>>) target(%dma_start3A_204 : memref<10240x16xf32, #tpu.memory_space<vmem_shared>>) offsets(%dma_start3A_201 : memref<128xi32, #tpu.memory_space<vmem>>) semaphore(%run_scoped3A : memref<!tpu.dma_semaphore, #tpu.memory_space<semaphore_mem>>) {add = true}
        %dma_wait3A_205 = arith.constant 0 : i32
        %dma_wait3A_206 = arith.constant 0 : i32
        %dma_wait3A_207 = tpu.memref_slice %arg8[%select_n3A_136, %dma_wait3A_205, %dma_wait3A_206] : memref<4x128x16xf32, #tpu.memory_space<vmem>> -> memref<1x128x16xf32, #tpu.memory_space<vmem>>
        %dma_wait3A_208 = tpu.memref_squeeze %dma_wait3A_207 : memref<1x128x16xf32, #tpu.memory_space<vmem>> -> memref<128x16xf32, #tpu.memory_space<vmem>>
        %dma_wait3A_209 = arith.constant 0 : i32
        %dma_wait3A_210 = tpu.memref_slice %arg7[%add3A_123, %dma_wait3A_209] : memref<40x128xi32, #tpu.memory_space<vmem>> -> memref<1x128xi32, #tpu.memory_space<vmem>>
        %dma_wait3A_211 = tpu.memref_squeeze %dma_wait3A_210 : memref<1x128xi32, #tpu.memory_space<vmem>> -> memref<128xi32, #tpu.memory_space<vmem>>
        %dma_wait3A_212 = arith.constant 0 : i32
        %dma_wait3A_213 = arith.constant 0 : i32
        %dma_wait3A_214 = tpu.memref_slice %arg10[%dma_wait3A_212, %dma_wait3A_213] : memref<10240x16xf32, #tpu.memory_space<vmem_shared>> -> memref<10240x16xf32, #tpu.memory_space<vmem_shared>>
        tpu.wait_indirect_dma semaphore(%run_scoped3A : memref<!tpu.dma_semaphore, #tpu.memory_space<semaphore_mem>>) src(%dma_wait3A_208 : memref<128x16xf32, #tpu.memory_space<vmem>>) dst(%dma_wait3A_214 : memref<10240x16xf32, #tpu.memory_space<vmem_shared>>)
        tpu.yield
      }) : () -> ()
      %add3A_149 = arith.constant 3 : i32
      %add3A_150 = arith.addi %add3A_123, %add3A_149 : i32
      %lt3A_151 = arith.constant 40 : i32
      %lt3A_152 = arith.cmpi slt, %add3A_150, %lt3A_151 : i32
      %convert_element_type3A_153 = arith.extui %lt3A_152 : i1 to i32
      %cond3A_154 = arith.constant 0 : i32
      %cond3A_155 = arith.cmpi ne, %convert_element_type3A_153, %cond3A_154 : i32
      scf.if %cond3A_155 {
        %add3A_195 = arith.constant 3 : i32
        %add3A_196 = arith.addi %add3A_123, %add3A_195 : i32
        %add3A_197 = arith.constant 3 : i32
        %add3A_198 = arith.addi %add3A_123, %add3A_197 : i32
        %jit3A_199 = arith.constant 4 : i32
        %eq3A_200 = arith.constant 0 : i32
        %eq3A_201 = arith.cmpi eq, %jit3A_199, %eq3A_200 : i32
        %jit3A_202 = arith.constant 1 : i32
        %select_n3A_203 = arith.select %eq3A_201, %jit3A_202, %jit3A_199 : i32
        %rem3A_204 = arith.remsi %add3A_198, %select_n3A_203 : i32
        %ne3A_205 = arith.constant 0 : i32
        %ne3A_206 = arith.cmpi ne, %rem3A_204, %ne3A_205 : i32
        %lt3A_207 = arith.constant 0 : i32
        %lt3A_208 = arith.cmpi slt, %rem3A_204, %lt3A_207 : i32
        %lt3A_209 = arith.constant 0 : i32
        %lt3A_210 = arith.cmpi slt, %select_n3A_203, %lt3A_209 : i32
        %ne3A_211 = arith.xori %lt3A_208, %lt3A_210 : i1
        %and3A_212 = arith.andi %ne3A_211, %ne3A_206 : i1
        %add3A_213 = arith.addi %rem3A_204, %select_n3A_203 : i32
        %select_n3A_214 = arith.select %and3A_212, %add3A_213, %rem3A_204 : i32
        %dma_start3A_215 = arith.constant 0 : i32
        %dma_start3A_216 = arith.constant 0 : i32
        %dma_start3A_217 = tpu.memref_slice %arg8[%select_n3A_214, %dma_start3A_215, %dma_start3A_216] : memref<4x128x16xf32, #tpu.memory_space<vmem>> -> memref<1x128x16xf32, #tpu.memory_space<vmem>>
        %dma_start3A_218 = tpu.memref_squeeze %dma_start3A_217 : memref<1x128x16xf32, #tpu.memory_space<vmem>> -> memref<128x16xf32, #tpu.memory_space<vmem>>
        %dma_start3A_219 = arith.constant 0 : i32
        %dma_start3A_220 = tpu.memref_slice %arg6[%add3A_196, %dma_start3A_219] : memref<40x128xi32, #tpu.memory_space<vmem>> -> memref<1x128xi32, #tpu.memory_space<vmem>>
        %dma_start3A_221 = tpu.memref_squeeze %dma_start3A_220 : memref<1x128xi32, #tpu.memory_space<vmem>> -> memref<128xi32, #tpu.memory_space<vmem>>
        %dma_start3A_222 = arith.constant 0 : i32
        %dma_start3A_223 = arith.constant 0 : i32
        %dma_start3A_224 = tpu.memref_slice %arg2[%dma_start3A_222, %dma_start3A_223] : memref<10000x16xf32, #tpu.memory_space<hbm>> -> memref<10000x16xf32, #tpu.memory_space<hbm>>
        %dma_start3A_225 = tpu.memref_slice %arg11[%select_n3A_214] : memref<4x!tpu.dma_semaphore, #tpu.memory_space<semaphore_mem>> -> memref<1x!tpu.dma_semaphore, #tpu.memory_space<semaphore_mem>>
        %dma_start3A_226 = tpu.memref_squeeze %dma_start3A_225 : memref<1x!tpu.dma_semaphore, #tpu.memory_space<semaphore_mem>> -> memref<!tpu.dma_semaphore, #tpu.memory_space<semaphore_mem>>
        tpu.enqueue_indirect_dma source(%dma_start3A_224 : memref<10000x16xf32, #tpu.memory_space<hbm>>) target(%dma_start3A_218 : memref<128x16xf32, #tpu.memory_space<vmem>>) offsets(%dma_start3A_221 : memref<128xi32, #tpu.memory_space<vmem>>) semaphore(%dma_start3A_226 : memref<!tpu.dma_semaphore, #tpu.memory_space<semaphore_mem>>)
      } else {
      }
      %mul3A_156 = arith.constant 2 : i32
      %mul3A_157 = arith.muli %scan3A_119, %mul3A_156 : i32
      %add3A_158 = arith.constant 1 : i32
      %add3A_159 = arith.addi %mul3A_157, %add3A_158 : i32
      %jit3A_160 = arith.constant 4 : i32
      %eq3A_161 = arith.constant 0 : i32
      %eq3A_162 = arith.cmpi eq, %jit3A_160, %eq3A_161 : i32
      %jit3A_163 = arith.constant 1 : i32
      %select_n3A_164 = arith.select %eq3A_162, %jit3A_163, %jit3A_160 : i32
      %rem3A_165 = arith.remsi %add3A_159, %select_n3A_164 : i32
      %ne3A_166 = arith.constant 0 : i32
      %ne3A_167 = arith.cmpi ne, %rem3A_165, %ne3A_166 : i32
      %lt3A_168 = arith.constant 0 : i32
      %lt3A_169 = arith.cmpi slt, %rem3A_165, %lt3A_168 : i32
      %lt3A_170 = arith.constant 0 : i32
      %lt3A_171 = arith.cmpi slt, %select_n3A_164, %lt3A_170 : i32
      %ne3A_172 = arith.xori %lt3A_169, %lt3A_171 : i1
      %and3A_173 = arith.andi %ne3A_172, %ne3A_167 : i1
      %add3A_174 = arith.addi %rem3A_165, %select_n3A_164 : i32
      %select_n3A_175 = arith.select %and3A_173, %add3A_174, %rem3A_165 : i32
      %dma_wait3A_176 = arith.constant 0 : i32
      %dma_wait3A_177 = arith.constant 0 : i32
      %dma_wait3A_178 = tpu.memref_slice %arg8[%select_n3A_175, %dma_wait3A_176, %dma_wait3A_177] : memref<4x128x16xf32, #tpu.memory_space<vmem>> -> memref<1x128x16xf32, #tpu.memory_space<vmem>>
      %dma_wait3A_179 = tpu.memref_squeeze %dma_wait3A_178 : memref<1x128x16xf32, #tpu.memory_space<vmem>> -> memref<128x16xf32, #tpu.memory_space<vmem>>
      %dma_wait3A_180 = arith.constant 0 : i32
      %dma_wait3A_181 = tpu.memref_slice %arg6[%add3A_159, %dma_wait3A_180] : memref<40x128xi32, #tpu.memory_space<vmem>> -> memref<1x128xi32, #tpu.memory_space<vmem>>
      %dma_wait3A_182 = tpu.memref_squeeze %dma_wait3A_181 : memref<1x128xi32, #tpu.memory_space<vmem>> -> memref<128xi32, #tpu.memory_space<vmem>>
      %dma_wait3A_183 = arith.constant 0 : i32
      %dma_wait3A_184 = arith.constant 0 : i32
      %dma_wait3A_185 = tpu.memref_slice %arg2[%dma_wait3A_183, %dma_wait3A_184] : memref<10000x16xf32, #tpu.memory_space<hbm>> -> memref<10000x16xf32, #tpu.memory_space<hbm>>
      %dma_wait3A_186 = tpu.memref_slice %arg11[%select_n3A_175] : memref<4x!tpu.dma_semaphore, #tpu.memory_space<semaphore_mem>> -> memref<1x!tpu.dma_semaphore, #tpu.memory_space<semaphore_mem>>
      %dma_wait3A_187 = tpu.memref_squeeze %dma_wait3A_186 : memref<1x!tpu.dma_semaphore, #tpu.memory_space<semaphore_mem>> -> memref<!tpu.dma_semaphore, #tpu.memory_space<semaphore_mem>>
      tpu.wait_indirect_dma semaphore(%dma_wait3A_187 : memref<!tpu.dma_semaphore, #tpu.memory_space<semaphore_mem>>) src(%dma_wait3A_185 : memref<10000x16xf32, #tpu.memory_space<hbm>>) dst(%dma_wait3A_179 : memref<128x16xf32, #tpu.memory_space<vmem>>)
      "tpu.region"() ({
        %run_scoped3A = tpu.sem_alloc : memref<!tpu.dma_semaphore, #tpu.memory_space<semaphore_mem>>
        %dma_start3A_195 = arith.constant 0 : i32
        %dma_start3A_196 = arith.constant 0 : i32
        %dma_start3A_197 = tpu.memref_slice %arg8[%select_n3A_175, %dma_start3A_195, %dma_start3A_196] : memref<4x128x16xf32, #tpu.memory_space<vmem>> -> memref<1x128x16xf32, #tpu.memory_space<vmem>>
        %dma_start3A_198 = tpu.memref_squeeze %dma_start3A_197 : memref<1x128x16xf32, #tpu.memory_space<vmem>> -> memref<128x16xf32, #tpu.memory_space<vmem>>
        %dma_start3A_199 = arith.constant 0 : i32
        %dma_start3A_200 = tpu.memref_slice %arg7[%add3A_159, %dma_start3A_199] : memref<40x128xi32, #tpu.memory_space<vmem>> -> memref<1x128xi32, #tpu.memory_space<vmem>>
        %dma_start3A_201 = tpu.memref_squeeze %dma_start3A_200 : memref<1x128xi32, #tpu.memory_space<vmem>> -> memref<128xi32, #tpu.memory_space<vmem>>
        %dma_start3A_202 = arith.constant 0 : i32
        %dma_start3A_203 = arith.constant 0 : i32
        %dma_start3A_204 = tpu.memref_slice %arg10[%dma_start3A_202, %dma_start3A_203] : memref<10240x16xf32, #tpu.memory_space<vmem_shared>> -> memref<10240x16xf32, #tpu.memory_space<vmem_shared>>
        tpu.enqueue_indirect_dma source(%dma_start3A_198 : memref<128x16xf32, #tpu.memory_space<vmem>>) target(%dma_start3A_204 : memref<10240x16xf32, #tpu.memory_space<vmem_shared>>) offsets(%dma_start3A_201 : memref<128xi32, #tpu.memory_space<vmem>>) semaphore(%run_scoped3A : memref<!tpu.dma_semaphore, #tpu.memory_space<semaphore_mem>>) {add = true}
        %dma_wait3A_205 = arith.constant 0 : i32
        %dma_wait3A_206 = arith.constant 0 : i32
        %dma_wait3A_207 = tpu.memref_slice %arg8[%select_n3A_175, %dma_wait3A_205, %dma_wait3A_206] : memref<4x128x16xf32, #tpu.memory_space<vmem>> -> memref<1x128x16xf32, #tpu.memory_space<vmem>>
        %dma_wait3A_208 = tpu.memref_squeeze %dma_wait3A_207 : memref<1x128x16xf32, #tpu.memory_space<vmem>> -> memref<128x16xf32, #tpu.memory_space<vmem>>
        %dma_wait3A_209 = arith.constant 0 : i32
        %dma_wait3A_210 = tpu.memref_slice %arg7[%add3A_159, %dma_wait3A_209] : memref<40x128xi32, #tpu.memory_space<vmem>> -> memref<1x128xi32, #tpu.memory_space<vmem>>
        %dma_wait3A_211 = tpu.memref_squeeze %dma_wait3A_210 : memref<1x128xi32, #tpu.memory_space<vmem>> -> memref<128xi32, #tpu.memory_space<vmem>>
        %dma_wait3A_212 = arith.constant 0 : i32
        %dma_wait3A_213 = arith.constant 0 : i32
        %dma_wait3A_214 = tpu.memref_slice %arg10[%dma_wait3A_212, %dma_wait3A_213] : memref<10240x16xf32, #tpu.memory_space<vmem_shared>> -> memref<10240x16xf32, #tpu.memory_space<vmem_shared>>
        tpu.wait_indirect_dma semaphore(%run_scoped3A : memref<!tpu.dma_semaphore, #tpu.memory_space<semaphore_mem>>) src(%dma_wait3A_208 : memref<128x16xf32, #tpu.memory_space<vmem>>) dst(%dma_wait3A_214 : memref<10240x16xf32, #tpu.memory_space<vmem_shared>>)
        tpu.yield
      }) : () -> ()
      %add3A_188 = arith.constant 3 : i32
      %add3A_189 = arith.addi %add3A_159, %add3A_188 : i32
      %lt3A_190 = arith.constant 40 : i32
      %lt3A_191 = arith.cmpi slt, %add3A_189, %lt3A_190 : i32
      %convert_element_type3A_192 = arith.extui %lt3A_191 : i1 to i32
      %cond3A_193 = arith.constant 0 : i32
      %cond3A_194 = arith.cmpi ne, %convert_element_type3A_192, %cond3A_193 : i32
      scf.if %cond3A_194 {
        %add3A_195 = arith.constant 3 : i32
        %add3A_196 = arith.addi %add3A_159, %add3A_195 : i32
        %add3A_197 = arith.constant 3 : i32
        %add3A_198 = arith.addi %add3A_159, %add3A_197 : i32
        %jit3A_199 = arith.constant 4 : i32
        %eq3A_200 = arith.constant 0 : i32
        %eq3A_201 = arith.cmpi eq, %jit3A_199, %eq3A_200 : i32
        %jit3A_202 = arith.constant 1 : i32
        %select_n3A_203 = arith.select %eq3A_201, %jit3A_202, %jit3A_199 : i32
        %rem3A_204 = arith.remsi %add3A_198, %select_n3A_203 : i32
        %ne3A_205 = arith.constant 0 : i32
        %ne3A_206 = arith.cmpi ne, %rem3A_204, %ne3A_205 : i32
        %lt3A_207 = arith.constant 0 : i32
        %lt3A_208 = arith.cmpi slt, %rem3A_204, %lt3A_207 : i32
        %lt3A_209 = arith.constant 0 : i32
        %lt3A_210 = arith.cmpi slt, %select_n3A_203, %lt3A_209 : i32
        %ne3A_211 = arith.xori %lt3A_208, %lt3A_210 : i1
        %and3A_212 = arith.andi %ne3A_211, %ne3A_206 : i1
        %add3A_213 = arith.addi %rem3A_204, %select_n3A_203 : i32
        %select_n3A_214 = arith.select %and3A_212, %add3A_213, %rem3A_204 : i32
        %dma_start3A_215 = arith.constant 0 : i32
        %dma_start3A_216 = arith.constant 0 : i32
        %dma_start3A_217 = tpu.memref_slice %arg8[%select_n3A_214, %dma_start3A_215, %dma_start3A_216] : memref<4x128x16xf32, #tpu.memory_space<vmem>> -> memref<1x128x16xf32, #tpu.memory_space<vmem>>
        %dma_start3A_218 = tpu.memref_squeeze %dma_start3A_217 : memref<1x128x16xf32, #tpu.memory_space<vmem>> -> memref<128x16xf32, #tpu.memory_space<vmem>>
        %dma_start3A_219 = arith.constant 0 : i32
        %dma_start3A_220 = tpu.memref_slice %arg6[%add3A_196, %dma_start3A_219] : memref<40x128xi32, #tpu.memory_space<vmem>> -> memref<1x128xi32, #tpu.memory_space<vmem>>
        %dma_start3A_221 = tpu.memref_squeeze %dma_start3A_220 : memref<1x128xi32, #tpu.memory_space<vmem>> -> memref<128xi32, #tpu.memory_space<vmem>>
        %dma_start3A_222 = arith.constant 0 : i32
        %dma_start3A_223 = arith.constant 0 : i32
        %dma_start3A_224 = tpu.memref_slice %arg2[%dma_start3A_222, %dma_start3A_223] : memref<10000x16xf32, #tpu.memory_space<hbm>> -> memref<10000x16xf32, #tpu.memory_space<hbm>>
        %dma_start3A_225 = tpu.memref_slice %arg11[%select_n3A_214] : memref<4x!tpu.dma_semaphore, #tpu.memory_space<semaphore_mem>> -> memref<1x!tpu.dma_semaphore, #tpu.memory_space<semaphore_mem>>
        %dma_start3A_226 = tpu.memref_squeeze %dma_start3A_225 : memref<1x!tpu.dma_semaphore, #tpu.memory_space<semaphore_mem>> -> memref<!tpu.dma_semaphore, #tpu.memory_space<semaphore_mem>>
        tpu.enqueue_indirect_dma source(%dma_start3A_224 : memref<10000x16xf32, #tpu.memory_space<hbm>>) target(%dma_start3A_218 : memref<128x16xf32, #tpu.memory_space<vmem>>) offsets(%dma_start3A_221 : memref<128xi32, #tpu.memory_space<vmem>>) semaphore(%dma_start3A_226 : memref<!tpu.dma_semaphore, #tpu.memory_space<semaphore_mem>>)
      } else {
      }
    }
    %scan3A_117 = arith.constant 20 : i32
    %barrier3A_118 = arith.constant 0 : index
    tpu.barrier barrier_id(%barrier3A_118)
    "tpu.region"() ({
      %run_scoped3A = tpu.sem_alloc : memref<!tpu.dma_semaphore, #tpu.memory_space<semaphore_mem>>
      %dma_start3A_119 = arith.constant 0 : i32
      %dma_start3A_120 = tpu.memref_slice %arg10[%mul3A_2, %dma_start3A_119] : memref<10240x16xf32, #tpu.memory_space<vmem_shared>> -> memref<640x16xf32, #tpu.memory_space<vmem_shared>>
      %dma_start3A_121 = arith.constant 0 : i32
      %dma_start3A_122 = tpu.memref_slice %arg10[%mul3A_2, %dma_start3A_121] : memref<10240x16xf32, #tpu.memory_space<vmem_shared>> -> memref<640x16xf32, #tpu.memory_space<vmem_shared>>
      tpu.enqueue_dma source(%dma_start3A_122 : memref<640x16xf32, #tpu.memory_space<vmem_shared>>) target(%arg9 : memref<640x16xf32, #tpu.memory_space<vmem>>) target_semaphore(%run_scoped3A : memref<!tpu.dma_semaphore, #tpu.memory_space<semaphore_mem>>)
      %dma_wait3A_123 = arith.constant 0 : i32
      %dma_wait3A_124 = tpu.memref_slice %arg10[%mul3A_2, %dma_wait3A_123] : memref<10240x16xf32, #tpu.memory_space<vmem_shared>> -> memref<640x16xf32, #tpu.memory_space<vmem_shared>>
      %dma_wait3A_125 = arith.constant 0 : i32
      %dma_wait3A_126 = tpu.memref_slice %arg10[%mul3A_2, %dma_wait3A_125] : memref<10240x16xf32, #tpu.memory_space<vmem_shared>> -> memref<640x16xf32, #tpu.memory_space<vmem_shared>>
      tpu.wait_dma2 semaphore(%run_scoped3A : memref<!tpu.dma_semaphore, #tpu.memory_space<semaphore_mem>>) src(%dma_wait3A_126 : memref<640x16xf32, #tpu.memory_space<vmem_shared>>) dst(%arg9 : memref<640x16xf32, #tpu.memory_space<vmem>>)
      tpu.yield
    }) : () -> ()
    "tpu.region"() ({
      %run_scoped3A = tpu.sem_alloc : memref<!tpu.dma_semaphore, #tpu.memory_space<semaphore_mem>>
      %dma_start3A_119 = arith.constant 0 : i32
      %dma_start3A_120 = tpu.memref_slice %arg5[%arg0, %mul3A_2, %dma_start3A_119] : memref<2x10240x16xf32, #tpu.memory_space<hbm>> -> memref<1x640x16xf32, #tpu.memory_space<hbm>>
      %dma_start3A_121 = tpu.memref_squeeze %dma_start3A_120 : memref<1x640x16xf32, #tpu.memory_space<hbm>> -> memref<640x16xf32, #tpu.memory_space<hbm>>
      %dma_start3A_122 = arith.constant 0 : i32
      %dma_start3A_123 = tpu.memref_slice %arg5[%arg0, %mul3A_2, %dma_start3A_122] : memref<2x10240x16xf32, #tpu.memory_space<hbm>> -> memref<1x640x16xf32, #tpu.memory_space<hbm>>
      %dma_start3A_124 = tpu.memref_squeeze %dma_start3A_123 : memref<1x640x16xf32, #tpu.memory_space<hbm>> -> memref<640x16xf32, #tpu.memory_space<hbm>>
      tpu.enqueue_dma source(%arg9 : memref<640x16xf32, #tpu.memory_space<vmem>>) target(%dma_start3A_124 : memref<640x16xf32, #tpu.memory_space<hbm>>) target_semaphore(%run_scoped3A : memref<!tpu.dma_semaphore, #tpu.memory_space<semaphore_mem>>)
      %dma_wait3A_125 = arith.constant 0 : i32
      %dma_wait3A_126 = tpu.memref_slice %arg5[%arg0, %mul3A_2, %dma_wait3A_125] : memref<2x10240x16xf32, #tpu.memory_space<hbm>> -> memref<1x640x16xf32, #tpu.memory_space<hbm>>
      %dma_wait3A_127 = tpu.memref_squeeze %dma_wait3A_126 : memref<1x640x16xf32, #tpu.memory_space<hbm>> -> memref<640x16xf32, #tpu.memory_space<hbm>>
      %dma_wait3A_128 = arith.constant 0 : i32
      %dma_wait3A_129 = tpu.memref_slice %arg5[%arg0, %mul3A_2, %dma_wait3A_128] : memref<2x10240x16xf32, #tpu.memory_space<hbm>> -> memref<1x640x16xf32, #tpu.memory_space<hbm>>
      %dma_wait3A_130 = tpu.memref_squeeze %dma_wait3A_129 : memref<1x640x16xf32, #tpu.memory_space<hbm>> -> memref<640x16xf32, #tpu.memory_space<hbm>>
      tpu.wait_dma2 semaphore(%run_scoped3A : memref<!tpu.dma_semaphore, #tpu.memory_space<semaphore_mem>>) src(%arg9 : memref<640x16xf32, #tpu.memory_space<vmem>>) dst(%dma_wait3A_130 : memref<640x16xf32, #tpu.memory_space<hbm>>)
      tpu.yield
    }) : () -> ()
    return
  }
}

module attributes {stable_mosaic.version = 14 : i64} {
  func.func @body(%arg0: memref<300x10000xf32, #tpu.memory_space<vmem>>, %arg1: memref<16x300xf32, #tpu.memory_space<vmem>>, %arg2: memref<10000x16xf32, #tpu.memory_space<vmem>>) attributes {dimension_semantics = [], scalar_prefetch = 0 : i64, scratch_operands = 0 : i64, tpu.core_type = #tpu.core_type<tc>} {
    %get3A = arith.constant 0 : index
    %get3A_0 = arith.constant 0 : index
    %get3A_1 = vector.load %arg0[%get3A, %get3A_0] : memref<300x10000xf32, #tpu.memory_space<vmem>>, vector<300x10000xf32>
    %get3A_2 = arith.constant 0 : index
    %get3A_3 = arith.constant 0 : index
    %get3A_4 = vector.load %arg1[%get3A_2, %get3A_3] : memref<16x300xf32, #tpu.memory_space<vmem>>, vector<16x300xf32>
    %dot_general3A = arith.constant dense<0.000000e+00> : vector<10000x16xf32>
    %dot_general3A_5 = tpu.matmul %get3A_1, %get3A_4, %dot_general3A {dimension_numbers = #tpu.dot_dimension_numbers<[0], [1], [1], [0], [0, 1, 1, 0], [], []>, transpose_lhs_hint = false} : vector<300x10000xf32>, vector<16x300xf32>, vector<10000x16xf32> -> vector<10000x16xf32>
    %swap3A = arith.constant 0 : index
    %swap3A_6 = arith.constant 0 : index
    %swap3A_7 = vector.load %arg2[%swap3A, %swap3A_6] : memref<10000x16xf32, #tpu.memory_space<vmem>>, vector<10000x16xf32>
    tpu.vector_store %arg2[%swap3A, %swap3A_6], %dot_general3A_5 {strides = array<i32>} : memref<10000x16xf32, #tpu.memory_space<vmem>>, vector<10000x16xf32>,
    return
  }
}

module attributes {stable_mosaic.version = 14 : i64} {
  func.func @body(%arg0: memref<2x10240x16xf32, #tpu.memory_space<vmem>>, %arg1: memref<10000x16xf32, #tpu.memory_space<vmem>>, %arg2: memref<10000x16xf32, #tpu.memory_space<vmem>>, %arg3: memref<10000x16xf32, #tpu.memory_space<vmem>>) attributes {dimension_semantics = [], scalar_prefetch = 0 : i64, scratch_operands = 0 : i64, tpu.core_type = #tpu.core_type<tc>} {
    %get3A = arith.constant 0 : index
    %get3A_0 = arith.constant 0 : index
    %get3A_1 = arith.constant 0 : index
    %get3A_2 = vector.load %arg0[%get3A, %get3A_0, %get3A_1] : memref<2x10240x16xf32, #tpu.memory_space<vmem>>, vector<1x10240x16xf32>
    %get3A_3 = vector.shape_cast %get3A_2 : vector<1x10240x16xf32> to vector<10240x16xf32>
    %get3A_4 = arith.constant 1 : index
    %get3A_5 = arith.constant 0 : index
    %get3A_6 = arith.constant 0 : index
    %get3A_7 = vector.load %arg0[%get3A_4, %get3A_5, %get3A_6] : memref<2x10240x16xf32, #tpu.memory_space<vmem>>, vector<1x10240x16xf32>
    %get3A_8 = vector.shape_cast %get3A_7 : vector<1x10240x16xf32> to vector<10240x16xf32>
    %add3A = arith.addf %get3A_3, %get3A_8 : vector<10240x16xf32>
    %add3A_9 = arith.constant 1.000000e+00 : f32
    %add3A_10 = vector.broadcast %add3A_9 : f32 to vector<10240x16xf32>
    %add3A_11 = arith.addf %add3A, %add3A_10 : vector<10240x16xf32>
    %max3A = arith.constant 1.000000e+00 : f32
    %max3A_12 = vector.broadcast %max3A : f32 to vector<10240x16xf32>
    %max3A_13 = arith.maximumf %add3A_11, %max3A_12 : vector<10240x16xf32>
    %rsqrt3A = math.rsqrt %max3A_13 : vector<10240x16xf32>
    %slice3A = vector.extract_strided_slice %rsqrt3A {offsets = [0, 0], sizes = [10000, 16], strides = [1, 1]} : vector<10240x16xf32> to vector<10000x16xf32>
    %get3A_14 = arith.constant 0 : index
    %get3A_15 = arith.constant 0 : index
    %get3A_16 = vector.load %arg1[%get3A_14, %get3A_15] : memref<10000x16xf32, #tpu.memory_space<vmem>>, vector<10000x16xf32>
    %mul3A = arith.mulf %slice3A, %get3A_16 : vector<10000x16xf32>
    %swap3A = arith.constant 0 : index
    %swap3A_17 = arith.constant 0 : index
    %swap3A_18 = vector.load %arg2[%swap3A, %swap3A_17] : memref<10000x16xf32, #tpu.memory_space<vmem>>, vector<10000x16xf32>
    tpu.vector_store %arg2[%swap3A, %swap3A_17], %mul3A {strides = array<i32>} : memref<10000x16xf32, #tpu.memory_space<vmem>>, vector<10000x16xf32>,
    %swap3A_19 = arith.constant 0 : index
    %swap3A_20 = arith.constant 0 : index
    %swap3A_21 = vector.load %arg3[%swap3A_19, %swap3A_20] : memref<10000x16xf32, #tpu.memory_space<vmem>>, vector<10000x16xf32>
    tpu.vector_store %arg3[%swap3A_19, %swap3A_20], %slice3A {strides = array<i32>} : memref<10000x16xf32, #tpu.memory_space<vmem>>, vector<10000x16xf32>,
    return
  }
}

module attributes {stable_mosaic.version = 14 : i64} {
  func.func @body(%arg0: i32, %arg1: memref<1000x16xf32, #tpu.memory_space<vmem>>, %arg2: memref<2x1000x16xf32, #tpu.memory_space<vmem>>, %arg3: memref<1x16xf32, #tpu.memory_space<vmem>>, %arg4: memref<16x64xf32, #tpu.memory_space<vmem>>, %arg5: memref<1000x64xf32, #tpu.memory_space<vmem>>) attributes {dimension_semantics = [#tpu.dimension_semantics<arbitrary>], iteration_bounds = array<i64: 10>, scalar_prefetch = 0 : i64, scratch_operands = 0 : i64, tpu.core_type = #tpu.core_type<tc>, window_params = [{transform_indices = @transform_0, window_bounds = array<i64: 1000, 16>}, {transform_indices = @transform_1, window_bounds = array<i64: 2, 1000, 16>}, {pipeline_mode = #tpu.pipeline_mode<synchronous>, transform_indices = @transform_2, window_bounds = array<i64: 1, 16>}, {pipeline_mode = #tpu.pipeline_mode<synchronous>, transform_indices = @transform_3, window_bounds = array<i64: 16, 64>}, {transform_indices = @transform_4, window_bounds = array<i64: 1000, 64>}]} {
    %get3A = arith.constant 0 : index
    %get3A_0 = arith.constant 0 : index
    %get3A_1 = vector.load %arg1[%get3A, %get3A_0] : memref<1000x16xf32, #tpu.memory_space<vmem>>, vector<1000x16xf32>
    %get3A_2 = arith.constant 0 : index
    %get3A_3 = arith.constant 0 : index
    %get3A_4 = arith.constant 0 : index
    %get3A_5 = vector.load %arg2[%get3A_2, %get3A_3, %get3A_4] : memref<2x1000x16xf32, #tpu.memory_space<vmem>>, vector<1x1000x16xf32>
    %get3A_6 = vector.shape_cast %get3A_5 : vector<1x1000x16xf32> to vector<1000x16xf32>
    %get3A_7 = arith.constant 1 : index
    %get3A_8 = arith.constant 0 : index
    %get3A_9 = arith.constant 0 : index
    %get3A_10 = vector.load %arg2[%get3A_7, %get3A_8, %get3A_9] : memref<2x1000x16xf32, #tpu.memory_space<vmem>>, vector<1x1000x16xf32>
    %get3A_11 = vector.shape_cast %get3A_10 : vector<1x1000x16xf32> to vector<1000x16xf32>
    %add3A = arith.addf %get3A_6, %get3A_11 : vector<1000x16xf32>
    %mul3A = arith.mulf %get3A_1, %add3A : vector<1000x16xf32>
    %get3A_12 = arith.constant 0 : index
    %get3A_13 = arith.constant 0 : index
    %get3A_14 = vector.load %arg3[%get3A_12, %get3A_13] : memref<1x16xf32, #tpu.memory_space<vmem>>, vector<1x16xf32>
    %add3A_15 = vector.broadcast %get3A_14 : vector<1x16xf32> to vector<1000x16xf32>
    %add3A_16 = arith.addf %mul3A, %add3A_15 : vector<1000x16xf32>
    %max3A = arith.constant 0.000000e+00 : f32
    %max3A_17 = vector.broadcast %max3A : f32 to vector<1000x16xf32>
    %max3A_18 = arith.maximumf %add3A_16, %max3A_17 : vector<1000x16xf32>
    %get3A_19 = arith.constant 0 : index
    %get3A_20 = arith.constant 0 : index
    %get3A_21 = vector.load %arg4[%get3A_19, %get3A_20] : memref<16x64xf32, #tpu.memory_space<vmem>>, vector<16x64xf32>
    %dot_general3A = arith.constant dense<0.000000e+00> : vector<1000x64xf32>
    %dot_general3A_22 = tpu.matmul %max3A_18, %get3A_21, %dot_general3A {dimension_numbers = #tpu.dot_dimension_numbers<[1], [0], [0], [1], [0, 0, 1, 1], [], []>, transpose_lhs_hint = false} : vector<1000x16xf32>, vector<16x64xf32>, vector<1000x64xf32> -> vector<1000x64xf32>
    %slice3A = vector.extract_strided_slice %get3A_1 {offsets = [0, 0], sizes = [1000, 1], strides = [1, 1]} : vector<1000x16xf32> to vector<1000x1xf32>
    %mul3A_23 = vector.broadcast %slice3A : vector<1000x1xf32> to vector<1000x64xf32>
    %mul3A_24 = arith.mulf %mul3A_23, %dot_general3A_22 : vector<1000x64xf32>
    %swap3A = arith.constant 0 : index
    %swap3A_25 = arith.constant 0 : index
    %swap3A_26 = vector.load %arg5[%swap3A, %swap3A_25] : memref<1000x64xf32, #tpu.memory_space<vmem>>, vector<1000x64xf32>
    tpu.vector_store %arg5[%swap3A, %swap3A_25], %mul3A_24 {strides = array<i32>} : memref<1000x64xf32, #tpu.memory_space<vmem>>, vector<1000x64xf32>,
    return
  }
  func.func @transform_0(%arg0: i32) -> (i32, i32) {
    %c0_i32 = arith.constant 0 : i32
    %c0_i32_0 = arith.constant 0 : i32
    return %arg0, %c0_i32 : i32, i32
  }
  func.func @transform_1(%arg0: i32) -> (i32, i32, i32) {
    %c0_i32 = arith.constant 0 : i32
    %c0_i32_0 = arith.constant 0 : i32
    %c0_i32_1 = arith.constant 0 : i32
    return %c0_i32, %arg0, %c0_i32_0 : i32, i32, i32
  }
  func.func @transform_2(%arg0: i32) -> (i32, i32) {
    %c0_i32 = arith.constant 0 : i32
    %c0_i32_0 = arith.constant 0 : i32
    %c0_i32_1 = arith.constant 0 : i32
    return %c0_i32, %c0_i32_0 : i32, i32
  }
  func.func @transform_3(%arg0: i32) -> (i32, i32) {
    %c0_i32 = arith.constant 0 : i32
    %c0_i32_0 = arith.constant 0 : i32
    %c0_i32_1 = arith.constant 0 : i32
    return %c0_i32, %c0_i32_0 : i32, i32
  }
  func.func @transform_4(%arg0: i32) -> (i32, i32) {
    %c0_i32 = arith.constant 0 : i32
    %c0_i32_0 = arith.constant 0 : i32
    return %arg0, %c0_i32 : i32, i32
  }
}

module attributes {stable_mosaic.version = 14 : i64} {
  func.func @body(%arg0: memref<10000x16xf32, #tpu.memory_space<vmem>>, %arg1: memref<2x10240x64xf32, #tpu.memory_space<vmem>>, %arg2: memref<1x64xf32, #tpu.memory_space<vmem>>, %arg3: memref<64x10000xf32, #tpu.memory_space<vmem>>) attributes {dimension_semantics = [], scalar_prefetch = 0 : i64, scratch_operands = 0 : i64, tpu.core_type = #tpu.core_type<tc>} {
    %get3A = arith.constant 0 : index
    %get3A_0 = arith.constant 0 : index
    %get3A_1 = vector.load %arg0[%get3A, %get3A_0] : memref<10000x16xf32, #tpu.memory_space<vmem>>, vector<10000x16xf32>
    %get3A_2 = arith.constant 0 : index
    %get3A_3 = arith.constant 0 : index
    %get3A_4 = arith.constant 0 : index
    %get3A_5 = vector.load %arg1[%get3A_2, %get3A_3, %get3A_4] : memref<2x10240x64xf32, #tpu.memory_space<vmem>>, vector<1x10240x64xf32>
    %get3A_6 = vector.shape_cast %get3A_5 : vector<1x10240x64xf32> to vector<10240x64xf32>
    %slice3A = vector.extract_strided_slice %get3A_6 {offsets = [0, 0], sizes = [10000, 64], strides = [1, 1]} : vector<10240x64xf32> to vector<10000x64xf32>
    %get3A_7 = arith.constant 1 : index
    %get3A_8 = arith.constant 0 : index
    %get3A_9 = arith.constant 0 : index
    %get3A_10 = vector.load %arg1[%get3A_7, %get3A_8, %get3A_9] : memref<2x10240x64xf32, #tpu.memory_space<vmem>>, vector<1x10240x64xf32>
    %get3A_11 = vector.shape_cast %get3A_10 : vector<1x10240x64xf32> to vector<10240x64xf32>
    %slice3A_12 = vector.extract_strided_slice %get3A_11 {offsets = [0, 0], sizes = [10000, 64], strides = [1, 1]} : vector<10240x64xf32> to vector<10000x64xf32>
    %add3A = arith.addf %slice3A, %slice3A_12 : vector<10000x64xf32>
    %slice3A_13 = vector.extract_strided_slice %get3A_1 {offsets = [0, 0], sizes = [10000, 1], strides = [1, 1]} : vector<10000x16xf32> to vector<10000x1xf32>
    %mul3A = vector.broadcast %slice3A_13 : vector<10000x1xf32> to vector<10000x64xf32>
    %mul3A_14 = arith.mulf %mul3A, %add3A : vector<10000x64xf32>
    %get3A_15 = arith.constant 0 : index
    %get3A_16 = arith.constant 0 : index
    %get3A_17 = vector.load %arg2[%get3A_15, %get3A_16] : memref<1x64xf32, #tpu.memory_space<vmem>>, vector<1x64xf32>
    %add3A_18 = vector.broadcast %get3A_17 : vector<1x64xf32> to vector<10000x64xf32>
    %add3A_19 = arith.addf %mul3A_14, %add3A_18 : vector<10000x64xf32>
    %transpose3A = tpu.transpose %add3A_19, [1, 0] : vector<10000x64xf32> -> vector<64x10000xf32>
    %swap3A = arith.constant 0 : index
    %swap3A_20 = arith.constant 0 : index
    %swap3A_21 = vector.load %arg3[%swap3A, %swap3A_20] : memref<64x10000xf32, #tpu.memory_space<vmem>>, vector<64x10000xf32>
    tpu.vector_store %arg3[%swap3A, %swap3A_20], %transpose3A {strides = array<i32>} : memref<64x10000xf32, #tpu.memory_space<vmem>>, vector<64x10000xf32>,
    return
  }
}

</mosaic_0001>

<sc_bundles>
// kernel: kernel.12.cloned.1.call-start
scs
__scs_entry_jumppad:
0x0: {  	(pc) =	sbr.rel $0x88, $3  }
0x1: {  	(tag) =	ssettag $0x0;
	lr =	simm.s32 $0x1  }
0x2: {  	[smem:$0x3F9B] =	sst lr;
	_ =	strace $0xD0000000  }
0x3: {  	_ = 	snop  }
0x4: {  	_ = 	snop  }
0x5: {  	_ = 	snop  }
0x6: {  	_ = 	snop  }
0x7: {  	_ = 	snop  }
__scs_overlays_trampoline_lowered:
0x8: {  	[smem:$0x3FAA] =	sst s0  }
0x9: {  	[smem:$0x3FAB] =	sst s1  }
0xa: {  	[smem:$0x3FAC] =	sst s2  }
0xb: {  	[smem:$0x3FAD] =	sst s3  }
0xc: {  	[smem:$0x3FAE] =	sst s4  }
0xd: {  	[smem:$0x3FAF] =	sst s5  }
0xe: {  	[smem:$0x3FB0] =	sst s6  }
0xf: {  	[smem:$0x3FB1] =	sst s7  }
0x10: {  	[smem:$0x3FB2] =	sst s8  }
0x11: {  	[smem:$0x3FB3] =	sst s9;
	s0 =	simm.s32 @!p0 $0x0  }
0x12: {  	s1 =	sld [smem:$0x3F99];
	s0 =	simm.s32 @p0 $0x1  }
0x13: {  	[smem:$0x3FB4] =	sst s0;
	s0 =	simm.s32 @!p1 $0x0  }
0x14: {  	s2 =	sld [smem:$0x3F98];
	s0 =	simm.s32 @p1 $0x1  }
0x15: {  	[smem:$0x3FB5] =	sst s0;
	s0 =	simm.s32 @!p2 $0x0  }
0x16: {  	s3 =	sld [smem:$0x3FDB];
	s0 =	simm.s32 @p2 $0x1  }
0x17: {  	s4 =	simm.s32 $0x1BF5;
	[smem:$0x3FB7] =	sst s0  }
0x18: {  	s0 =	sld [smem:$0x3F9A];
	_ =	swait.ge [sflag:s4], $0x0  }
0x19: {  	s7 =	sld [smem:$0x3F9B]  }
0x1a: {  	s8 =	sadd.s32 $0xFFFFE003, lr  }
0x1b: {  	s9 =	sadd.s32 $0xFFFFFEF7, lr;
	s5 =	simm.s32 $0xFFFFFFFF;
	p2 =	slt.u32 s8, $0xFFFFF086  }
0x1c: {  	p1 =	slt.u32 s9, $0xF7A;
	s5 =	simm.s32 @!p2 $0x0  }
0x1d: {  	s5 =	simm.s32 @p1 $0x1;
	p0 =	seq.s32 s7, s2  }
0x1e: {  	s7 =	smul.u32 @!p0 $0xF7A, s2;
	p2 =	seq.s32 @!p0 s5, $0x0  }
0x1f: {  	s9 =	smul.u32 $0xF7A, s1;
	s8 =	simm.s32 @!p0 $0x1BF5;
	p2 =	por !p2, p0  }
0x20: {  	[sflag:s8] =	ssyncset.s32 @!p0 $0xFFFFF086;
	s6 =	sadd.s32 @!p0 s3, s7;
	s7 =	simm.s32 @!p0 $0x108  }
0x21: {  	s3 =	sadd.s32 s3, s9;
	s6 =	sadd.s32 @!p0 $0x88, s6;
	s7 =	simm.s32 @p2 $0x1082  }
0x22: {  	[simem:s7], [sflag:s8] =	dma.local @!p0 [hbm:s6], $0xF7A  }
0x23: {  	s9 =	sor.u32 $0xD0000000, s2;
	s6 =	simm.s32 $0x108;
	_ =	swait.ge @!p0 [sflag:s8], $0x0  }
0x24: {  	s3 =	sadd.s32 $0x88, s3;
	s6 =	simm.s32 @!p1 $0x1082;
	[sflag:s4] =	ssyncset.s32 $0xFFFFF086  }
0x25: {  	[simem:s6], [sflag:s4] =	dma.local [hbm:s3], $0xF7A  }
0x26: {  	[smem:$0x3F9B] =	sst s1;
	(tag) =	ssettag s2;
	_ =	strace s9  }
0x27: {  	s1 =	sld [smem:$0x3FAB]  }
0x28: {  	s2 =	sld [smem:$0x3FAC]  }
0x29: {  	s4 =	sld [smem:$0x3FAE]  }
0x2a: {  	p0 =	seq.s32 s5, $0x0;
	s5 =	sld [smem:$0x3FAF]  }
0x2b: {  	s6 =	sld [smem:$0x3FB0]  }
0x2c: {  	s7 =	sld [smem:$0x3FB1]  }
0x2d: {  	s3 =	simm.s32 $0x108;
	s8 =	sld [smem:$0x3FB2]  }
0x2e: {  	s3 =	simm.s32 @!p0 $0x1082;
	s9 =	sld [smem:$0x3FB3]  }
0x2f: {  	lr =	sadd.s32 s0, s3;
	s0 =	sld [smem:$0x3FAA]  }
0x30: {  	s3 =	sld [smem:$0x3FAD]  }
0x31: {  	[smem:$0x3FB6] =	sst s10  }
0x32: {  	s10 =	sld [smem:$0x3FB4];
	_ =	sdelay $0x3  }
0x33: {  	p0 =	seq.s32 s10, $0x1;
	s10 =	sld [smem:$0x3FB6];
	_ =	sdelay $0x3  }
0x34: {  	[smem:$0x3FB6] =	sst s10  }
0x35: {  	s10 =	sld [smem:$0x3FB5];
	_ =	sdelay $0x3  }
0x36: {  	p1 =	seq.s32 s10, $0x1;
	s10 =	sld [smem:$0x3FB6];
	_ =	sdelay $0x3  }
0x37: {  	[smem:$0x3FB6] =	sst s10  }
0x38: {  	s10 =	sld [smem:$0x3FB7]  }
0x39: {  	_ = 	snop;
	(pc) =	sbr.ind lr, $3  }
0x3a: {  	_ = 	snop  }
0x3b: {  	_ = 	snop  }
0x3c: {  	p2 =	seq.s32 s10, $0x1;
	s10 =	sld [smem:$0x3FB6]  }
0x3d: {  	_ =	shalt  }
0x3e: {  	_ =	shalt  }
0x3f: {  	_ =	shalt  }
0x40: {  	_ =	shalt  }
0x41: {  	_ =	shalt  }
0x42: {  	_ =	shalt  }
0x43: {  	_ =	shalt  }
0x44: {  	_ =	shalt  }
0x45: {  	_ =	shalt  }
0x46: {  	_ =	shalt  }
0x47: {  	_ =	shalt  }
0x48: {  	_ =	shalt  }
0x49: {  	_ =	shalt  }
0x4a: {  	_ =	shalt  }
0x4b: {  	_ =	shalt  }
0x4c: {  	_ =	shalt  }
0x4d: {  	_ =	shalt  }
0x4e: {  	_ =	shalt  }
0x4f: {  	_ =	shalt  }
0x50: {  	_ =	shalt  }
0x51: {  	_ =	shalt  }
0x52: {  	_ =	shalt  }
0x53: {  	_ =	shalt  }
0x54: {  	_ =	shalt  }
0x55: {  	_ =	shalt  }
0x56: {  	_ =	shalt  }
0x57: {  	_ =	shalt  }
0x58: {  	_ =	shalt  }
0x59: {  	_ =	shalt  }
0x5a: {  	_ =	shalt  }
0x5b: {  	_ =	shalt  }
0x5c: {  	_ =	shalt  }
0x5d: {  	_ =	shalt  }
0x5e: {  	_ =	shalt  }
0x5f: {  	_ =	shalt  }
0x60: {  	_ =	shalt  }
0x61: {  	_ =	shalt  }
0x62: {  	_ =	shalt  }
0x63: {  	_ =	shalt  }
0x64: {  	_ =	shalt  }
0x65: {  	_ =	shalt  }
0x66: {  	_ =	shalt  }
0x67: {  	_ =	shalt  }
0x68: {  	_ =	shalt  }
0x69: {  	_ =	shalt  }
0x6a: {  	_ =	shalt  }
0x6b: {  	_ =	shalt  }
0x6c: {  	_ =	shalt  }
0x6d: {  	_ =	shalt  }
0x6e: {  	_ =	shalt  }
0x6f: {  	_ =	shalt  }
0x70: {  	_ =	shalt  }
0x71: {  	_ =	shalt  }
0x72: {  	_ =	shalt  }
0x73: {  	_ =	shalt  }
0x74: {  	_ =	shalt  }
0x75: {  	_ =	shalt  }
0x76: {  	_ =	shalt  }
0x77: {  	_ =	shalt  }
0x78: {  	_ =	shalt  }
0x79: {  	_ =	shalt  }
0x7a: {  	_ =	shalt  }
0x7b: {  	_ =	shalt  }
0x7c: {  	_ =	shalt  }
0x7d: {  	_ =	shalt  }
0x7e: {  	_ =	shalt  }
0x7f: {  	_ =	shalt  }
0x80: {  	_ =	shalt  }
0x81: {  	_ =	shalt  }
0x82: {  	_ =	shalt  }
0x83: {  	_ =	shalt  }
0x84: {  	_ =	shalt  }
0x85: {  	_ =	shalt  }
0x86: {  	_ =	shalt  }
0x87: {  	_ =	shalt  }
.Lfunc_end0:
.L_simem_size_0:
called_computation.1_lowered:
.L_overlay_start_0:
0x88: {  	s2 =	sld [smem:$0x3FD9]  }
0x89: {  	s3 =	sld [smem:$0x3FFE];
	_ =	sdelay $0x1  }
0x8a: {  	s1 =	srdreg.scid  }
0x8b: {  	s0 =	sand.u32 $0x1, s1  }
0x8c: {  	s17 =	sshll.u32 s0, $0xA;
	s2 =	sadd.s32 s3, s2  }
0x8d: {  	s2 =	sadd.s32 s2, s17  }
0x8e: {  	[smem:$0x3FC2] =	sst s2  }
0x8f: {  	_ = 	snop  }
0x90: {  	s2 =	sld [smem:$0x3FD0];
	(tm) =	ssettm $0x1  }
0x91: {  	s18 =	sld [smem:$0x3FFB];
	_ =	sdelay $0x3  }
0x92: {  	_ =	strace s18  }
0x93: {  	s3 =	sld [smem:$0x3FFC];
	_ =	sdelay $0x3  }
0x94: {  	_ =	strace s3  }
0x95: {  	s3 =	sld [smem:$0x3FFD];
	_ =	sdelay $0x3  }
0x96: {  	_ =	strace s3  }
0x97: {  	_ =	strace $0x8FFFFFFF  }
0x98: {  	s19 =	sld [smem:$0x3FDB];
	_ =	sdelay $0x1  }
0x99: {  	s4 =	simm.s32 $_scs_section_size  }
0x9a: {  	s5 =	simm.s32 $_size__tile_overlayer_lowered;
	s6 =	simm.s32 $_tile_overlayer_lowered  }
0x9b: {  	s22 =	simm.s32 $0x1BFF;
	s21 =	sshll.u32 s6, $0x1;
	s3 =	sadd.s32 s4, s19  }
0x9c: {  	s7 =	simm.s32 $0x0;
	s20 =	sshll.u32 s5, $0x1;
	s5 =	sadd.s32 s21, s3  }
0x9d: {  	[timem:s7], [sflag:s22] =	dma.local [hbm:s5], s20  }
0x9e: {  	_ =	swait.ge [sflag:s22], s20  }
0x9f: {  	s4 =	ssub.s32 $0x0, s20;
	[sflag:s22] =	ssyncset.done $0x0  }
0xa0: {  	[sflag:s22] =	ssyncadd.s32 s4;
	_ =	sdelay $0x1  }
0xa1: {  	s23 =	simm.s32 $0x1B8B  }
0xa2: {  	_ =	swait.ge [sflag:s23], $0x1  }
0xa3: {  	[sflag:s23] =	ssyncset.done $0x0  }
0xa4: {  	s25 =	simm.s32 $0x1B8E;
	s24 =	sld [smem:$0x3FFE];
	[sflag:s23] =	ssyncadd.s32 $0xFFFFFFFF  }
0xa5: {  	s26 =	simm.s32 $execute0_lowered;
	[smem:$0x3FD2] =	sst s25  }
0xa6: {  	s5 =	sshll.u32 s26, $0x1;
	_ =	strace $0x80000049;
	[dreg:$0x1] =	wrdreg $0xFFFFFFFF  }
0xa7: {  	s28 =	simm.s32 $_size_execute0_lowered;
	s3 =	sadd.s32 s3, s5;
	[dreg:$0x0] =	wrdreg $0x0  }
0xa8: {  	s5 =	sshll.u32 s28, $0x1;
	[dreg:$0x2] =	wrdreg s3  }
0xa9: {  	[dreg:$0x3] =	wrdreg s5  }
0xaa: {  	[dreg:$0x4] =	wrdreg $0xC0  }
0xab: {  	_ =	task [dreg:s7], $0x5FFFF  }
0xac: {  	[dreg:$0x1] =	wrdreg $0xFFFFFFFF  }
0xad: {  	[dreg:$0x0] =	wrdreg $0x60  }
0xae: {  	[dreg:$0x2] =	wrdreg s24  }
0xaf: {  	[dreg:$0x3] =	wrdreg s2  }
0xb0: {  	[dreg:$0x4] =	wrdreg $0x70000  }
0xb1: {  	[dreg:$0x5] =	wrdreg $0x9  }
0xb2: {  	_ =	task.clear_ibuf [dreg:s7], $0x6FFFF;
	_ =	strace $0x90000049  }
0xb3: {  	s29 =	simm.s32 $0x9;
	_ =	strace $0x8000004B  }
0xb4: {  	_ =	swait.ge [sflag:s29], $0x1  }
0xb5: {  	[sflag:s29] =	ssyncadd.s32 $0xFFFFFFFF  }
0xb6: {  	_ =	strace $0x9000004B  }
0xb7: {  	_ =	sfence  }
0xb8: {  	s30 =	sld [smem:$0x0];
	_ =	sdelay $0x2  }
0xb9: {  	s31 =	sshll.u32 s1, $0xD;
	s1 =	sshrl.u32 s1, $0x2  }
0xba: {  	s3 =	sand.u32 $0x4000, s31;
	s1 =	sadd.s32 s1, s30  }
0xbb: {  	s0 =	sor.u32 s3, s0;
	s1 =	sshll.u32 s1, $0x11  }
0xbc: {  	s0 =	sor.u32 s1, s0  }
0xbd: {  	s0 =	sadd.s32 $0x8F2B, s0  }
0xbe: {  	[sflag:s0] =	ssyncadd.remote.s32 $0x1  }
0xbf: {  	_ =	sfence.sel $0xFFFF  }
0xc0: {  	[dreg:$0x0] =	wrdreg $0xFFFFFFFF;
	(pc) =	sbr.abs _section_cstart, $3  }
0xc1: {  	[dreg:$0x1] =	wrdreg $0xFFFFFFFF  }
0xc2: {  	_ =	task.clear_ibuf [dreg:s7], $0x2FFFF;
	_ =	strace $0x9FFFFFFF  }
0xc3: {  	(tm) =	ssettm $0x7FFFFFFF  }
tec
execute0_lowered:
.L_overlay_start_1:
0x0: {  	(tag) =	ssettag $0x1  }
0x1: {  	s0 =	rddreg [dreg:$0x0]  }
0x2: {  	s1 =	rddreg [dreg:$0x1]  }
0x3: {  	s3 =	srdreg.scid;
	s11 =	stileid.u32  }
0x4: {  	s2 =	rddreg [dreg:$0x2];
	s29 =	simm.s32 $0x4800;
	s30 =	simm.s32 $0x0  }
0x5: {  	s8 =	sand.u32 $0x1, s3;
	s4 =	sshll.u32 s11, $0x1;
	s3 =	simm.s32 $0x0  }
0x6: {  	p1 =	sne.s32 s11, $0xF;
	p2 =	seq.s32 s11, $0xF;
	s10 =	smul.u32 $0xA000, s11  }
0x7: {  	s11 =	smul.u32 $0x2800, s11;
	s19 =	sadd.s32 $0x10100, s0;
	s13 =	sadd.s32 $0x26000, s2  }
0x8: {  	s20 =	sadd.s32 $0x10200, s0;
	s21 =	sadd.s32 $0x10300, s0;
	s4 =	sor.u32 s8, s4  }
0x9: {  	[smem:$0x7FF] =	sst s3;
	s6 =	ssub.s32 $0x2, s8;
	s15 =	smul.u32 $0x28000, s8  }
0xa: {  	p0 =	seq.s32 s8, $0x0;
	s5 =	smul.u32 $0x280, s4;
	_ =	strace $0x8000004A  }
0xb: {  	s4 =	sadd.s32 $0xB600, s0;
	s16 =	sshrl.u32 s6, $0x1;
	[dreg:$0x6] =	wrdreg s19  }
0xc: {  	p1 =	por !p0, !p1;
	p2 =	por !p0, !p2;
	[dreg:$0x7] =	wrdreg s20  }
0xd: {  	s18 =	sshrl.u32 s10, $0x2;
	s10 =	sadd.s32 $0x25800, s2;
	[dreg:$0x8] =	wrdreg s21  }
0xe: {  	s12 =	sadd.s32 s11, s2;
	s22 =	sshrl.u32 s11, $0x3;
	s14 =	sadd.s32 $0x800, s11  }
0xf: {  	s25 =	sadd.s32 $0x1000, s11;
	s28 =	sadd.s32 $0x1800, s11;
	s9 =	ssub.s32 s6, s16  }
0x10: {  	p0 =	por !p1, !p1;
	p1 =	por !p2, !p2;
	s23 =	sadd.s32 s14, s2  }
0x11: {  	s14 =	sshrl.u32 s14, $0x3;
	s15 =	sadd.s32 s11, s15;
	s31 =	sadd.s32 s28, s2  }
0x12: {  	s11 =	sadd.s32 $0x2000, s11;
	s7 =	sadd.s32 s5, s0;
	s0 =	sadd.s32 $0x10400, s0  }
0x13: {  	s5 =	sadd.s32 s18, s2;
	s24 =	sadd.s32 s4, s14;
	[dreg:$0x9] =	wrdreg s0  }
0x14: {  	s14 =	sshrl.u32 s25, $0x3;
	s21 =	sshrl.u32 s31, $0x3;
	[dreg:$0xb] =	wrdreg s24  }
0x15: {  	s15 =	sshrl.u32 s15, $0x3;
	p2 =	seq.s32 @!p1 s8, $0x0;
	[dreg:$0x11] =	wrdreg s21  }
0x16: {  	s18 =	sshrl.u32 s11, $0x3;
	s31 =	sadd.s32 $0x27800, s2;
	[dreg:$0x5] =	wrdreg s5  }
0x17: {  	s11 =	sadd.s32 s11, s2;
	s17 =	sadd.s32 $0x1600, s7;
	[dreg:$0x1c] =	wrdreg s31  }
0x18: {  	s6 =	sadd.s32 $0x6600, s7;
	s0 =	sadd.s32 s4, s22;
	[dreg:$0x4] =	wrdreg s17  }
0x19: {  	s26 =	sadd.s32 s4, s14;
	s16 =	sadd.s32 s1, s15;
	[dreg:$0xa] =	wrdreg s0  }
0x1a: {  	s14 =	sshrl.u32 s28, $0x3;
	s19 =	sadd.s32 s4, s18;
	[dreg:$0xc] =	wrdreg s26  }
0x1b: {  	s22 =	sshrl.u32 s11, $0x3;
	p2 =	por p2, p1;
	[dreg:$0xe] =	wrdreg s19  }
0x1c: {  	s1 =	sadd.s32 $0x27000, s2;
	s24 =	sadd.s32 $0x1000, s5;
	[dreg:$0x12] =	wrdreg s22  }
0x1d: {  	s28 =	sadd.s32 $0x27100, s2;
	s11 =	simm.s32 $0x1;
	[dreg:$0x18] =	wrdreg s24  }
0x1e: {  	s17 =	sadd.s32 s25, s2;
	s15 =	sadd.s32 s4, s14;
	[dreg:$0x1b] =	wrdreg s28  }
0x1f: {  	s19 =	smax.u32 s9, $0x1;
	s0 =	sshrl.u32 s23, $0x3;
	[dreg:$0xd] =	wrdreg s15  }
0x20: {  	s23 =	sadd.s32 $0x800, s5;
	s25 =	sadd.s32 $0x1800, s5;
	[dreg:$0xf] =	wrdreg s0  }
0x21: {  	s26 =	sadd.s32 $0x2000, s5;
	s14 =	simm.s32 $0x80;
	[dreg:$0x17] =	wrdreg s23  }
0x22: {  	s20 =	sshrl.u32 s17, $0x3;
	s0 =	sshrl.u32 @p1 s10, $0x3;
	[dreg:$0x19] =	wrdreg s25  }
0x23: {  	[dreg:$0x1a] =	wrdreg s26;
	s10 =	simm.s32 $0x5;
	s15 =	simm.s32 $0x2800  }
0x24: {  	s17 =	simm.s32 $0x3000;
	[dreg:$0x13] =	wrdreg s0;
	s0 =	sshrl.u32 @p1 s13, $0x3  }
0x25: {  	s23 =	simm.s32 $0x4000;
	[dreg:$0x14] =	wrdreg s0;
	s0 =	sadd.s32 $0x26800, s2  }
0x26: {  	s25 =	simm.s32 $0x3;
	[dreg:$0x10] =	wrdreg s20;
	s0 =	sshrl.u32 @p1 s0, $0x3  }
0x27: {  	s26 =	simm.s32 $0x4;
	[dreg:$0x15] =	wrdreg s0;
	s0 =	sshrl.u32 @p1 s1, $0x3  }
0x28: {  	v0 =	vimm.f32 $0.0e+00;
	s13 =	simm.s32 $0x2;
	s20 =	simm.s32 $0x3800;
	[dreg:$0x16] =	wrdreg s0  }
.LBB2_1:
0x29: {  	s0 =	rddreg [dreg:$0x4];
	s1 =	simm.s32 $0x1400  }
0x2a: {  	[tilespmem:s1], [sflag:$0x1] =	stream.linear.gather [hbm4b:s0+s3], $0x1400, $0x38;
	[tilespmem:$0x9800] =	vst v63  }
0x2b: {  	s0 =	simm.s32 $0x40;
	s1 =	simm.s32 $0x0  }
0x2c: {  	[tilespmem:s3], [sflag:$0x2] =	stream.linear.gather [hbm4b:s6+s3], $0x1400, $0x38;
	[tilespmem:$0x9800] =	vst v63  }
.LBB2_2:
0x2d: {  	p3 =	sne.s32 s0, $0x1FC0;
	[tilespmem:s1+$0x2800] =	vst v0;
	s1 =	smov.u32 s0;
	s0 =	sadd.s32 $0x40, s0  }
.Ltmp0:
0x2e: {  	(pc) =	sbr.rel @p3 .LBB2_2-.Ltmp0, $2  }
0x2f: {  	_ =	sdelay $0x2  }
0x30: {  	s1 =	sshra.s32 s1, $0x2  }
.Ltmp1:
0x31: {  	(pc) =	sbr.rel @!p0 .LBB2_5-.Ltmp1, $2  }
0x32: {  	_ =	sdelay $0x2  }
0x33: {  	[tilespmem:s1+$0x2800] =	vst v0  }
0x34: {  	s0 =	stileid.u32  }
0x35: {  	s0 =	sshll.u32 s0, $0x6  }
0x36: {  	s1 =	sshrl.u32 s12, $0x3;
	s5 =	rddreg [dreg:$0xa];
	s0 =	sor.u32 $0x1C05, s0  }
0x37: {  	[spmem:s1], [sflag:s0] =	dma.local [hbm:s5], $0x100  }
0x38: {  	_ =	swait.ge [sflag:s10], $0x100  }
0x39: {  	[sflag:s10] =	ssyncset.done $0x0;
	s8 =	rddreg [dreg:$0xb]  }
0x3a: {  	s9 =	rddreg [dreg:$0xf];
	[sflag:s10] =	ssyncadd.s32 $0xFFFFFF00  }
0x3b: {  	[spmem:s9], [sflag:s0] =	dma.local [hbm:s8], $0x100  }
0x3c: {  	_ =	swait.ge [sflag:s10], $0x100  }
0x3d: {  	[sflag:s10] =	ssyncset.done $0x0;
	s18 =	rddreg [dreg:$0xc]  }
0x3e: {  	s21 =	rddreg [dreg:$0x10];
	[sflag:s10] =	ssyncadd.s32 $0xFFFFFF00  }
0x3f: {  	[spmem:s21], [sflag:s0] =	dma.local [hbm:s18], $0x100  }
0x40: {  	_ =	swait.ge [sflag:s10], $0x100  }
0x41: {  	[sflag:s10] =	ssyncset.done $0x0;
	s22 =	rddreg [dreg:$0xd]  }
0x42: {  	s24 =	rddreg [dreg:$0x11];
	[sflag:s10] =	ssyncadd.s32 $0xFFFFFF00  }
0x43: {  	[spmem:s24], [sflag:s0] =	dma.local [hbm:s22], $0x100  }
0x44: {  	_ =	swait.ge [sflag:s10], $0x100  }
0x45: {  	[sflag:s10] =	ssyncset.done $0x0;
	s28 =	rddreg [dreg:$0xe]  }
.Ltmp2:
0x46: {  	s31 =	rddreg [dreg:$0x12];
	[sflag:s10] =	ssyncadd.s32 $0xFFFFFF00;
	(pc) =	sbr.rel .LBB2_6-.Ltmp2, $4  }
0x47: {  	[spmem:s31], [sflag:s0] =	dma.local [hbm:s28], $0x100  }
0x48: {  	_ =	swait.ge [sflag:s10], $0x100  }
0x49: {  	[sflag:s10] =	ssyncset.done $0x0  }
0x4a: {  	[sflag:s10] =	ssyncadd.s32 $0xFFFFFF00  }
.LBB2_5:
0x4b: {  	s0 =	simm.s32 @!p2 $0x2800;
	s1 =	rddreg [dreg:$0x5]  }
0x4c: {  	[spmem:s1] =	stream.linear.scatter @!p2 [tilespmem:s0], [sflag:$0x5], $0x800, $0x38;
	[tilespmem:$0x9800] =	vst v63  }
0x4d: {  	s1 =	simm.s32 @!p2 $0x5  }
0x4e: {  	_ =	swait.ge @!p2 [sflag:s1], $0x800  }
0x4f: {  	[sflag:s1] =	ssyncset.done @!p2 $0x0  }
0x50: {  	s5 =	rddreg [dreg:$0x17];
	[sflag:s1] =	ssyncadd.s32 @!p2 $0xFFFFF800  }
0x51: {  	[spmem:s5] =	stream.linear.scatter @!p2 [tilespmem:s0], [sflag:$0x5], $0x800, $0x38;
	[tilespmem:$0x9800] =	vst v63  }
0x52: {  	_ =	swait.ge @!p2 [sflag:s1], $0x800  }
0x53: {  	[sflag:s1] =	ssyncset.done @!p2 $0x0  }
0x54: {  	s5 =	rddreg [dreg:$0x18];
	[sflag:s1] =	ssyncadd.s32 @!p2 $0xFFFFF800  }
0x55: {  	[spmem:s5] =	stream.linear.scatter @!p2 [tilespmem:s0], [sflag:$0x5], $0x800, $0x38;
	[tilespmem:$0x9800] =	vst v63  }
0x56: {  	_ =	swait.ge @!p2 [sflag:s1], $0x800  }
0x57: {  	[sflag:s1] =	ssyncset.done @!p2 $0x0  }
0x58: {  	s5 =	rddreg [dreg:$0x19];
	[sflag:s1] =	ssyncadd.s32 @!p2 $0xFFFFF800  }
0x59: {  	[spmem:s5] =	stream.linear.scatter @!p2 [tilespmem:s0], [sflag:$0x5], $0x800, $0x38;
	[tilespmem:$0x9800] =	vst v63  }
0x5a: {  	_ =	swait.ge @!p2 [sflag:s1], $0x800  }
0x5b: {  	[sflag:s1] =	ssyncset.done @!p2 $0x0  }
0x5c: {  	s5 =	rddreg [dreg:$0x1a];
	[sflag:s1] =	ssyncadd.s32 @!p2 $0xFFFFF800  }
0x5d: {  	[spmem:s5] =	stream.linear.scatter @!p2 [tilespmem:s0], [sflag:$0x5], $0x800, $0x38;
	[tilespmem:$0x9800] =	vst v63  }
0x5e: {  	_ =	swait.ge @!p2 [sflag:s1], $0x800  }
0x5f: {  	[sflag:s1] =	ssyncset.done @!p2 $0x0;
	s5 =	rddreg [dreg:$0x13]  }
0x60: {  	s0 =	simm.s32 @p1 $0x1FC5;
	[sflag:s1] =	ssyncadd.s32 @!p2 $0xFFFFF800;
	s1 =	rddreg [dreg:$0x6]  }
0x61: {  	[spmem:s5], [sflag:s0] =	dma.local @p1 [hbm:s1], $0x100  }
0x62: {  	s1 =	simm.s32 @p1 $0x5  }
0x63: {  	_ =	swait.ge @p1 [sflag:s1], $0x100  }
0x64: {  	[sflag:s1] =	ssyncset.done @p1 $0x0;
	s5 =	rddreg [dreg:$0x7]  }
0x65: {  	s7 =	rddreg [dreg:$0x14];
	[sflag:s1] =	ssyncadd.s32 @p1 $0xFFFFFF00  }
0x66: {  	[spmem:s7], [sflag:s0] =	dma.local @p1 [hbm:s5], $0x100  }
0x67: {  	_ =	swait.ge @p1 [sflag:s1], $0x100  }
0x68: {  	[sflag:s1] =	ssyncset.done @p1 $0x0;
	s5 =	rddreg [dreg:$0x8]  }
0x69: {  	s7 =	rddreg [dreg:$0x15];
	[sflag:s1] =	ssyncadd.s32 @p1 $0xFFFFFF00  }
0x6a: {  	[spmem:s7], [sflag:s0] =	dma.local @p1 [hbm:s5], $0x100  }
0x6b: {  	_ =	swait.ge @p1 [sflag:s1], $0x100  }
0x6c: {  	[sflag:s1] =	ssyncset.done @p1 $0x0;
	s5 =	rddreg [dreg:$0x9]  }
0x6d: {  	s7 =	rddreg [dreg:$0x16];
	[sflag:s1] =	ssyncadd.s32 @p1 $0xFFFFFF00  }
0x6e: {  	[spmem:s7], [sflag:s0] =	dma.local @p1 [hbm:s5], $0x20  }
0x6f: {  	_ =	swait.ge @p1 [sflag:s1], $0x20  }
0x70: {  	[sflag:s1] =	ssyncset.done @p1 $0x0  }
0x71: {  	s0 =	simm.s32 @p1 $0x2800;
	s5 =	rddreg [dreg:$0x1b];
	[sflag:s1] =	ssyncadd.s32 @p1 $0xFFFFFFE0  }
0x72: {  	[spmem:s5] =	stream.linear.scatter @p1 [tilespmem:s0], [sflag:$0x5], $0x700, $0x38;
	[tilespmem:$0x9800] =	vst v63  }
0x73: {  	_ =	swait.ge @p1 [sflag:s1], $0x700  }
0x74: {  	[sflag:s1] =	ssyncset.done @p1 $0x0  }
0x75: {  	s5 =	rddreg [dreg:$0x1c];
	[sflag:s1] =	ssyncadd.s32 @p1 $0xFFFFF900  }
0x76: {  	[spmem:s5] =	stream.linear.scatter @p1 [tilespmem:s0], [sflag:$0x5], $0x800, $0x38;
	[tilespmem:$0x9800] =	vst v63  }
0x77: {  	_ =	swait.ge @p1 [sflag:s1], $0x800  }
0x78: {  	[sflag:s1] =	ssyncset.done @p1 $0x0  }
0x79: {  	[sflag:s1] =	ssyncadd.s32 @p1 $0xFFFFF800  }
.LBB2_6:
0x7a: {  	_ =	swait.ge [sflag:s11], $0x1400  }
0x7b: {  	[sflag:s11] =	ssyncset.done $0x0  }
0x7c: {  	[sflag:s11] =	ssyncadd.s32 $0xFFFFEC00  }
0x7d: {  	_ =	swait.ge [sflag:s13], $0x1400  }
0x7e: {  	[sflag:s13] =	ssyncset.done $0x0  }
0x7f: {  	[sflag:s13] =	ssyncadd.s32 $0xFFFFEC00  }
0x80: {  	s0 =	simm.s32 $0x0;
	[bflag:$0x0] =	sbarrier.arrive $0xFFFF  }
0x81: {  	[tilespmem:s15], [sflag:$0x1] =	stream.indirect.gather [hbm4b:s4+s14], $0x10, s0, s14, $0xb8;
	[tilespmem:$0x9800] =	vst v63  }
0x82: {  	s9 =	sand.u32 $0x2, s0  }
0x83: {  	[tilespmem:s17], [sflag:$0x2] =	stream.indirect.gather [hbm4b:s4+s14], $0x10, s14, s14, $0xb8;
	[tilespmem:$0x9800] =	vst v63  }
0x84: {  	s1 =	simm.s32 $0x100;
	s0 =	sor.u32 $0x1, s9  }
0x85: {  	[tilespmem:s20], [sflag:$0x3] =	stream.indirect.gather [hbm4b:s4+s14], $0x10, s1, s14, $0xb8;
	[tilespmem:$0x9800] =	vst v63  }
0x86: {  	s8 =	simm.s32 $0x1;
	s18 =	simm.s32 $0x1400;
	_ =	swait.ge [sflag:s0], $0x800  }
0x87: {  	s22 =	simm.s32 $0x180;
	s1 =	sshll.u32 s9, $0xB;
	[sflag:s0] =	ssyncset.done $0x0  }
0x88: {  	s9 =	simm.s32 $0xFFFFFFFF;
	s31 =	sor.u32 $0x2800, s1;
	[sflag:s0] =	ssyncadd.s32 $0xFFFFF800  }
0x89: {  	[spmem:s2] =	stream.indirect.scatter.add.f32 [tilespmem:s31], [sflag:$0x5], $0x10, s18, s14, $0xb8;
	[tilespmem:$0x9800] =	vst v63  }
0x8a: {  	s8 =	sand.u32 $0x3, s8;
	s21 =	sand.u32 $0x3, s9;
	_ =	swait.ge [sflag:s10], $0x800  }
0x8b: {  	s24 =	sadd.s32 $0x1, s8;
	s18 =	sshll.u32 s21, $0xB;
	[sflag:s10] =	ssyncset.done $0x0  }
0x8c: {  	s1 =	sadd.s32 $0x1, s21;
	s18 =	sadd.s32 $0x2800, s18;
	[sflag:s10] =	ssyncadd.s32 $0xFFFFF800  }
0x8d: {  	[tilespmem:s18], [sflag:s1] =	stream.indirect.gather [hbm4b:s4+s14], $0x10, s22, s14, $0xb8;
	[tilespmem:$0x9800] =	vst v63  }
0x8e: {  	s28 =	simm.s32 $0x1480;
	s8 =	sshll.u32 s8, $0xB;
	_ =	swait.ge [sflag:s24], $0x800  }
0x8f: {  	s8 =	sadd.s32 $0x2800, s8;
	s9 =	simm.s32 $0x200;
	[sflag:s24] =	ssyncset.done $0x0  }
0x90: {  	s21 =	simm.s32 $0x2;
	s22 =	simm.s32 $0x400;
	[sflag:s24] =	ssyncadd.s32 $0xFFFFF800  }
0x91: {  	[spmem:s2] =	stream.indirect.scatter.add.f32 [tilespmem:s8], [sflag:$0x5], $0x10, s28, s14, $0xb8;
	[tilespmem:$0x9800] =	vst v63  }
0x92: {  	s1 =	sand.u32 $0x2, s21;
	s18 =	simm.s32 $0x800;
	_ =	swait.ge [sflag:s10], $0x800  }
0x93: {  	s24 =	sshll.u32 s1, $0xB;
	s8 =	simm.s32 $0x4;
	[sflag:s10] =	ssyncset.done $0x0  }
.LBB2_7:
0x94: {  	s28 =	sor.u32 $0x1, s1;
	s1 =	sand.u32 $0x2, s8  }
0x95: {  	[sflag:s10] =	ssyncadd.s32 $0xFFFFF800;
	s7 =	smov.u32 s18;
	s5 =	sshra.s32 s22, $0x2  }
0x96: {  	[tilespmem:s31], [sflag:s0] =	stream.indirect.gather [hbm4b:s4+s14], $0x10, s9, s14, $0xb8;
	[tilespmem:$0x9800] =	vst v63  }
0x97: {  	s9 =	sshll.u32 s1, $0xB;
	s0 =	sadd.s32 $0x1, s21;
	_ =	swait.ge [sflag:s28], $0x800  }
0x98: {  	p3 =	sne.s32 s18, $0x4400;
	s21 =	sadd.s32 $0xFFFFFFFF, s21;
	[sflag:s28] =	ssyncset.done $0x0  }
0x99: {  	s31 =	sor.u32 $0x2800, s24;
	s22 =	sadd.s32 $0x1400, s5;
	[sflag:s28] =	ssyncadd.s32 $0xFFFFF800  }
0x9a: {  	[spmem:s2] =	stream.indirect.scatter.add.f32 [tilespmem:s31], [sflag:$0x5], $0x10, s22, s14, $0xb8;
	[tilespmem:$0x9800] =	vst v63  }
0x9b: {  	s21 =	sand.u32 $0x3, s21;
	s22 =	sadd.s32 $0x180, s5;
	_ =	swait.ge [sflag:s10], $0x800  }
0x9c: {  	s24 =	sshll.u32 s21, $0xB;
	s21 =	sadd.s32 $0x1, s21;
	[sflag:s10] =	ssyncset.done $0x0  }
0x9d: {  	s0 =	sand.u32 $0x3, s0;
	s24 =	sadd.s32 $0x2800, s24;
	[sflag:s10] =	ssyncadd.s32 $0xFFFFF800  }
0x9e: {  	[tilespmem:s24], [sflag:s21] =	stream.indirect.gather [hbm4b:s4+s14], $0x10, s22, s14, $0xb8;
	[tilespmem:$0x9800] =	vst v63  }
0x9f: {  	s18 =	sadd.s32 $0x400, s18;
	s21 =	sshll.u32 s0, $0xB;
	s22 =	sadd.s32 $0x1, s0  }
0xa0: {  	s0 =	smov.u32 s28;
	s28 =	sadd.s32 $0x1480, s5;
	_ =	swait.ge [sflag:s22], $0x800  }
.Ltmp3:
0xa1: {  	s21 =	sadd.s32 $0x2800, s21;
	[sflag:s22] =	ssyncset.done $0x0;
	(pc) =	sbr.rel @p3 .LBB2_7-.Ltmp3, $4  }
0xa2: {  	s24 =	smov.u32 s9;
	[sflag:s22] =	ssyncadd.s32 $0xFFFFF800;
	s22 =	smov.u32 s7  }
0xa3: {  	[spmem:s2] =	stream.indirect.scatter.add.f32 [tilespmem:s21], [sflag:$0x5], $0x10, s28, s14, $0xb8;
	[tilespmem:$0x9800] =	vst v63  }
0xa4: {  	s21 =	smov.u32 s8;
	_ =	swait.ge [sflag:s10], $0x800  }
0xa5: {  	s9 =	sadd.s32 $0x200, s5;
	s8 =	sadd.s32 $0x2, s8;
	[sflag:s10] =	ssyncset.done $0x0  }
0xa6: {  	s1 =	sor.u32 $0x1, s1;
	[sflag:s10] =	ssyncadd.s32 $0xFFFFF800  }
0xa7: {  	[tilespmem:s31], [sflag:s0] =	stream.indirect.gather [hbm4b:s4+s14], $0x10, s9, s14, $0xb8;
	[tilespmem:$0x9800] =	vst v63  }
0xa8: {  	_ =	swait.ge [sflag:s1], $0x800  }
0xa9: {  	s22 =	sshra.s32 s22, $0x2;
	s5 =	sadd.s32 $0xFFFFFFFF, s21;
	[sflag:s1] =	ssyncset.done $0x0  }
0xaa: {  	s7 =	sor.u32 $0x2800, s24;
	s8 =	sadd.s32 $0x1400, s22;
	[sflag:s1] =	ssyncadd.s32 $0xFFFFF800  }
0xab: {  	[spmem:s2] =	stream.indirect.scatter.add.f32 [tilespmem:s7], [sflag:$0x5], $0x10, s8, s14, $0xb8;
	[tilespmem:$0x9800] =	vst v63  }
0xac: {  	s5 =	sand.u32 $0x3, s5;
	s28 =	sadd.s32 $0x180, s22;
	_ =	swait.ge [sflag:s10], $0x800  }
0xad: {  	s31 =	sshll.u32 s5, $0xB;
	s5 =	sadd.s32 $0x1, s5;
	[sflag:s10] =	ssyncset.done $0x0  }
0xae: {  	s9 =	sadd.s32 $0x2800, s31;
	s8 =	sadd.s32 $0x1, s21;
	[sflag:s10] =	ssyncadd.s32 $0xFFFFF800  }
0xaf: {  	[tilespmem:s9], [sflag:s5] =	stream.indirect.gather [hbm4b:s4+s14], $0x10, s28, s14, $0xb8;
	[tilespmem:$0x9800] =	vst v63  }
0xb0: {  	s5 =	sand.u32 $0x3, s8  }
0xb1: {  	s9 =	sadd.s32 $0x1, s5  }
0xb2: {  	_ =	swait.ge [sflag:s9], $0x800  }
0xb3: {  	s5 =	sshll.u32 s5, $0xB;
	[sflag:s9] =	ssyncset.done $0x0  }
0xb4: {  	s18 =	sadd.s32 $0x1480, s22;
	s5 =	sadd.s32 $0x2800, s5;
	[sflag:s9] =	ssyncadd.s32 $0xFFFFF800  }
0xb5: {  	[spmem:s2] =	stream.indirect.scatter.add.f32 [tilespmem:s5], [sflag:$0x5], $0x10, s18, s14, $0xb8;
	[tilespmem:$0x9800] =	vst v63  }
0xb6: {  	_ =	swait.ge [sflag:s10], $0x800  }
0xb7: {  	[sflag:s10] =	ssyncset.done $0x0  }
0xb8: {  	s0 =	sadd.s32 $0x200, s22;
	[sflag:s10] =	ssyncadd.s32 $0xFFFFF800  }
0xb9: {  	[tilespmem:s7], [sflag:s1] =	stream.indirect.gather [hbm4b:s4+s14], $0x10, s0, s14, $0xb8;
	[tilespmem:$0x9800] =	vst v63  }
0xba: {  	_ =	swait.ge [sflag:s11], $0x800  }
0xbb: {  	[sflag:s11] =	ssyncset.done $0x0  }
0xbc: {  	s21 =	simm.s32 $0x2600;
	[sflag:s11] =	ssyncadd.s32 $0xFFFFF800  }
0xbd: {  	[spmem:s2] =	stream.indirect.scatter.add.f32 [tilespmem:s15], [sflag:$0x5], $0x10, s21, s14, $0xb8;
	[tilespmem:$0x9800] =	vst v63  }
0xbe: {  	_ =	swait.ge [sflag:s10], $0x800  }
0xbf: {  	[sflag:s10] =	ssyncset.done $0x0  }
0xc0: {  	s22 =	simm.s32 $0x1380;
	[sflag:s10] =	ssyncadd.s32 $0xFFFFF800  }
0xc1: {  	[tilespmem:s23], [sflag:$0x4] =	stream.indirect.gather [hbm4b:s4+s14], $0x10, s22, s14, $0xb8;
	[tilespmem:$0x9800] =	vst v63  }
0xc2: {  	_ =	swait.ge [sflag:s13], $0x800  }
0xc3: {  	[sflag:s13] =	ssyncset.done $0x0  }
0xc4: {  	s24 =	simm.s32 $0x2680;
	[sflag:s13] =	ssyncadd.s32 $0xFFFFF800  }
0xc5: {  	[spmem:s2] =	stream.indirect.scatter.add.f32 [tilespmem:s17], [sflag:$0x5], $0x10, s24, s14, $0xb8;
	[tilespmem:$0x9800] =	vst v63  }
0xc6: {  	_ =	swait.ge [sflag:s10], $0x800  }
0xc7: {  	[sflag:s10] =	ssyncset.done $0x0  }
0xc8: {  	[sflag:s10] =	ssyncadd.s32 $0xFFFFF800  }
0xc9: {  	_ =	swait.ge [sflag:s25], $0x800  }
0xca: {  	[sflag:s25] =	ssyncset.done $0x0  }
0xcb: {  	s28 =	simm.s32 $0x2700;
	[sflag:s25] =	ssyncadd.s32 $0xFFFFF800  }
0xcc: {  	[spmem:s2] =	stream.indirect.scatter.add.f32 [tilespmem:s20], [sflag:$0x5], $0x10, s28, s14, $0xb8;
	[tilespmem:$0x9800] =	vst v63  }
0xcd: {  	_ =	swait.ge [sflag:s10], $0x800  }
0xce: {  	[sflag:s10] =	ssyncset.done $0x0  }
0xcf: {  	[sflag:s10] =	ssyncadd.s32 $0xFFFFF800  }
0xd0: {  	_ =	swait.ge [sflag:s26], $0x800  }
0xd1: {  	[sflag:s26] =	ssyncset.done $0x0  }
0xd2: {  	s31 =	simm.s32 $0x2780;
	[sflag:s26] =	ssyncadd.s32 $0xFFFFF800  }
0xd3: {  	[spmem:s2] =	stream.indirect.scatter.add.f32 [tilespmem:s23], [sflag:$0x5], $0x10, s31, s14, $0xb8;
	[tilespmem:$0x9800] =	vst v63  }
0xd4: {  	_ =	swait.ge [sflag:s10], $0x800  }
0xd5: {  	[sflag:s10] =	ssyncset.done $0x0  }
0xd6: {  	[sflag:s10] =	ssyncadd.s32 $0xFFFFF800  }
0xd7: {  	[bflag:$0x0] =	sbarrier.arrive $0xFFFF  }
0xd8: {  	[tilespmem:s29], [sflag:$0x5] =	stream.linear.gather [spmem:s12], $0x2800, $0x38;
	[tilespmem:$0x9800] =	vst v63  }
0xd9: {  	s30 =	sadd.s32 $0x1, s30;
	_ =	swait.ge [sflag:s10], $0x2800  }
0xda: {  	p3 =	sne.s32 s30, s19;
	[sflag:s10] =	ssyncset.done $0x0  }
.Ltmp4:
0xdb: {  	[sflag:s10] =	ssyncadd.s32 $0xFFFFD800;
	(pc) =	sbr.rel @p3 .LBB2_1-.Ltmp4, $4  }
0xdc: {  	[hbm4b:s16+s3] =	stream.linear.scatter [tilespmem:s29], [sflag:$0x5], $0x2800, $0x38;
	[tilespmem:$0x9800] =	vst v63  }
0xdd: {  	_ =	swait.ge [sflag:s10], $0x2800  }
0xde: {  	[sflag:s10] =	ssyncset.done $0x0  }
0xdf: {  	[sflag:s10] =	ssyncadd.s32 $0xFFFFD800  }
0xe0: {  	_ =	sfence.sel $0x180000  }
0xe1: {  	[bflag:$0x0] =	sbarrier.arrive $0xFFFF  }
0xe2: {  	_ =	strace $0x9000004A  }
0xe3: {  	s0 =	stileid.u32;
	[bflag:$0x2] =	sbarrier.arrive $0xFFFF  }
0xe4: {  	p0 =	sne.s32 s0, $0x0;
	s0 =	rddreg [dreg:$0x3]  }
0xe5: {  	s0 =	sadd.s32 @!p0 $0x100000, s0  }
0xe6: {  	[sflag:s0] =	ssyncadd.tile.s32 @!p0 $0x1;
	_ =	shalt  }
.Lfunc_end2:
_tile_overlayer_lowered:
.L_overlay_start_2:
0xe7: {  	(tag) =	ssettag $0x2  }
0xe8: {  	s0 =	rddreg [dreg:$0x0];
	s2 =	stileid.u32  }
0xe9: {  	s1 =	rddreg [dreg:$0x1];
	p0 =	sne.s32 s2, $0x0  }
0xea: {  	s3 =	rddreg [dreg:$0x2];
	[bflag:$0x3] =	sbarrier.arrive $0xFFFF;
	s2 =	simm.s32 @!p0 $0x1C05  }
0xeb: {  	[timem:s3], [sflag:s2] =	dma.local @!p0 [hbm:s0], s1  }
0xec: {  	s0 =	simm.s32 @!p0 $0x5  }
0xed: {  	_ =	swait.ge @!p0 [sflag:s0], s1  }
0xee: {  	s1 =	ssub.s32 @!p0 $0x0, s1;
	[sflag:s0] =	ssyncset.done @!p0 $0x0  }
0xef: {  	[sflag:s0] =	ssyncadd.s32 @!p0 s1  }
0xf0: {  	[bflag:$0x3] =	sbarrier.arrive $0xFFFF  }
0xf1: {  	_ =	shalt  }

// kernel: kernel.15.cloned.1.call-start
scs
__scs_entry_jumppad:
0x0: {  	(pc) =	sbr.rel $0x88, $3  }
0x1: {  	(tag) =	ssettag $0x0;
	lr =	simm.s32 $0x1  }
0x2: {  	[smem:$0x3F9B] =	sst lr;
	_ =	strace $0xD0000000  }
0x3: {  	_ = 	snop  }
0x4: {  	_ = 	snop  }
0x5: {  	_ = 	snop  }
0x6: {  	_ = 	snop  }
0x7: {  	_ = 	snop  }
__scs_overlays_trampoline_lowered:
0x8: {  	[smem:$0x3FAA] =	sst s0  }
0x9: {  	[smem:$0x3FAB] =	sst s1  }
0xa: {  	[smem:$0x3FAC] =	sst s2  }
0xb: {  	[smem:$0x3FAD] =	sst s3  }
0xc: {  	[smem:$0x3FAE] =	sst s4  }
0xd: {  	[smem:$0x3FAF] =	sst s5  }
0xe: {  	[smem:$0x3FB0] =	sst s6  }
0xf: {  	[smem:$0x3FB1] =	sst s7  }
0x10: {  	[smem:$0x3FB2] =	sst s8  }
0x11: {  	[smem:$0x3FB3] =	sst s9;
	s0 =	simm.s32 @!p0 $0x0  }
0x12: {  	s1 =	sld [smem:$0x3F99];
	s0 =	simm.s32 @p0 $0x1  }
0x13: {  	[smem:$0x3FB4] =	sst s0;
	s0 =	simm.s32 @!p1 $0x0  }
0x14: {  	s2 =	sld [smem:$0x3F98];
	s0 =	simm.s32 @p1 $0x1  }
0x15: {  	[smem:$0x3FB5] =	sst s0;
	s0 =	simm.s32 @!p2 $0x0  }
0x16: {  	s3 =	sld [smem:$0x3FDB];
	s0 =	simm.s32 @p2 $0x1  }
0x17: {  	s4 =	simm.s32 $0x1BF5;
	[smem:$0x3FB7] =	sst s0  }
0x18: {  	s0 =	sld [smem:$0x3F9A];
	_ =	swait.ge [sflag:s4], $0x0  }
0x19: {  	s7 =	sld [smem:$0x3F9B]  }
0x1a: {  	s8 =	sadd.s32 $0xFFFFE003, lr  }
0x1b: {  	s9 =	sadd.s32 $0xFFFFFEF7, lr;
	s5 =	simm.s32 $0xFFFFFFFF;
	p2 =	slt.u32 s8, $0xFFFFF086  }
0x1c: {  	p1 =	slt.u32 s9, $0xF7A;
	s5 =	simm.s32 @!p2 $0x0  }
0x1d: {  	s5 =	simm.s32 @p1 $0x1;
	p0 =	seq.s32 s7, s2  }
0x1e: {  	s7 =	smul.u32 @!p0 $0xF7A, s2;
	p2 =	seq.s32 @!p0 s5, $0x0  }
0x1f: {  	s9 =	smul.u32 $0xF7A, s1;
	s8 =	simm.s32 @!p0 $0x1BF5;
	p2 =	por !p2, p0  }
0x20: {  	[sflag:s8] =	ssyncset.s32 @!p0 $0xFFFFF086;
	s6 =	sadd.s32 @!p0 s3, s7;
	s7 =	simm.s32 @!p0 $0x108  }
0x21: {  	s3 =	sadd.s32 s3, s9;
	s6 =	sadd.s32 @!p0 $0x88, s6;
	s7 =	simm.s32 @p2 $0x1082  }
0x22: {  	[simem:s7], [sflag:s8] =	dma.local @!p0 [hbm:s6], $0xF7A  }
0x23: {  	s9 =	sor.u32 $0xD0000000, s2;
	s6 =	simm.s32 $0x108;
	_ =	swait.ge @!p0 [sflag:s8], $0x0  }
0x24: {  	s3 =	sadd.s32 $0x88, s3;
	s6 =	simm.s32 @!p1 $0x1082;
	[sflag:s4] =	ssyncset.s32 $0xFFFFF086  }
0x25: {  	[simem:s6], [sflag:s4] =	dma.local [hbm:s3], $0xF7A  }
0x26: {  	[smem:$0x3F9B] =	sst s1;
	(tag) =	ssettag s2;
	_ =	strace s9  }
0x27: {  	s1 =	sld [smem:$0x3FAB]  }
0x28: {  	s2 =	sld [smem:$0x3FAC]  }
0x29: {  	s4 =	sld [smem:$0x3FAE]  }
0x2a: {  	p0 =	seq.s32 s5, $0x0;
	s5 =	sld [smem:$0x3FAF]  }
0x2b: {  	s6 =	sld [smem:$0x3FB0]  }
0x2c: {  	s7 =	sld [smem:$0x3FB1]  }
0x2d: {  	s3 =	simm.s32 $0x108;
	s8 =	sld [smem:$0x3FB2]  }
0x2e: {  	s3 =	simm.s32 @!p0 $0x1082;
	s9 =	sld [smem:$0x3FB3]  }
0x2f: {  	lr =	sadd.s32 s0, s3;
	s0 =	sld [smem:$0x3FAA]  }
0x30: {  	s3 =	sld [smem:$0x3FAD]  }
0x31: {  	[smem:$0x3FB6] =	sst s10  }
0x32: {  	s10 =	sld [smem:$0x3FB4];
	_ =	sdelay $0x3  }
0x33: {  	p0 =	seq.s32 s10, $0x1;
	s10 =	sld [smem:$0x3FB6];
	_ =	sdelay $0x3  }
0x34: {  	[smem:$0x3FB6] =	sst s10  }
0x35: {  	s10 =	sld [smem:$0x3FB5];
	_ =	sdelay $0x3  }
0x36: {  	p1 =	seq.s32 s10, $0x1;
	s10 =	sld [smem:$0x3FB6];
	_ =	sdelay $0x3  }
0x37: {  	[smem:$0x3FB6] =	sst s10  }
0x38: {  	s10 =	sld [smem:$0x3FB7]  }
0x39: {  	_ = 	snop;
	(pc) =	sbr.ind lr, $3  }
0x3a: {  	_ = 	snop  }
0x3b: {  	_ = 	snop  }
0x3c: {  	p2 =	seq.s32 s10, $0x1;
	s10 =	sld [smem:$0x3FB6]  }
0x3d: {  	_ =	shalt  }
0x3e: {  	_ =	shalt  }
0x3f: {  	_ =	shalt  }
0x40: {  	_ =	shalt  }
0x41: {  	_ =	shalt  }
0x42: {  	_ =	shalt  }
0x43: {  	_ =	shalt  }
0x44: {  	_ =	shalt  }
0x45: {  	_ =	shalt  }
0x46: {  	_ =	shalt  }
0x47: {  	_ =	shalt  }
0x48: {  	_ =	shalt  }
0x49: {  	_ =	shalt  }
0x4a: {  	_ =	shalt  }
0x4b: {  	_ =	shalt  }
0x4c: {  	_ =	shalt  }
0x4d: {  	_ =	shalt  }
0x4e: {  	_ =	shalt  }
0x4f: {  	_ =	shalt  }
0x50: {  	_ =	shalt  }
0x51: {  	_ =	shalt  }
0x52: {  	_ =	shalt  }
0x53: {  	_ =	shalt  }
0x54: {  	_ =	shalt  }
0x55: {  	_ =	shalt  }
0x56: {  	_ =	shalt  }
0x57: {  	_ =	shalt  }
0x58: {  	_ =	shalt  }
0x59: {  	_ =	shalt  }
0x5a: {  	_ =	shalt  }
0x5b: {  	_ =	shalt  }
0x5c: {  	_ =	shalt  }
0x5d: {  	_ =	shalt  }
0x5e: {  	_ =	shalt  }
0x5f: {  	_ =	shalt  }
0x60: {  	_ =	shalt  }
0x61: {  	_ =	shalt  }
0x62: {  	_ =	shalt  }
0x63: {  	_ =	shalt  }
0x64: {  	_ =	shalt  }
0x65: {  	_ =	shalt  }
0x66: {  	_ =	shalt  }
0x67: {  	_ =	shalt  }
0x68: {  	_ =	shalt  }
0x69: {  	_ =	shalt  }
0x6a: {  	_ =	shalt  }
0x6b: {  	_ =	shalt  }
0x6c: {  	_ =	shalt  }
0x6d: {  	_ =	shalt  }
0x6e: {  	_ =	shalt  }
0x6f: {  	_ =	shalt  }
0x70: {  	_ =	shalt  }
0x71: {  	_ =	shalt  }
0x72: {  	_ =	shalt  }
0x73: {  	_ =	shalt  }
0x74: {  	_ =	shalt  }
0x75: {  	_ =	shalt  }
0x76: {  	_ =	shalt  }
0x77: {  	_ =	shalt  }
0x78: {  	_ =	shalt  }
0x79: {  	_ =	shalt  }
0x7a: {  	_ =	shalt  }
0x7b: {  	_ =	shalt  }
0x7c: {  	_ =	shalt  }
0x7d: {  	_ =	shalt  }
0x7e: {  	_ =	shalt  }
0x7f: {  	_ =	shalt  }
0x80: {  	_ =	shalt  }
0x81: {  	_ =	shalt  }
0x82: {  	_ =	shalt  }
0x83: {  	_ =	shalt  }
0x84: {  	_ =	shalt  }
0x85: {  	_ =	shalt  }
0x86: {  	_ =	shalt  }
0x87: {  	_ =	shalt  }
.Lfunc_end0:
.L_simem_size_0:
called_computation.2_lowered:
.L_overlay_start_0:
0x88: {  	s2 =	sld [smem:$0x3FD9]  }
0x89: {  	s3 =	sld [smem:$0x3FFE];
	_ =	sdelay $0x1  }
0x8a: {  	s1 =	srdreg.scid  }
0x8b: {  	s0 =	sand.u32 $0x1, s1  }
0x8c: {  	s17 =	sshll.u32 s0, $0xA;
	s2 =	sadd.s32 s3, s2  }
0x8d: {  	s2 =	sadd.s32 s2, s17  }
0x8e: {  	[smem:$0x3FC2] =	sst s2  }
0x8f: {  	_ = 	snop  }
0x90: {  	s2 =	sld [smem:$0x3FD0];
	(tm) =	ssettm $0x1  }
0x91: {  	s18 =	sld [smem:$0x3FFB];
	_ =	sdelay $0x3  }
0x92: {  	_ =	strace s18  }
0x93: {  	s3 =	sld [smem:$0x3FFC];
	_ =	sdelay $0x3  }
0x94: {  	_ =	strace s3  }
0x95: {  	s3 =	sld [smem:$0x3FFD];
	_ =	sdelay $0x3  }
0x96: {  	_ =	strace s3  }
0x97: {  	_ =	strace $0x8FFFFFFF  }
0x98: {  	s19 =	sld [smem:$0x3FDB];
	_ =	sdelay $0x1  }
0x99: {  	s4 =	simm.s32 $_scs_section_size  }
0x9a: {  	s5 =	simm.s32 $_size__tile_overlayer_lowered;
	s6 =	simm.s32 $_tile_overlayer_lowered  }
0x9b: {  	s22 =	simm.s32 $0x1BFF;
	s21 =	sshll.u32 s6, $0x1;
	s3 =	sadd.s32 s4, s19  }
0x9c: {  	s7 =	simm.s32 $0x0;
	s20 =	sshll.u32 s5, $0x1;
	s5 =	sadd.s32 s21, s3  }
0x9d: {  	[timem:s7], [sflag:s22] =	dma.local [hbm:s5], s20  }
0x9e: {  	_ =	swait.ge [sflag:s22], s20  }
0x9f: {  	s4 =	ssub.s32 $0x0, s20;
	[sflag:s22] =	ssyncset.done $0x0  }
0xa0: {  	[sflag:s22] =	ssyncadd.s32 s4;
	_ =	sdelay $0x1  }
0xa1: {  	s23 =	simm.s32 $0x1B8B  }
0xa2: {  	_ =	swait.ge [sflag:s23], $0x1  }
0xa3: {  	[sflag:s23] =	ssyncset.done $0x0  }
0xa4: {  	s25 =	simm.s32 $0x1B8E;
	s24 =	sld [smem:$0x3FFE];
	[sflag:s23] =	ssyncadd.s32 $0xFFFFFFFF  }
0xa5: {  	s26 =	simm.s32 $execute0_lowered;
	[smem:$0x3FD2] =	sst s25  }
0xa6: {  	s5 =	sshll.u32 s26, $0x1;
	_ =	strace $0x8000004C;
	[dreg:$0x1] =	wrdreg $0xFFFFFFFF  }
0xa7: {  	s28 =	simm.s32 $_size_execute0_lowered;
	s3 =	sadd.s32 s3, s5;
	[dreg:$0x0] =	wrdreg $0x0  }
0xa8: {  	s5 =	sshll.u32 s28, $0x1;
	[dreg:$0x2] =	wrdreg s3  }
0xa9: {  	[dreg:$0x3] =	wrdreg s5  }
0xaa: {  	[dreg:$0x4] =	wrdreg $0xC0  }
0xab: {  	_ =	task [dreg:s7], $0x5FFFF  }
0xac: {  	[dreg:$0x1] =	wrdreg $0xFFFFFFFF  }
0xad: {  	[dreg:$0x0] =	wrdreg $0x60  }
0xae: {  	[dreg:$0x2] =	wrdreg s2  }
0xaf: {  	[dreg:$0x3] =	wrdreg s24  }
0xb0: {  	[dreg:$0x4] =	wrdreg $0x148000  }
0xb1: {  	[dreg:$0x5] =	wrdreg $0x9  }
0xb2: {  	_ =	task.clear_ibuf [dreg:s7], $0x6FFFF;
	_ =	strace $0x9000004C  }
0xb3: {  	s29 =	simm.s32 $0x9;
	_ =	strace $0x8000004E  }
0xb4: {  	_ =	swait.ge [sflag:s29], $0x1  }
0xb5: {  	[sflag:s29] =	ssyncadd.s32 $0xFFFFFFFF  }
0xb6: {  	_ =	strace $0x9000004E  }
0xb7: {  	_ =	sfence  }
0xb8: {  	s30 =	sld [smem:$0x0];
	_ =	sdelay $0x2  }
0xb9: {  	s31 =	sshll.u32 s1, $0xD;
	s1 =	sshrl.u32 s1, $0x2  }
0xba: {  	s3 =	sand.u32 $0x4000, s31;
	s1 =	sadd.s32 s1, s30  }
0xbb: {  	s0 =	sor.u32 s3, s0;
	s1 =	sshll.u32 s1, $0x11  }
0xbc: {  	s0 =	sor.u32 s1, s0  }
0xbd: {  	s0 =	sadd.s32 $0x8F2B, s0  }
0xbe: {  	[sflag:s0] =	ssyncadd.remote.s32 $0x1  }
0xbf: {  	_ =	sfence.sel $0xFFFF  }
0xc0: {  	[dreg:$0x0] =	wrdreg $0xFFFFFFFF;
	(pc) =	sbr.abs _section_cstart, $3  }
0xc1: {  	[dreg:$0x1] =	wrdreg $0xFFFFFFFF  }
0xc2: {  	_ =	task.clear_ibuf [dreg:s7], $0x2FFFF;
	_ =	strace $0x9FFFFFFF  }
0xc3: {  	(tm) =	ssettm $0x7FFFFFFF  }
tec
execute0_lowered:
.L_overlay_start_1:
0x0: {  	(tag) =	ssettag $0x1  }
0x1: {  	s1 =	rddreg [dreg:$0x0]  }
0x2: {  	s0 =	rddreg [dreg:$0x1]  }
0x3: {  	s3 =	rddreg [dreg:$0x2];
	s2 =	srdreg.scid  }
0x4: {  	s10 =	stileid.u32;
	s4 =	simm.s32 $0x0;
	s29 =	simm.s32 $0xA800  }
0x5: {  	s30 =	simm.s32 $0x0;
	s2 =	sand.u32 $0x1, s2;
	s8 =	smul.u32 $0xA000, s10  }
0x6: {  	s5 =	sshll.u32 s10, $0x1;
	[smem:$0x7FF] =	sst s4;
	s18 =	smul.u32 $0x28000, s10  }
0x7: {  	p1 =	sne.s32 s10, $0xF;
	p2 =	seq.s32 s10, $0xF;
	s12 =	sadd.s32 $0x98000, s3  }
0x8: {  	s13 =	sadd.s32 $0x9A000, s3;
	s14 =	sadd.s32 $0x9C000, s3;
	s5 =	sor.u32 s2, s5  }
0x9: {  	s6 =	smul.u32 $0xA0000, s2;
	_ =	strace $0x8000004D;
	s7 =	ssub.s32 $0x2, s2  }
0xa: {  	p0 =	seq.s32 s2, $0x0;
	s5 =	smul.u32 $0x280, s5;
	s17 =	sshrl.u32 s7, $0x1  }
0xb: {  	p1 =	por !p0, !p1;
	p2 =	por !p0, !p2;
	s15 =	sshrl.u32 s8, $0x3  }
0xc: {  	s10 =	sadd.s32 s8, s3;
	s22 =	sadd.s32 $0x2000, s8;
	s6 =	sadd.s32 s8, s6  }
0xd: {  	s11 =	ssub.s32 s7, s17;
	s7 =	sshrl.u32 s18, $0x2;
	p0 =	por !p1, !p1  }
0xe: {  	p1 =	por !p2, !p2;
	s21 =	sadd.s32 s1, s15;
	s18 =	sadd.s32 s22, s3  }
0xf: {  	s15 =	sshrl.u32 s22, $0x3;
	s17 =	sadd.s32 $0x6000, s8;
	s9 =	sadd.s32 s5, s0  }
0x10: {  	s16 =	sshrl.u32 s6, $0x3;
	[dreg:$0x8] =	wrdreg s21;
	s23 =	sadd.s32 s1, s15  }
0x11: {  	s5 =	sadd.s32 s7, s3;
	s15 =	sshrl.u32 s18, $0x3;
	[dreg:$0x9] =	wrdreg s23  }
0x12: {  	s26 =	sshrl.u32 s17, $0x3;
	p2 =	seq.s32 @!p1 s2, $0x0;
	[dreg:$0xd] =	wrdreg s15  }
0x13: {  	s0 =	sadd.s32 s16, s0;
	s19 =	sadd.s32 $0x1600, s9;
	[dreg:$0x5] =	wrdreg s5  }
0x14: {  	s6 =	sadd.s32 $0x6600, s9;
	s7 =	sadd.s32 $0x2000, s5;
	[dreg:$0x4] =	wrdreg s19  }
0x15: {  	s20 =	sadd.s32 $0x4000, s5;
	s9 =	sadd.s32 $0x96000, s3;
	[dreg:$0x6] =	wrdreg s7  }
0x16: {  	s16 =	sadd.s32 $0x4000, s8;
	s28 =	sadd.s32 s1, s26;
	[dreg:$0x7] =	wrdreg s20  }
0x17: {  	s8 =	sadd.s32 $0x8000, s8;
	s21 =	sadd.s32 $0x6000, s5;
	[dreg:$0xb] =	wrdreg s28  }
0x18: {  	p2 =	por p2, p1;
	s22 =	sadd.s32 $0x8000, s5;
	[dreg:$0x15] =	wrdreg s21  }
0x19: {  	s23 =	sadd.s32 $0x12C00, s1;
	s26 =	sadd.s32 $0x13800, s1;
	[dreg:$0x16] =	wrdreg s22  }
0x1a: {  	s24 =	sshrl.u32 s16, $0x3;
	s19 =	sadd.s32 s16, s3;
	[dreg:$0x17] =	wrdreg s23  }
0x1b: {  	s16 =	sadd.s32 $0xB600, s0;
	s0 =	sshrl.u32 @p1 s9, $0x3;
	[dreg:$0x1a] =	wrdreg s26  }
0x1c: {  	s31 =	sadd.s32 s8, s3;
	s28 =	sadd.s32 $0x9C400, s3;
	[dreg:$0x11] =	wrdreg s0  }
0x1d: {  	s8 =	sshrl.u32 s8, $0x3;
	s25 =	sadd.s32 s1, s24;
	[dreg:$0x1b] =	wrdreg s28  }
0x1e: {  	s15 =	simm.s32 $0x2800;
	s8 =	sadd.s32 s1, s8;
	[dreg:$0xa] =	wrdreg s25  }
0x1f: {  	s20 =	sadd.s32 s17, s3;
	s18 =	sshrl.u32 s19, $0x3;
	[dreg:$0xc] =	wrdreg s8  }
0x20: {  	s17 =	smax.u32 s11, $0x1;
	s19 =	sshrl.u32 s20, $0x3;
	[dreg:$0xe] =	wrdreg s18  }
0x21: {  	s11 =	simm.s32 $0x5;
	s20 =	sshrl.u32 s31, $0x3;
	[dreg:$0xf] =	wrdreg s19  }
0x22: {  	s23 =	simm.s32 $0x8800;
	s0 =	sshrl.u32 @p1 s12, $0x3;
	[dreg:$0x10] =	wrdreg s20  }
0x23: {  	s26 =	simm.s32 $0x4;
	s24 =	sadd.s32 $0x13000, s1;
	[dreg:$0x12] =	wrdreg s0  }
0x24: {  	s31 =	sadd.s32 $0x9E000, s3;
	s12 =	simm.s32 $0x1;
	[dreg:$0x18] =	wrdreg s24  }
0x25: {  	s0 =	sshrl.u32 @p1 s13, $0x3;
	s25 =	sadd.s32 $0x13400, s1;
	[dreg:$0x1c] =	wrdreg s31  }
0x26: {  	s13 =	simm.s32 $0x2;
	s18 =	simm.s32 $0x4800;
	[dreg:$0x13] =	wrdreg s0  }
0x27: {  	s20 =	simm.s32 $0x6800;
	s0 =	sshrl.u32 @p1 s14, $0x3;
	[dreg:$0x19] =	wrdreg s25  }
0x28: {  	v0 =	vimm.f32 $0.0e+00;
	s24 =	simm.s32 $0x3;
	s14 =	simm.s32 $0x80;
	[dreg:$0x14] =	wrdreg s0  }
.LBB2_1:
0x29: {  	s0 =	rddreg [dreg:$0x4];
	s2 =	simm.s32 $0x1400  }
0x2a: {  	[tilespmem:s2], [sflag:$0x1] =	stream.linear.gather [hbm4b:s0+s4], $0x1400, $0x38;
	[tilespmem:$0x1E800] =	vst v63  }
0x2b: {  	s2 =	simm.s32 $0x100;
	s0 =	simm.s32 $0x0  }
0x2c: {  	[tilespmem:s4], [sflag:$0x2] =	stream.linear.gather [hbm4b:s6+s4], $0x1400, $0x38;
	[tilespmem:$0x1E800] =	vst v63  }
.LBB2_2:
0x2d: {  	p3 =	sne.s32 s2, $0x7F00;
	[tilespmem:s0+$0x2830] =	vst v0;
	s8 =	smov.u32 s2;
	s2 =	sadd.s32 $0x100, s2  }
.Ltmp0:
0x2e: {  	[tilespmem:s0+$0x2820] =	vst v0;
	(pc) =	sbr.rel @p3 .LBB2_2-.Ltmp0, $3  }
0x2f: {  	[tilespmem:s0+$0x2800] =	vst v0  }
0x30: {  	[tilespmem:s0+$0x2810] =	vst v0;
	_ =	sdelay $0x1  }
0x31: {  	s0 =	sshra.s32 s8, $0x2  }
.Ltmp1:
0x32: {  	(pc) =	sbr.rel @!p0 .LBB2_5-.Ltmp1, $4  }
0x33: {  	[tilespmem:s0+$0x2830] =	vst v0  }
0x34: {  	[tilespmem:s0+$0x2820] =	vst v0  }
0x35: {  	[tilespmem:s0+$0x2800] =	vst v0  }
0x36: {  	[tilespmem:s0+$0x2810] =	vst v0  }
0x37: {  	s0 =	stileid.u32  }
0x38: {  	s0 =	sshll.u32 s0, $0x6  }
0x39: {  	s2 =	sshrl.u32 s10, $0x3;
	s5 =	rddreg [dreg:$0x8];
	s0 =	sor.u32 $0x1C05, s0  }
0x3a: {  	[spmem:s2], [sflag:s0] =	dma.local [hbm:s5], $0x400  }
0x3b: {  	_ =	swait.ge [sflag:s11], $0x400  }
0x3c: {  	[sflag:s11] =	ssyncset.done $0x0;
	s8 =	rddreg [dreg:$0x9]  }
0x3d: {  	s9 =	rddreg [dreg:$0xd];
	[sflag:s11] =	ssyncadd.s32 $0xFFFFFC00  }
0x3e: {  	[spmem:s9], [sflag:s0] =	dma.local [hbm:s8], $0x400  }
0x3f: {  	_ =	swait.ge [sflag:s11], $0x400  }
0x40: {  	[sflag:s11] =	ssyncset.done $0x0;
	s19 =	rddreg [dreg:$0xa]  }
0x41: {  	s21 =	rddreg [dreg:$0xe];
	[sflag:s11] =	ssyncadd.s32 $0xFFFFFC00  }
0x42: {  	[spmem:s21], [sflag:s0] =	dma.local [hbm:s19], $0x400  }
0x43: {  	_ =	swait.ge [sflag:s11], $0x400  }
0x44: {  	[sflag:s11] =	ssyncset.done $0x0;
	s22 =	rddreg [dreg:$0xb]  }
0x45: {  	s25 =	rddreg [dreg:$0xf];
	[sflag:s11] =	ssyncadd.s32 $0xFFFFFC00  }
0x46: {  	[spmem:s25], [sflag:s0] =	dma.local [hbm:s22], $0x400  }
0x47: {  	_ =	swait.ge [sflag:s11], $0x400  }
0x48: {  	[sflag:s11] =	ssyncset.done $0x0;
	s28 =	rddreg [dreg:$0xc]  }
.Ltmp2:
0x49: {  	s31 =	rddreg [dreg:$0x10];
	[sflag:s11] =	ssyncadd.s32 $0xFFFFFC00;
	(pc) =	sbr.rel .LBB2_6-.Ltmp2, $4  }
0x4a: {  	[spmem:s31], [sflag:s0] =	dma.local [hbm:s28], $0x400  }
0x4b: {  	_ =	swait.ge [sflag:s11], $0x400  }
0x4c: {  	[sflag:s11] =	ssyncset.done $0x0  }
0x4d: {  	[sflag:s11] =	ssyncadd.s32 $0xFFFFFC00  }
.LBB2_5:
0x4e: {  	s0 =	simm.s32 @!p2 $0x2800;
	s2 =	rddreg [dreg:$0x5]  }
0x4f: {  	[spmem:s2] =	stream.linear.scatter @!p2 [tilespmem:s0], [sflag:$0x5], $0x2000, $0x38;
	[tilespmem:$0x1E800] =	vst v63  }
0x50: {  	s2 =	simm.s32 @!p2 $0x5  }
0x51: {  	_ =	swait.ge @!p2 [sflag:s2], $0x2000  }
0x52: {  	[sflag:s2] =	ssyncset.done @!p2 $0x0  }
0x53: {  	s5 =	rddreg [dreg:$0x6];
	[sflag:s2] =	ssyncadd.s32 @!p2 $0xFFFFE000  }
0x54: {  	[spmem:s5] =	stream.linear.scatter @!p2 [tilespmem:s0], [sflag:$0x5], $0x2000, $0x38;
	[tilespmem:$0x1E800] =	vst v63  }
0x55: {  	_ =	swait.ge @!p2 [sflag:s2], $0x2000  }
0x56: {  	[sflag:s2] =	ssyncset.done @!p2 $0x0  }
0x57: {  	s5 =	rddreg [dreg:$0x7];
	[sflag:s2] =	ssyncadd.s32 @!p2 $0xFFFFE000  }
0x58: {  	[spmem:s5] =	stream.linear.scatter @!p2 [tilespmem:s0], [sflag:$0x5], $0x2000, $0x38;
	[tilespmem:$0x1E800] =	vst v63  }
0x59: {  	_ =	swait.ge @!p2 [sflag:s2], $0x2000  }
0x5a: {  	[sflag:s2] =	ssyncset.done @!p2 $0x0  }
0x5b: {  	s5 =	rddreg [dreg:$0x15];
	[sflag:s2] =	ssyncadd.s32 @!p2 $0xFFFFE000  }
0x5c: {  	[spmem:s5] =	stream.linear.scatter @!p2 [tilespmem:s0], [sflag:$0x5], $0x2000, $0x38;
	[tilespmem:$0x1E800] =	vst v63  }
0x5d: {  	_ =	swait.ge @!p2 [sflag:s2], $0x2000  }
0x5e: {  	[sflag:s2] =	ssyncset.done @!p2 $0x0  }
0x5f: {  	s5 =	rddreg [dreg:$0x16];
	[sflag:s2] =	ssyncadd.s32 @!p2 $0xFFFFE000  }
0x60: {  	[spmem:s5] =	stream.linear.scatter @!p2 [tilespmem:s0], [sflag:$0x5], $0x2000, $0x38;
	[tilespmem:$0x1E800] =	vst v63  }
0x61: {  	_ =	swait.ge @!p2 [sflag:s2], $0x2000  }
0x62: {  	[sflag:s2] =	ssyncset.done @!p2 $0x0;
	s5 =	rddreg [dreg:$0x17]  }
0x63: {  	s0 =	simm.s32 @p1 $0x1FC5;
	[sflag:s2] =	ssyncadd.s32 @!p2 $0xFFFFE000;
	s2 =	rddreg [dreg:$0x11]  }
0x64: {  	[spmem:s2], [sflag:s0] =	dma.local @p1 [hbm:s5], $0x400  }
0x65: {  	s2 =	simm.s32 @p1 $0x5  }
0x66: {  	_ =	swait.ge @p1 [sflag:s2], $0x400  }
0x67: {  	[sflag:s2] =	ssyncset.done @p1 $0x0;
	s5 =	rddreg [dreg:$0x12]  }
0x68: {  	s7 =	rddreg [dreg:$0x18];
	[sflag:s2] =	ssyncadd.s32 @p1 $0xFFFFFC00  }
0x69: {  	[spmem:s5], [sflag:s0] =	dma.local @p1 [hbm:s7], $0x400  }
0x6a: {  	_ =	swait.ge @p1 [sflag:s2], $0x400  }
0x6b: {  	[sflag:s2] =	ssyncset.done @p1 $0x0;
	s5 =	rddreg [dreg:$0x13]  }
0x6c: {  	s7 =	rddreg [dreg:$0x19];
	[sflag:s2] =	ssyncadd.s32 @p1 $0xFFFFFC00  }
0x6d: {  	[spmem:s5], [sflag:s0] =	dma.local @p1 [hbm:s7], $0x400  }
0x6e: {  	_ =	swait.ge @p1 [sflag:s2], $0x400  }
0x6f: {  	[sflag:s2] =	ssyncset.done @p1 $0x0;
	s5 =	rddreg [dreg:$0x14]  }
0x70: {  	s7 =	rddreg [dreg:$0x1a];
	[sflag:s2] =	ssyncadd.s32 @p1 $0xFFFFFC00  }
0x71: {  	[spmem:s5], [sflag:s0] =	dma.local @p1 [hbm:s7], $0x80  }
0x72: {  	_ =	swait.ge @p1 [sflag:s2], $0x80  }
0x73: {  	[sflag:s2] =	ssyncset.done @p1 $0x0  }
0x74: {  	s0 =	simm.s32 @p1 $0x2800;
	s5 =	rddreg [dreg:$0x1b];
	[sflag:s2] =	ssyncadd.s32 @p1 $0xFFFFFF80  }
0x75: {  	[spmem:s5] =	stream.linear.scatter @p1 [tilespmem:s0], [sflag:$0x5], $0x1C00, $0x38;
	[tilespmem:$0x1E800] =	vst v63  }
0x76: {  	_ =	swait.ge @p1 [sflag:s2], $0x1C00  }
0x77: {  	[sflag:s2] =	ssyncset.done @p1 $0x0  }
0x78: {  	s5 =	rddreg [dreg:$0x1c];
	[sflag:s2] =	ssyncadd.s32 @p1 $0xFFFFE400  }
0x79: {  	[spmem:s5] =	stream.linear.scatter @p1 [tilespmem:s0], [sflag:$0x5], $0x2000, $0x38;
	[tilespmem:$0x1E800] =	vst v63  }
0x7a: {  	_ =	swait.ge @p1 [sflag:s2], $0x2000  }
0x7b: {  	[sflag:s2] =	ssyncset.done @p1 $0x0  }
0x7c: {  	[sflag:s2] =	ssyncadd.s32 @p1 $0xFFFFE000  }
.LBB2_6:
0x7d: {  	_ =	swait.ge [sflag:s12], $0x1400  }
0x7e: {  	[sflag:s12] =	ssyncset.done $0x0  }
0x7f: {  	[sflag:s12] =	ssyncadd.s32 $0xFFFFEC00  }
0x80: {  	_ =	swait.ge [sflag:s13], $0x1400  }
0x81: {  	[sflag:s13] =	ssyncset.done $0x0  }
0x82: {  	[sflag:s13] =	ssyncadd.s32 $0xFFFFEC00  }
0x83: {  	s0 =	simm.s32 $0x0;
	[bflag:$0x0] =	sbarrier.arrive $0xFFFF  }
0x84: {  	[tilespmem:s15], [sflag:$0x1] =	stream.indirect.gather [hbm4b:s1+s14], $0x40, s0, s14, $0xb8;
	[tilespmem:$0x1E800] =	vst v63  }
0x85: {  	_ = 	snop  }
0x86: {  	[tilespmem:s18], [sflag:$0x2] =	stream.indirect.gather [hbm4b:s1+s14], $0x40, s14, s14, $0xb8;
	[tilespmem:$0x1E800] =	vst v63  }
0x87: {  	s2 =	simm.s32 $0x100;
	s0 =	sand.u32 $0x2, s0  }
0x88: {  	[tilespmem:s20], [sflag:$0x3] =	stream.indirect.gather [hbm4b:s1+s14], $0x40, s2, s14, $0xb8;
	[tilespmem:$0x1E800] =	vst v63  }
0x89: {  	s2 =	sor.u32 $0x1, s0  }
0x8a: {  	s8 =	simm.s32 $0x1;
	s9 =	simm.s32 $0xFFFFFFFF;
	_ =	swait.ge [sflag:s2], $0x2000  }
0x8b: {  	s25 =	simm.s32 $0x1400;
	s0 =	sshll.u32 s0, $0xD;
	[sflag:s2] =	ssyncset.done $0x0  }
0x8c: {  	s5 =	simm.s32 $0x180;
	s31 =	sor.u32 $0x2800, s0;
	[sflag:s2] =	ssyncadd.s32 $0xFFFFE000  }
0x8d: {  	[spmem:s3] =	stream.indirect.scatter.add.f32 [tilespmem:s31], [sflag:$0x5], $0x40, s25, s14, $0xb8;
	[tilespmem:$0x1E800] =	vst v63  }
0x8e: {  	s28 =	sand.u32 $0x3, s9;
	s21 =	sand.u32 $0x3, s8;
	_ =	swait.ge [sflag:s11], $0x2000  }
0x8f: {  	s19 =	sshll.u32 s28, $0xD;
	s7 =	sadd.s32 $0x1, s21;
	[sflag:s11] =	ssyncset.done $0x0  }
0x90: {  	s19 =	sadd.s32 $0x2800, s19;
	s0 =	sadd.s32 $0x1, s28;
	[sflag:s11] =	ssyncadd.s32 $0xFFFFE000  }
0x91: {  	[tilespmem:s19], [sflag:s0] =	stream.indirect.gather [hbm4b:s1+s14], $0x40, s5, s14, $0xb8;
	[tilespmem:$0x1E800] =	vst v63  }
0x92: {  	s22 =	simm.s32 $0x400;
	s8 =	simm.s32 $0x2;
	_ =	swait.ge [sflag:s7], $0x2000  }
0x93: {  	s28 =	simm.s32 $0x1480;
	s25 =	sshll.u32 s21, $0xD;
	[sflag:s7] =	ssyncset.done $0x0  }
0x94: {  	s21 =	simm.s32 $0x4;
	s9 =	sadd.s32 $0x2800, s25;
	[sflag:s7] =	ssyncadd.s32 $0xFFFFE000  }
0x95: {  	[spmem:s3] =	stream.indirect.scatter.add.f32 [tilespmem:s9], [sflag:$0x5], $0x40, s28, s14, $0xb8;
	[tilespmem:$0x1E800] =	vst v63  }
0x96: {  	s25 =	simm.s32 $0x200;
	s19 =	sand.u32 $0x2, s8;
	_ =	swait.ge [sflag:s11], $0x2000  }
0x97: {  	s0 =	simm.s32 $0x800;
	s9 =	sshll.u32 s19, $0xD;
	[sflag:s11] =	ssyncset.done $0x0  }
.LBB2_7:
0x98: {  	s28 =	sor.u32 $0x1, s19;
	s19 =	sand.u32 $0x2, s21  }
0x99: {  	[sflag:s11] =	ssyncadd.s32 $0xFFFFE000;
	s7 =	smov.u32 s0;
	s5 =	sshra.s32 s22, $0x2  }
0x9a: {  	[tilespmem:s31], [sflag:s2] =	stream.indirect.gather [hbm4b:s1+s14], $0x40, s25, s14, $0xb8;
	[tilespmem:$0x1E800] =	vst v63  }
0x9b: {  	s25 =	sshll.u32 s19, $0xD;
	s2 =	sadd.s32 $0x1, s8;
	_ =	swait.ge [sflag:s28], $0x2000  }
0x9c: {  	p3 =	sne.s32 s0, $0x4400;
	s8 =	sadd.s32 $0xFFFFFFFF, s8;
	[sflag:s28] =	ssyncset.done $0x0  }
0x9d: {  	s31 =	sor.u32 $0x2800, s9;
	s9 =	sadd.s32 $0x1400, s5;
	[sflag:s28] =	ssyncadd.s32 $0xFFFFE000  }
0x9e: {  	[spmem:s3] =	stream.indirect.scatter.add.f32 [tilespmem:s31], [sflag:$0x5], $0x40, s9, s14, $0xb8;
	[tilespmem:$0x1E800] =	vst v63  }
0x9f: {  	s8 =	sand.u32 $0x3, s8;
	s9 =	sadd.s32 $0x180, s5;
	_ =	swait.ge [sflag:s11], $0x2000  }
0xa0: {  	s22 =	sshll.u32 s8, $0xD;
	s8 =	sadd.s32 $0x1, s8;
	[sflag:s11] =	ssyncset.done $0x0  }
0xa1: {  	s2 =	sand.u32 $0x3, s2;
	s22 =	sadd.s32 $0x2800, s22;
	[sflag:s11] =	ssyncadd.s32 $0xFFFFE000  }
0xa2: {  	[tilespmem:s22], [sflag:s8] =	stream.indirect.gather [hbm4b:s1+s14], $0x40, s9, s14, $0xb8;
	[tilespmem:$0x1E800] =	vst v63  }
0xa3: {  	s0 =	sadd.s32 $0x400, s0;
	s8 =	sshll.u32 s2, $0xD;
	s9 =	sadd.s32 $0x1, s2  }
0xa4: {  	s2 =	smov.u32 s28;
	s28 =	sadd.s32 $0x1480, s5;
	_ =	swait.ge [sflag:s9], $0x2000  }
.Ltmp3:
0xa5: {  	s8 =	sadd.s32 $0x2800, s8;
	[sflag:s9] =	ssyncset.done $0x0;
	(pc) =	sbr.rel @p3 .LBB2_7-.Ltmp3, $4  }
0xa6: {  	s22 =	smov.u32 s7;
	[sflag:s9] =	ssyncadd.s32 $0xFFFFE000;
	s9 =	smov.u32 s25  }
0xa7: {  	[spmem:s3] =	stream.indirect.scatter.add.f32 [tilespmem:s8], [sflag:$0x5], $0x40, s28, s14, $0xb8;
	[tilespmem:$0x1E800] =	vst v63  }
0xa8: {  	s8 =	smov.u32 s21;
	_ =	swait.ge [sflag:s11], $0x2000  }
0xa9: {  	s25 =	sadd.s32 $0x200, s5;
	s21 =	sadd.s32 $0x2, s21;
	[sflag:s11] =	ssyncset.done $0x0  }
0xaa: {  	s0 =	sor.u32 $0x1, s19;
	[sflag:s11] =	ssyncadd.s32 $0xFFFFE000  }
0xab: {  	[tilespmem:s31], [sflag:s2] =	stream.indirect.gather [hbm4b:s1+s14], $0x40, s25, s14, $0xb8;
	[tilespmem:$0x1E800] =	vst v63  }
0xac: {  	_ =	swait.ge [sflag:s0], $0x2000  }
0xad: {  	s22 =	sshra.s32 s22, $0x2;
	s5 =	sadd.s32 $0xFFFFFFFF, s8;
	[sflag:s0] =	ssyncset.done $0x0  }
0xae: {  	s7 =	sor.u32 $0x2800, s9;
	s25 =	sadd.s32 $0x1400, s22;
	[sflag:s0] =	ssyncadd.s32 $0xFFFFE000  }
0xaf: {  	[spmem:s3] =	stream.indirect.scatter.add.f32 [tilespmem:s7], [sflag:$0x5], $0x40, s25, s14, $0xb8;
	[tilespmem:$0x1E800] =	vst v63  }
0xb0: {  	s8 =	sadd.s32 $0x1, s8;
	s5 =	sand.u32 $0x3, s5;
	_ =	swait.ge [sflag:s11], $0x2000  }
0xb1: {  	s28 =	sadd.s32 $0x180, s22;
	s31 =	sshll.u32 s5, $0xD;
	[sflag:s11] =	ssyncset.done $0x0  }
0xb2: {  	s5 =	sadd.s32 $0x1, s5;
	s19 =	sadd.s32 $0x2800, s31;
	[sflag:s11] =	ssyncadd.s32 $0xFFFFE000  }
0xb3: {  	[tilespmem:s19], [sflag:s5] =	stream.indirect.gather [hbm4b:s1+s14], $0x40, s28, s14, $0xb8;
	[tilespmem:$0x1E800] =	vst v63  }
0xb4: {  	s5 =	sand.u32 $0x3, s8  }
0xb5: {  	s9 =	sadd.s32 $0x1, s5  }
0xb6: {  	_ =	swait.ge [sflag:s9], $0x2000  }
0xb7: {  	s5 =	sshll.u32 s5, $0xD;
	[sflag:s9] =	ssyncset.done $0x0  }
0xb8: {  	s19 =	sadd.s32 $0x1480, s22;
	s5 =	sadd.s32 $0x2800, s5;
	[sflag:s9] =	ssyncadd.s32 $0xFFFFE000  }
0xb9: {  	[spmem:s3] =	stream.indirect.scatter.add.f32 [tilespmem:s5], [sflag:$0x5], $0x40, s19, s14, $0xb8;
	[tilespmem:$0x1E800] =	vst v63  }
0xba: {  	_ =	swait.ge [sflag:s11], $0x2000  }
0xbb: {  	[sflag:s11] =	ssyncset.done $0x0  }
0xbc: {  	s2 =	sadd.s32 $0x200, s22;
	[sflag:s11] =	ssyncadd.s32 $0xFFFFE000  }
0xbd: {  	[tilespmem:s7], [sflag:s0] =	stream.indirect.gather [hbm4b:s1+s14], $0x40, s2, s14, $0xb8;
	[tilespmem:$0x1E800] =	vst v63  }
0xbe: {  	_ =	swait.ge [sflag:s12], $0x2000  }
0xbf: {  	[sflag:s12] =	ssyncset.done $0x0  }
0xc0: {  	s21 =	simm.s32 $0x2600;
	[sflag:s12] =	ssyncadd.s32 $0xFFFFE000  }
0xc1: {  	[spmem:s3] =	stream.indirect.scatter.add.f32 [tilespmem:s15], [sflag:$0x5], $0x40, s21, s14, $0xb8;
	[tilespmem:$0x1E800] =	vst v63  }
0xc2: {  	_ =	swait.ge [sflag:s11], $0x2000  }
0xc3: {  	[sflag:s11] =	ssyncset.done $0x0  }
0xc4: {  	s22 =	simm.s32 $0x1380;
	[sflag:s11] =	ssyncadd.s32 $0xFFFFE000  }
0xc5: {  	[tilespmem:s23], [sflag:$0x4] =	stream.indirect.gather [hbm4b:s1+s14], $0x40, s22, s14, $0xb8;
	[tilespmem:$0x1E800] =	vst v63  }
0xc6: {  	_ =	swait.ge [sflag:s13], $0x2000  }
0xc7: {  	[sflag:s13] =	ssyncset.done $0x0  }
0xc8: {  	s25 =	simm.s32 $0x2680;
	[sflag:s13] =	ssyncadd.s32 $0xFFFFE000  }
0xc9: {  	[spmem:s3] =	stream.indirect.scatter.add.f32 [tilespmem:s18], [sflag:$0x5], $0x40, s25, s14, $0xb8;
	[tilespmem:$0x1E800] =	vst v63  }
0xca: {  	_ =	swait.ge [sflag:s11], $0x2000  }
0xcb: {  	[sflag:s11] =	ssyncset.done $0x0  }
0xcc: {  	[sflag:s11] =	ssyncadd.s32 $0xFFFFE000  }
0xcd: {  	_ =	swait.ge [sflag:s24], $0x2000  }
0xce: {  	[sflag:s24] =	ssyncset.done $0x0  }
0xcf: {  	s28 =	simm.s32 $0x2700;
	[sflag:s24] =	ssyncadd.s32 $0xFFFFE000  }
0xd0: {  	[spmem:s3] =	stream.indirect.scatter.add.f32 [tilespmem:s20], [sflag:$0x5], $0x40, s28, s14, $0xb8;
	[tilespmem:$0x1E800] =	vst v63  }
0xd1: {  	_ =	swait.ge [sflag:s11], $0x2000  }
0xd2: {  	[sflag:s11] =	ssyncset.done $0x0  }
0xd3: {  	[sflag:s11] =	ssyncadd.s32 $0xFFFFE000  }
0xd4: {  	_ =	swait.ge [sflag:s26], $0x2000  }
0xd5: {  	[sflag:s26] =	ssyncset.done $0x0  }
0xd6: {  	s31 =	simm.s32 $0x2780;
	[sflag:s26] =	ssyncadd.s32 $0xFFFFE000  }
0xd7: {  	[spmem:s3] =	stream.indirect.scatter.add.f32 [tilespmem:s23], [sflag:$0x5], $0x40, s31, s14, $0xb8;
	[tilespmem:$0x1E800] =	vst v63  }
0xd8: {  	_ =	swait.ge [sflag:s11], $0x2000  }
0xd9: {  	[sflag:s11] =	ssyncset.done $0x0  }
0xda: {  	[sflag:s11] =	ssyncadd.s32 $0xFFFFE000  }
0xdb: {  	[bflag:$0x0] =	sbarrier.arrive $0xFFFF  }
0xdc: {  	[tilespmem:s29], [sflag:$0x5] =	stream.linear.gather [spmem:s10], $0xA000, $0x38;
	[tilespmem:$0x1E800] =	vst v63  }
0xdd: {  	s30 =	sadd.s32 $0x1, s30;
	_ =	swait.ge [sflag:s11], $0xA000  }
0xde: {  	p3 =	sne.s32 s30, s17;
	[sflag:s11] =	ssyncset.done $0x0  }
.Ltmp4:
0xdf: {  	[sflag:s11] =	ssyncadd.s32 $0xFFFF6000;
	(pc) =	sbr.rel @p3 .LBB2_1-.Ltmp4, $4  }
0xe0: {  	[hbm4b:s16+s4] =	stream.linear.scatter [tilespmem:s29], [sflag:$0x5], $0xA000, $0x38;
	[tilespmem:$0x1E800] =	vst v63  }
0xe1: {  	_ =	swait.ge [sflag:s11], $0xA000  }
0xe2: {  	[sflag:s11] =	ssyncset.done $0x0  }
0xe3: {  	[sflag:s11] =	ssyncadd.s32 $0xFFFF6000  }
0xe4: {  	_ =	sfence.sel $0x180000  }
0xe5: {  	[bflag:$0x0] =	sbarrier.arrive $0xFFFF  }
0xe6: {  	_ =	strace $0x9000004D  }
0xe7: {  	s0 =	stileid.u32;
	[bflag:$0x2] =	sbarrier.arrive $0xFFFF  }
0xe8: {  	p0 =	sne.s32 s0, $0x0;
	s0 =	rddreg [dreg:$0x3]  }
0xe9: {  	s0 =	sadd.s32 @!p0 $0x100000, s0  }
0xea: {  	[sflag:s0] =	ssyncadd.tile.s32 @!p0 $0x1;
	_ =	shalt  }
.Lfunc_end2:
_tile_overlayer_lowered:
.L_overlay_start_2:
0xeb: {  	(tag) =	ssettag $0x2  }
0xec: {  	s0 =	rddreg [dreg:$0x0];
	s2 =	stileid.u32  }
0xed: {  	s1 =	rddreg [dreg:$0x1];
	p0 =	sne.s32 s2, $0x0  }
0xee: {  	s3 =	rddreg [dreg:$0x2];
	[bflag:$0x3] =	sbarrier.arrive $0xFFFF;
	s2 =	simm.s32 @!p0 $0x1C05  }
0xef: {  	[timem:s3], [sflag:s2] =	dma.local @!p0 [hbm:s0], s1  }
0xf0: {  	s0 =	simm.s32 @!p0 $0x5  }
0xf1: {  	_ =	swait.ge @!p0 [sflag:s0], s1  }
0xf2: {  	s1 =	ssub.s32 @!p0 $0x0, s1;
	[sflag:s0] =	ssyncset.done @!p0 $0x0  }
0xf3: {  	[sflag:s0] =	ssyncadd.s32 @!p0 s1  }
0xf4: {  	[bflag:$0x3] =	sbarrier.arrive $0xFFFF  }
0xf5: {  	_ =	shalt  }

// kernel: kernel.9.cloned.1.call-start
scs
__scs_entry_jumppad:
0x0: {  	(pc) =	sbr.rel $0x88, $3  }
0x1: {  	(tag) =	ssettag $0x0;
	lr =	simm.s32 $0x1  }
0x2: {  	[smem:$0x3F9B] =	sst lr;
	_ =	strace $0xD0000000  }
0x3: {  	_ = 	snop  }
0x4: {  	_ = 	snop  }
0x5: {  	_ = 	snop  }
0x6: {  	_ = 	snop  }
0x7: {  	_ = 	snop  }
__scs_overlays_trampoline_lowered:
0x8: {  	[smem:$0x3FAA] =	sst s0  }
0x9: {  	[smem:$0x3FAB] =	sst s1  }
0xa: {  	[smem:$0x3FAC] =	sst s2  }
0xb: {  	[smem:$0x3FAD] =	sst s3  }
0xc: {  	[smem:$0x3FAE] =	sst s4  }
0xd: {  	[smem:$0x3FAF] =	sst s5  }
0xe: {  	[smem:$0x3FB0] =	sst s6  }
0xf: {  	[smem:$0x3FB1] =	sst s7  }
0x10: {  	[smem:$0x3FB2] =	sst s8  }
0x11: {  	[smem:$0x3FB3] =	sst s9;
	s0 =	simm.s32 @!p0 $0x0  }
0x12: {  	s1 =	sld [smem:$0x3F99];
	s0 =	simm.s32 @p0 $0x1  }
0x13: {  	[smem:$0x3FB4] =	sst s0;
	s0 =	simm.s32 @!p1 $0x0  }
0x14: {  	s2 =	sld [smem:$0x3F98];
	s0 =	simm.s32 @p1 $0x1  }
0x15: {  	[smem:$0x3FB5] =	sst s0;
	s0 =	simm.s32 @!p2 $0x0  }
0x16: {  	s3 =	sld [smem:$0x3FDB];
	s0 =	simm.s32 @p2 $0x1  }
0x17: {  	s4 =	simm.s32 $0x1BF5;
	[smem:$0x3FB7] =	sst s0  }
0x18: {  	s0 =	sld [smem:$0x3F9A];
	_ =	swait.ge [sflag:s4], $0x0  }
0x19: {  	s7 =	sld [smem:$0x3F9B]  }
0x1a: {  	s8 =	sadd.s32 $0xFFFFE003, lr  }
0x1b: {  	s9 =	sadd.s32 $0xFFFFFEF7, lr;
	s5 =	simm.s32 $0xFFFFFFFF;
	p2 =	slt.u32 s8, $0xFFFFF086  }
0x1c: {  	p1 =	slt.u32 s9, $0xF7A;
	s5 =	simm.s32 @!p2 $0x0  }
0x1d: {  	s5 =	simm.s32 @p1 $0x1;
	p0 =	seq.s32 s7, s2  }
0x1e: {  	s7 =	smul.u32 @!p0 $0xF7A, s2;
	p2 =	seq.s32 @!p0 s5, $0x0  }
0x1f: {  	s9 =	smul.u32 $0xF7A, s1;
	s8 =	simm.s32 @!p0 $0x1BF5;
	p2 =	por !p2, p0  }
0x20: {  	[sflag:s8] =	ssyncset.s32 @!p0 $0xFFFFF086;
	s6 =	sadd.s32 @!p0 s3, s7;
	s7 =	simm.s32 @!p0 $0x108  }
0x21: {  	s3 =	sadd.s32 s3, s9;
	s6 =	sadd.s32 @!p0 $0x88, s6;
	s7 =	simm.s32 @p2 $0x1082  }
0x22: {  	[simem:s7], [sflag:s8] =	dma.local @!p0 [hbm:s6], $0xF7A  }
0x23: {  	s9 =	sor.u32 $0xD0000000, s2;
	s6 =	simm.s32 $0x108;
	_ =	swait.ge @!p0 [sflag:s8], $0x0  }
0x24: {  	s3 =	sadd.s32 $0x88, s3;
	s6 =	simm.s32 @!p1 $0x1082;
	[sflag:s4] =	ssyncset.s32 $0xFFFFF086  }
0x25: {  	[simem:s6], [sflag:s4] =	dma.local [hbm:s3], $0xF7A  }
0x26: {  	[smem:$0x3F9B] =	sst s1;
	(tag) =	ssettag s2;
	_ =	strace s9  }
0x27: {  	s1 =	sld [smem:$0x3FAB]  }
0x28: {  	s2 =	sld [smem:$0x3FAC]  }
0x29: {  	s4 =	sld [smem:$0x3FAE]  }
0x2a: {  	p0 =	seq.s32 s5, $0x0;
	s5 =	sld [smem:$0x3FAF]  }
0x2b: {  	s6 =	sld [smem:$0x3FB0]  }
0x2c: {  	s7 =	sld [smem:$0x3FB1]  }
0x2d: {  	s3 =	simm.s32 $0x108;
	s8 =	sld [smem:$0x3FB2]  }
0x2e: {  	s3 =	simm.s32 @!p0 $0x1082;
	s9 =	sld [smem:$0x3FB3]  }
0x2f: {  	lr =	sadd.s32 s0, s3;
	s0 =	sld [smem:$0x3FAA]  }
0x30: {  	s3 =	sld [smem:$0x3FAD]  }
0x31: {  	[smem:$0x3FB6] =	sst s10  }
0x32: {  	s10 =	sld [smem:$0x3FB4];
	_ =	sdelay $0x3  }
0x33: {  	p0 =	seq.s32 s10, $0x1;
	s10 =	sld [smem:$0x3FB6];
	_ =	sdelay $0x3  }
0x34: {  	[smem:$0x3FB6] =	sst s10  }
0x35: {  	s10 =	sld [smem:$0x3FB5];
	_ =	sdelay $0x3  }
0x36: {  	p1 =	seq.s32 s10, $0x1;
	s10 =	sld [smem:$0x3FB6];
	_ =	sdelay $0x3  }
0x37: {  	[smem:$0x3FB6] =	sst s10  }
0x38: {  	s10 =	sld [smem:$0x3FB7]  }
0x39: {  	_ = 	snop;
	(pc) =	sbr.ind lr, $3  }
0x3a: {  	_ = 	snop  }
0x3b: {  	_ = 	snop  }
0x3c: {  	p2 =	seq.s32 s10, $0x1;
	s10 =	sld [smem:$0x3FB6]  }
0x3d: {  	_ =	shalt  }
0x3e: {  	_ =	shalt  }
0x3f: {  	_ =	shalt  }
0x40: {  	_ =	shalt  }
0x41: {  	_ =	shalt  }
0x42: {  	_ =	shalt  }
0x43: {  	_ =	shalt  }
0x44: {  	_ =	shalt  }
0x45: {  	_ =	shalt  }
0x46: {  	_ =	shalt  }
0x47: {  	_ =	shalt  }
0x48: {  	_ =	shalt  }
0x49: {  	_ =	shalt  }
0x4a: {  	_ =	shalt  }
0x4b: {  	_ =	shalt  }
0x4c: {  	_ =	shalt  }
0x4d: {  	_ =	shalt  }
0x4e: {  	_ =	shalt  }
0x4f: {  	_ =	shalt  }
0x50: {  	_ =	shalt  }
0x51: {  	_ =	shalt  }
0x52: {  	_ =	shalt  }
0x53: {  	_ =	shalt  }
0x54: {  	_ =	shalt  }
0x55: {  	_ =	shalt  }
0x56: {  	_ =	shalt  }
0x57: {  	_ =	shalt  }
0x58: {  	_ =	shalt  }
0x59: {  	_ =	shalt  }
0x5a: {  	_ =	shalt  }
0x5b: {  	_ =	shalt  }
0x5c: {  	_ =	shalt  }
0x5d: {  	_ =	shalt  }
0x5e: {  	_ =	shalt  }
0x5f: {  	_ =	shalt  }
0x60: {  	_ =	shalt  }
0x61: {  	_ =	shalt  }
0x62: {  	_ =	shalt  }
0x63: {  	_ =	shalt  }
0x64: {  	_ =	shalt  }
0x65: {  	_ =	shalt  }
0x66: {  	_ =	shalt  }
0x67: {  	_ =	shalt  }
0x68: {  	_ =	shalt  }
0x69: {  	_ =	shalt  }
0x6a: {  	_ =	shalt  }
0x6b: {  	_ =	shalt  }
0x6c: {  	_ =	shalt  }
0x6d: {  	_ =	shalt  }
0x6e: {  	_ =	shalt  }
0x6f: {  	_ =	shalt  }
0x70: {  	_ =	shalt  }
0x71: {  	_ =	shalt  }
0x72: {  	_ =	shalt  }
0x73: {  	_ =	shalt  }
0x74: {  	_ =	shalt  }
0x75: {  	_ =	shalt  }
0x76: {  	_ =	shalt  }
0x77: {  	_ =	shalt  }
0x78: {  	_ =	shalt  }
0x79: {  	_ =	shalt  }
0x7a: {  	_ =	shalt  }
0x7b: {  	_ =	shalt  }
0x7c: {  	_ =	shalt  }
0x7d: {  	_ =	shalt  }
0x7e: {  	_ =	shalt  }
0x7f: {  	_ =	shalt  }
0x80: {  	_ =	shalt  }
0x81: {  	_ =	shalt  }
0x82: {  	_ =	shalt  }
0x83: {  	_ =	shalt  }
0x84: {  	_ =	shalt  }
0x85: {  	_ =	shalt  }
0x86: {  	_ =	shalt  }
0x87: {  	_ =	shalt  }
.Lfunc_end0:
.L_simem_size_0:
called_computation_lowered:
.L_overlay_start_0:
0x88: {  	s2 =	sld [smem:$0x3FD9]  }
0x89: {  	s3 =	sld [smem:$0x3FFE];
	_ =	sdelay $0x1  }
0x8a: {  	s1 =	srdreg.scid  }
0x8b: {  	s0 =	sand.u32 $0x1, s1  }
0x8c: {  	s17 =	sshll.u32 s0, $0xA;
	s2 =	sadd.s32 s3, s2  }
0x8d: {  	s2 =	sadd.s32 s2, s17  }
0x8e: {  	[smem:$0x3FC2] =	sst s2  }
0x8f: {  	_ = 	snop  }
0x90: {  	s2 =	sld [smem:$0x3FD0];
	(tm) =	ssettm $0x1  }
0x91: {  	s18 =	sld [smem:$0x3FFB];
	_ =	sdelay $0x3  }
0x92: {  	_ =	strace s18  }
0x93: {  	s3 =	sld [smem:$0x3FFC];
	_ =	sdelay $0x3  }
0x94: {  	_ =	strace s3  }
0x95: {  	s3 =	sld [smem:$0x3FFD];
	_ =	sdelay $0x3  }
0x96: {  	_ =	strace s3  }
0x97: {  	_ =	strace $0x8FFFFFFF  }
0x98: {  	s19 =	sld [smem:$0x3FDB];
	_ =	sdelay $0x1  }
0x99: {  	s4 =	simm.s32 $_scs_section_size  }
0x9a: {  	s5 =	simm.s32 $_size__tile_overlayer_lowered;
	s6 =	simm.s32 $_tile_overlayer_lowered  }
0x9b: {  	s22 =	simm.s32 $0x1BFF;
	s21 =	sshll.u32 s6, $0x1;
	s3 =	sadd.s32 s4, s19  }
0x9c: {  	s7 =	simm.s32 $0x0;
	s20 =	sshll.u32 s5, $0x1;
	s5 =	sadd.s32 s21, s3  }
0x9d: {  	[timem:s7], [sflag:s22] =	dma.local [hbm:s5], s20  }
0x9e: {  	_ =	swait.ge [sflag:s22], s20  }
0x9f: {  	s4 =	ssub.s32 $0x0, s20;
	[sflag:s22] =	ssyncset.done $0x0  }
0xa0: {  	[sflag:s22] =	ssyncadd.s32 s4;
	_ =	sdelay $0x1  }
0xa1: {  	s23 =	simm.s32 $0x1B8B  }
0xa2: {  	_ =	swait.ge [sflag:s23], $0x1  }
0xa3: {  	[sflag:s23] =	ssyncset.done $0x0  }
0xa4: {  	s25 =	simm.s32 $0x1B8E;
	s24 =	sld [smem:$0x3FFE];
	[sflag:s23] =	ssyncadd.s32 $0xFFFFFFFF  }
0xa5: {  	s26 =	simm.s32 $execute0_lowered;
	[smem:$0x3FD2] =	sst s25  }
0xa6: {  	s5 =	sshll.u32 s26, $0x1;
	_ =	strace $0x80000046;
	[dreg:$0x1] =	wrdreg $0xFFFFFFFF  }
0xa7: {  	s28 =	simm.s32 $_size_execute0_lowered;
	s3 =	sadd.s32 s3, s5;
	[dreg:$0x0] =	wrdreg $0x0  }
0xa8: {  	s5 =	sshll.u32 s28, $0x1;
	[dreg:$0x2] =	wrdreg s3  }
0xa9: {  	[dreg:$0x3] =	wrdreg s5  }
0xaa: {  	[dreg:$0x4] =	wrdreg $0xC0  }
0xab: {  	_ =	task [dreg:s7], $0x5FFFF  }
0xac: {  	[dreg:$0x1] =	wrdreg $0xFFFFFFFF  }
0xad: {  	[dreg:$0x0] =	wrdreg $0x60  }
0xae: {  	[dreg:$0x2] =	wrdreg s24  }
0xaf: {  	[dreg:$0x3] =	wrdreg s2  }
0xb0: {  	[dreg:$0x4] =	wrdreg $0x5C000  }
0xb1: {  	[dreg:$0x5] =	wrdreg $0x9  }
0xb2: {  	_ =	task.clear_ibuf [dreg:s7], $0x6FFFF;
	_ =	strace $0x90000046  }
0xb3: {  	s29 =	simm.s32 $0x9;
	_ =	strace $0x80000048  }
0xb4: {  	_ =	swait.ge [sflag:s29], $0x1  }
0xb5: {  	[sflag:s29] =	ssyncadd.s32 $0xFFFFFFFF  }
0xb6: {  	_ =	strace $0x90000048  }
0xb7: {  	_ =	sfence  }
0xb8: {  	s30 =	sld [smem:$0x0];
	_ =	sdelay $0x2  }
0xb9: {  	s31 =	sshll.u32 s1, $0xD;
	s1 =	sshrl.u32 s1, $0x2  }
0xba: {  	s3 =	sand.u32 $0x4000, s31;
	s1 =	sadd.s32 s1, s30  }
0xbb: {  	s0 =	sor.u32 s3, s0;
	s1 =	sshll.u32 s1, $0x11  }
0xbc: {  	s0 =	sor.u32 s1, s0  }
0xbd: {  	s0 =	sadd.s32 $0x8F2B, s0  }
0xbe: {  	[sflag:s0] =	ssyncadd.remote.s32 $0x1  }
0xbf: {  	_ =	sfence.sel $0xFFFF  }
0xc0: {  	[dreg:$0x0] =	wrdreg $0xFFFFFFFF;
	(pc) =	sbr.abs _section_cstart, $3  }
0xc1: {  	[dreg:$0x1] =	wrdreg $0xFFFFFFFF  }
0xc2: {  	_ =	task.clear_ibuf [dreg:s7], $0x2FFFF;
	_ =	strace $0x9FFFFFFF  }
0xc3: {  	(tm) =	ssettm $0x7FFFFFFF  }
tec
execute0_lowered:
.L_overlay_start_1:
0x0: {  	(tag) =	ssettag $0x1  }
0x1: {  	s4 =	rddreg [dreg:$0x0]  }
0x2: {  	s10 =	rddreg [dreg:$0x1];
	s1 =	srdreg.scid  }
0x3: {  	s0 =	stileid.u32;
	s2 =	rddreg [dreg:$0x2]  }
0x4: {  	s3 =	simm.s32 $0x0;
	s13 =	simm.s32 $0x5;
	s14 =	simm.s32 $0x1  }
0x5: {  	s15 =	simm.s32 $0x80;
	s16 =	simm.s32 $0x3400;
	s17 =	simm.s32 $0x0  }
0x6: {  	s5 =	sand.u32 $0x1, s1;
	s1 =	rddreg [dreg:$0x3];
	s7 =	smul.u32 $0xA000, s0  }
0x7: {  	s6 =	sshll.u32 s0, $0x1;
	[smem:$0x7FF] =	sst s3;
	s8 =	smul.u32 $0x2800, s0  }
0x8: {  	s6 =	sor.u32 s5, s6;
	s30 =	ssub.s32 $0x2, s5;
	s11 =	smul.u32 $0x28000, s5  }
0x9: {  	_ =	strace $0x80000047;
	s6 =	smul.u32 $0x280, s6;
	s9 =	sshrl.u32 s30, $0x1  }
0xa: {  	s7 =	sshrl.u32 s7, $0x2;
	s5 =	sadd.s32 s8, s2;
	s12 =	ssub.s32 s30, s9  }
0xb: {  	s31 =	sadd.s32 s7, s2;
	s11 =	sadd.s32 s8, s11;
	s4 =	sadd.s32 s6, s4  }
0xc: {  	s6 =	sadd.s32 $0x800, s31;
	s7 =	sadd.s32 $0x1000, s31;
	s8 =	sadd.s32 $0x1800, s31  }
0xd: {  	s11 =	sshrl.u32 s11, $0x3;
	s9 =	sadd.s32 $0x2000, s31;
	s4 =	sadd.s32 $0x1600, s4  }
0xe: {  	v0 =	vimm.f32 $0.0e+00;
	v1 =	vimm.f32 $1.000000000e+00;
	s10 =	sadd.s32 s10, s11;
	s11 =	smax.u32 s12, $0x1;
	s12 =	simm.s32 $0x1400  }
.LBB2_1:
0xf: {  	[tilespmem:s3], [sflag:$0x1] =	stream.linear.gather [hbm4b:s4+s3], $0x1400, $0x38;
	[tilespmem:$0x8400] =	vst v63  }
0x10: {  	s18 =	simm.s32 $0x40;
	s19 =	simm.s32 $0x0  }
.LBB2_2:
0x11: {  	p0 =	sne.s32 s18, $0x1FC0;
	[tilespmem:s19+$0x1400] =	vst v0;
	s19 =	smov.u32 s18;
	s18 =	sadd.s32 $0x40, s18  }
.Ltmp0:
0x12: {  	(pc) =	sbr.rel @p0 .LBB2_2-.Ltmp0, $2  }
0x13: {  	_ =	sdelay $0x2  }
0x14: {  	s19 =	sshra.s32 s19, $0x2  }
0x15: {  	[tilespmem:s19+$0x1400] =	vst v0  }
0x16: {  	[spmem:s5] =	stream.linear.scatter [tilespmem:s12], [sflag:$0x5], $0x800, $0x38;
	[tilespmem:$0x8400] =	vst v63  }
0x17: {  	_ =	swait.ge [sflag:s13], $0x800  }
0x18: {  	[sflag:s13] =	ssyncset.done $0x0  }
0x19: {  	[sflag:s13] =	ssyncadd.s32 $0xFFFFF800  }
0x1a: {  	[spmem:s6] =	stream.linear.scatter [tilespmem:s12], [sflag:$0x5], $0x800, $0x38;
	[tilespmem:$0x8400] =	vst v63  }
0x1b: {  	_ =	swait.ge [sflag:s13], $0x800  }
0x1c: {  	[sflag:s13] =	ssyncset.done $0x0  }
0x1d: {  	[sflag:s13] =	ssyncadd.s32 $0xFFFFF800  }
0x1e: {  	[spmem:s7] =	stream.linear.scatter [tilespmem:s12], [sflag:$0x5], $0x800, $0x38;
	[tilespmem:$0x8400] =	vst v63  }
0x1f: {  	_ =	swait.ge [sflag:s13], $0x800  }
0x20: {  	[sflag:s13] =	ssyncset.done $0x0  }
0x21: {  	[sflag:s13] =	ssyncadd.s32 $0xFFFFF800  }
0x22: {  	[spmem:s8] =	stream.linear.scatter [tilespmem:s12], [sflag:$0x5], $0x800, $0x38;
	[tilespmem:$0x8400] =	vst v63  }
0x23: {  	_ =	swait.ge [sflag:s13], $0x800  }
0x24: {  	[sflag:s13] =	ssyncset.done $0x0  }
0x25: {  	[sflag:s13] =	ssyncadd.s32 $0xFFFFF800  }
0x26: {  	[spmem:s9] =	stream.linear.scatter [tilespmem:s12], [sflag:$0x5], $0x800, $0x38;
	[tilespmem:$0x8400] =	vst v63  }
0x27: {  	_ =	swait.ge [sflag:s13], $0x800  }
0x28: {  	[sflag:s13] =	ssyncset.done $0x0  }
0x29: {  	[sflag:s13] =	ssyncadd.s32 $0xFFFFF800  }
0x2a: {  	_ =	swait.ge [sflag:s14], $0x1400  }
0x2b: {  	[sflag:s14] =	ssyncset.done $0x0  }
0x2c: {  	[sflag:s14] =	ssyncadd.s32 $0xFFFFEC00  }
0x2d: {  	s18 =	simm.s32 $0x40;
	s19 =	simm.s32 $0x0;
	[bflag:$0x0] =	sbarrier.arrive $0xFFFF  }
.LBB2_4:
0x2e: {  	p0 =	sne.s32 s18, $0x1FC0;
	[tilespmem:s19+$0x1400] =	vst v1;
	s19 =	smov.u32 s18;
	s18 =	sadd.s32 $0x40, s18  }
.Ltmp1:
0x2f: {  	(pc) =	sbr.rel @p0 .LBB2_4-.Ltmp1, $2  }
0x30: {  	_ =	sdelay $0x2  }
0x31: {  	s19 =	sshra.s32 s19, $0x2  }
0x32: {  	[tilespmem:s19+$0x1400] =	vst v1;
	s18 =	simm.s32 $0x0  }
0x33: {  	[spmem:s2] =	stream.indirect.scatter.add.f32 [tilespmem:s12], [sflag:$0x5], $0x10, s18, s15, $0xb8;
	[tilespmem:$0x8400] =	vst v63  }
0x34: {  	_ =	swait.ge [sflag:s13], $0x800  }
0x35: {  	s18 =	simm.s32 $0x200;
	[sflag:s13] =	ssyncset.done $0x0  }
.LBB2_6:
0x36: {  	s19 =	sshra.s32 s18, $0x2;
	[sflag:s13] =	ssyncadd.s32 $0xFFFFF800;
	p0 =	sne.s32 s18, $0x4E00  }
0x37: {  	[spmem:s2] =	stream.indirect.scatter.add.f32 [tilespmem:s12], [sflag:$0x5], $0x10, s19, s15, $0xb8;
	[tilespmem:$0x8400] =	vst v63  }
.Ltmp2:
0x38: {  	_ = 	snop;
	(pc) =	sbr.rel @p0 .LBB2_6-.Ltmp2, $4  }
0x39: {  	_ = 	snop  }
0x3a: {  	s18 =	sadd.s32 $0x200, s18  }
0x3b: {  	_ =	swait.ge [sflag:s13], $0x800  }
0x3c: {  	[sflag:s13] =	ssyncset.done $0x0  }
0x3d: {  	[sflag:s13] =	ssyncadd.s32 $0xFFFFF800  }
0x3e: {  	[bflag:$0x0] =	sbarrier.arrive $0xFFFF  }
0x3f: {  	[tilespmem:s16], [sflag:$0x5] =	stream.linear.gather [spmem:s5], $0x2800, $0x38;
	[tilespmem:$0x8400] =	vst v63  }
0x40: {  	s17 =	sadd.s32 $0x1, s17;
	_ =	swait.ge [sflag:s13], $0x2800  }
0x41: {  	p0 =	sne.s32 s17, s11;
	[sflag:s13] =	ssyncset.done $0x0  }
.Ltmp3:
0x42: {  	[sflag:s13] =	ssyncadd.s32 $0xFFFFD800;
	(pc) =	sbr.rel @p0 .LBB2_1-.Ltmp3, $4  }
0x43: {  	[hbm4b:s10+s3] =	stream.linear.scatter [tilespmem:s16], [sflag:$0x5], $0x2800, $0x38;
	[tilespmem:$0x8400] =	vst v63  }
0x44: {  	_ =	swait.ge [sflag:s13], $0x2800  }
0x45: {  	[sflag:s13] =	ssyncset.done $0x0  }
0x46: {  	[sflag:s13] =	ssyncadd.s32 $0xFFFFD800  }
0x47: {  	_ =	sfence.sel $0x180000  }
0x48: {  	[bflag:$0x0] =	sbarrier.arrive $0xFFFF  }
0x49: {  	p0 =	sne.s32 s0, $0x0;
	_ =	strace $0x90000047  }
0x4a: {  	s0 =	sadd.s32 @!p0 $0x100000, s1;
	[bflag:$0x2] =	sbarrier.arrive $0xFFFF  }
0x4b: {  	[sflag:s0] =	ssyncadd.tile.s32 @!p0 $0x1;
	_ =	shalt  }
.Lfunc_end2:
_tile_overlayer_lowered:
.L_overlay_start_2:
0x4c: {  	(tag) =	ssettag $0x2  }
0x4d: {  	s0 =	rddreg [dreg:$0x0];
	s2 =	stileid.u32  }
0x4e: {  	s1 =	rddreg [dreg:$0x1];
	p0 =	sne.s32 s2, $0x0  }
0x4f: {  	s3 =	rddreg [dreg:$0x2];
	[bflag:$0x3] =	sbarrier.arrive $0xFFFF;
	s2 =	simm.s32 @!p0 $0x1C05  }
0x50: {  	[timem:s3], [sflag:s2] =	dma.local @!p0 [hbm:s0], s1  }
0x51: {  	s0 =	simm.s32 @!p0 $0x5  }
0x52: {  	_ =	swait.ge @!p0 [sflag:s0], s1  }
0x53: {  	s1 =	ssub.s32 @!p0 $0x0, s1;
	[sflag:s0] =	ssyncset.done @!p0 $0x0  }
0x54: {  	[sflag:s0] =	ssyncadd.s32 @!p0 s1  }
0x55: {  	[bflag:$0x3] =	sbarrier.arrive $0xFFFF  }
0x56: {  	_ =	shalt  }

</sc_bundles>
